<compile_context>
chip_gen: v7x
topology: tpu7x:2x2x1
jax: 0.10.2.dev20260603
libtpu: 0.0.44.dev20260713+nightly
codegen_flags: <defaults>
</compile_context>

<pallas_src>
import dataclasses
import functools

import jax
import jax.numpy as jnp
from jax import lax
from jax.experimental import pallas as pl
from jax.experimental.pallas import tpu as pltpu
from jax.experimental.pallas import tpu_sc as plsc

_N = 10000
_E = 320000
_F_IN = 128
_HID = 256
_NCLASS = 64

_NC = 2
_NS = 16
_NW = _NC * _NS
_EDGES_PER_W = _E // _NW
_ROWS_PER_S = _N // _NS
_CHUNK = 80
_DEG_CHUNK = 2000
_NPAD = 10240


def _sc_mesh():
    return plsc.VectorSubcoreMesh(core_axis_name="c", subcore_axis_name="s")


def _sc_params():
    cp = pltpu.CompilerParams()
    if "needs_layout_passes" in pltpu.CompilerParams.__dataclass_fields__:
        cp = dataclasses.replace(cp, needs_layout_passes=False)
    if "use_tc_tiling_on_sc" in pltpu.CompilerParams.__dataclass_fields__:
        cp = dataclasses.replace(cp, use_tc_tiling_on_sc=False)
    return cp


@functools.cache
def _get_deg_kernel():
    return pl.kernel(
        _deg_body,
        mesh=_sc_mesh(),
        compiler_params=_sc_params(),
        out_type=jax.ShapeDtypeStruct((_NW * _NPAD,), jnp.float32),
        scratch_types=[
            pltpu.VMEM((_DEG_CHUNK,), jnp.int32),
            pltpu.VMEM((_DEG_CHUNK,), jnp.float32),
            pltpu.VMEM((_NPAD,), jnp.float32),
        ],
    )


def _deg_body(col_hbm, ew_hbm, out_hbm, col_v, ew_v, deg_v):
    cid = lax.axis_index("c")
    sid = lax.axis_index("s")
    wid = sid * _NC + cid
    zero = jnp.zeros((16,), jnp.float32)

    @pl.loop(0, _NPAD, step=16)
    def _(i):
        deg_v[pl.ds(i, 16)] = zero

    base = wid * _EDGES_PER_W

    @pl.loop(0, _EDGES_PER_W, step=_DEG_CHUNK)
    def _(k):
        pltpu.sync_copy(col_hbm.at[pl.ds(base + k, _DEG_CHUNK)], col_v)
        pltpu.sync_copy(ew_hbm.at[pl.ds(base + k, _DEG_CHUNK)], ew_v)

        @pl.loop(0, _DEG_CHUNK, step=16)
        def _(i):
            idx = col_v[pl.ds(i, 16)]
            val = ew_v[pl.ds(i, 16)]
            plsc.addupdate_scatter(deg_v, [idx], val)

    pltpu.sync_copy(deg_v, out_hbm.at[pl.ds(wid * _NPAD, _NPAD)])


@functools.cache
def _make_prop(F):
    n_full_chunks = (_EDGES_PER_W // _CHUNK) & ~1
    tail = _EDGES_PER_W - n_full_chunks * _CHUNK
    assert 0 < tail <= _CHUNK

    def _prop(v_hbm, row_hbm, col_hbm, ew_hbm, out_hbm,
              row_v, col_v, ew_v, buf_a, buf_b,
              sem_a, sem_b, ssem_a, ssem_b, acc):
        cid = lax.axis_index("c")
        sid = lax.axis_index("s")
        wid = sid * _NC + cid
        zero = jnp.zeros((16,), jnp.float32)
        base = wid * _EDGES_PER_W

        pltpu.sync_copy(row_hbm.at[pl.ds(base, _EDGES_PER_W)], row_v)
        pltpu.sync_copy(col_hbm.at[pl.ds(base, _EDGES_PER_W)], col_v)
        pltpu.sync_copy(ew_hbm.at[pl.ds(base, _EDGES_PER_W)], ew_v)

        @pl.loop(0, _CHUNK)
        def _(e):
            for j in range(0, F, 16):
                buf_a[e, pl.ds(j, 16)] = zero

        r0 = sid * _ROWS_PER_S
        n_zero = _ROWS_PER_S // _CHUNK
        rem = _ROWS_PER_S - n_zero * _CHUNK

        @pl.loop(0, n_zero)
        def _(t):
            pltpu.sync_copy(buf_a, acc.at[pl.ds(r0 + t * _CHUNK, _CHUNK)])

        if rem:
            pltpu.sync_copy(
                buf_a.at[pl.ds(0, rem)], acc.at[pl.ds(r0 + n_zero * _CHUNK, rem)]
            )
        plsc.subcore_barrier()

        def start_gather(k, bufref, sem, n=_CHUNK):
            pltpu.async_copy(
                v_hbm.at[row_v.at[pl.ds(k * _CHUNK, n)]],
                bufref.at[pl.ds(0, n)], sem)

        def wait_gather(bufref, sem, n=_CHUNK):
            pltpu.make_async_copy(
                v_hbm.at[row_v.at[pl.ds(0, n)]], bufref.at[pl.ds(0, n)],
                sem).wait()

        def scale(k, bufref, n=_CHUNK):
            @plsc.parallel_loop(0, n, unroll=4)
            def _(e):
                idx = jnp.full((16,), k * _CHUNK + e, jnp.int32)
                w = plsc.load_gather(ew_v, [idx])
                for j in range(0, F, 16):
                    bufref[e, pl.ds(j, 16)] = bufref[e, pl.ds(j, 16)] * w

        def start_scatter(k, bufref, ssem, n=_CHUNK):
            pltpu.async_copy(
                bufref.at[pl.ds(0, n)],
                acc.at[col_v.at[pl.ds(k * _CHUNK, n)]], ssem, add=True)

        def wait_scatter(bufref, ssem, n=_CHUNK):
            pltpu.make_async_copy(
                bufref.at[pl.ds(0, n)],
                acc.at[col_v.at[pl.ds(0, n)]], ssem).wait()

        start_gather(0, buf_a, sem_a)
        start_gather(1, buf_b, sem_b)

        @pl.loop(0, n_full_chunks, step=2)
        def _(k):
            wait_gather(buf_a, sem_a)
            scale(k, buf_a)
            start_scatter(k, buf_a, ssem_a)
            wait_gather(buf_b, sem_b)
            scale(k + 1, buf_b)
            start_scatter(k + 1, buf_b, ssem_b)
            wait_scatter(buf_a, ssem_a)

            @pl.when(k < n_full_chunks - 2)
            def _():
                start_gather(k + 2, buf_a, sem_a)
            wait_scatter(buf_b, ssem_b)

            @pl.when(k < n_full_chunks - 2)
            def _():
                start_gather(k + 3, buf_b, sem_b)

        if tail:
            start_gather(n_full_chunks, buf_a, sem_a, tail)
            wait_gather(buf_a, sem_a, tail)
            scale(n_full_chunks, buf_a, tail)
            start_scatter(n_full_chunks, buf_a, ssem_a, tail)
            wait_scatter(buf_a, ssem_a, tail)

        plsc.subcore_barrier()
        pltpu.sync_copy(
            acc.at[pl.ds(r0, _ROWS_PER_S)], out_hbm.at[cid, pl.ds(r0, _ROWS_PER_S)]
        )

    return pl.kernel(
        _prop,
        mesh=_sc_mesh(),
        compiler_params=_sc_params(),
        out_type=jax.ShapeDtypeStruct((_NC, _N, F), jnp.float32),
        scratch_types=[
            pltpu.VMEM((_EDGES_PER_W,), jnp.int32),
            pltpu.VMEM((_EDGES_PER_W,), jnp.int32),
            pltpu.VMEM((_EDGES_PER_W,), jnp.float32),
            pltpu.VMEM((_CHUNK, F), jnp.float32),
            pltpu.VMEM((_CHUNK, F), jnp.float32),
            pltpu.SemaphoreType.DMA,
            pltpu.SemaphoreType.DMA,
            pltpu.SemaphoreType.DMA,
            pltpu.SemaphoreType.DMA,
            pltpu.VMEM_SHARED((_N, F), jnp.float32),
        ],
    )




def _dis_body(degp_ref, out_ref):
    deg = jnp.sum(degp_ref[...], axis=0, keepdims=True) + 1.0
    out_ref[...] = lax.rsqrt(deg)


def _prescale_body(x_ref, dis_ref, y_ref):
    y_ref[...] = dis_ref[...] * x_ref[...]


def _mid_body(agg_ref, y_ref, dis_ref, w1_ref, b1_ref, w2_ref, z_ref):
    d = dis_ref[...]
    p = d * (agg_ref[0] + agg_ref[1] + y_ref[...])
    h = jnp.dot(p, w1_ref[...], preferred_element_type=jnp.float32)
    h = jnp.maximum(h + b1_ref[...][None, :], 0.0)
    z = jnp.dot(h, w2_ref[...], preferred_element_type=jnp.float32)
    z_ref[...] = jnp.concatenate([d * z, jnp.zeros_like(z)], axis=1)


def _final_body(agg_ref, z_ref, dis_ref, b2_ref, f_ref, ls_ref):
    s64 = (slice(None), slice(0, _NCLASS))
    d = dis_ref[...]
    f = (
        d * (agg_ref[0][s64] + agg_ref[1][s64] + z_ref[...][s64])
        + b2_ref[...][None, :]
    )
    m = jnp.max(f, axis=1, keepdims=True)
    e = jnp.exp(f - m)
    s = jnp.sum(e, axis=1, keepdims=True)
    f_ref[...] = f
    ls_ref[...] = f - (m + jnp.log(s))


@jax.jit
def kernel(x, edge_index, edge_attr, W1, b1, W2, b2):
    row = edge_index[0]
    col = edge_index[1]
    ew = edge_attr

    degp = _get_deg_kernel()(col, ew).reshape(_NW, _NPAD)

    dis_row = pl.pallas_call(
        _dis_body,
        out_shape=jax.ShapeDtypeStruct((1, _NPAD), jnp.float32),
    )(degp)
    dis = dis_row[0, :_N].reshape(_N, 1)

    y1 = pl.pallas_call(
        _prescale_body,
        out_shape=jax.ShapeDtypeStruct((_N, _F_IN), jnp.float32),
    )(x, dis)

    agg1 = _make_prop(_F_IN)(y1, row, col, ew)

    zp = pl.pallas_call(
        _mid_body,
        out_shape=jax.ShapeDtypeStruct((_N, 2 * _NCLASS), jnp.float32),
    )(agg1, y1, dis, W1, b1, W2)

    agg2 = _make_prop(_F_IN)(zp, row, col, ew)

    final, ls = pl.pallas_call(
        _final_body,
        out_shape=(
            jax.ShapeDtypeStruct((_N, _NCLASS), jnp.float32),
            jax.ShapeDtypeStruct((_N, _NCLASS), jnp.float32),
        ),
    )(agg2, zp, dis, b2)
    return final, ls

# --- scband reference (transcript-rebuilt; emitter-appended) ---
"""Pipeline reference for scband-gcn-75273596830283 (READ-ONLY COPY).

The authoritative reference and input builder live on the scoring server;
editing this copy changes nothing except your own understanding.
"""

import jax, jax.numpy as jnp
import numpy as np

N = 10000
E = 320000
F_IN = 128
HID = 256
NCLASS = 64


def setup_inputs(seed: int = 0) -> dict:
    key = jax.random.key(seed)
    ks = jax.random.split(key, 6)
    x = jax.random.normal(ks[0], (N, F_IN), dtype=jnp.float32)
    edge_index = jax.random.randint(ks[1], (2, E), 0, N, dtype=jnp.int32)
    edge_attr = jax.random.uniform(ks[2], (E,), dtype=jnp.float32)
    W1 = jax.random.normal(ks[3], (F_IN, HID), dtype=jnp.float32) * (1.0 / np.sqrt(F_IN))
    b1 = jnp.zeros((HID,), dtype=jnp.float32)
    W2 = jax.random.normal(ks[4], (HID, NCLASS), dtype=jnp.float32) * (1.0 / np.sqrt(HID))
    b2 = jnp.zeros((NCLASS,), dtype=jnp.float32)
    return {"x": x, "edge_index": edge_index, "edge_attr": edge_attr,
            "W1": W1, "b1": b1, "W2": W2, "b2": b2}


def gcn_norm(edge_index, edge_weight, num_nodes):
    # symmetric GCN normalization with added self-loops (fill value 1.0),
    # matching torch_geometric.nn.conv.gcn_conv.gcn_norm
    row = edge_index[0]
    col = edge_index[1]
    loop = jnp.arange(num_nodes, dtype=row.dtype)
    row = jnp.concatenate([row, loop])
    col = jnp.concatenate([col, loop])
    ew = jnp.concatenate([edge_weight, jnp.ones((num_nodes,), dtype=edge_weight.dtype)])
    deg = jnp.zeros((num_nodes,), dtype=ew.dtype).at[col].add(ew)
    deg_inv_sqrt = jnp.where(deg > 0, deg ** -0.5, 0.0)
    norm = deg_inv_sqrt[row] * ew * deg_inv_sqrt[col]
    return row, col, norm


def gcn_conv(x, row, col, norm, W, b):
    h = x @ W
    msgs = jnp.take(h, row, axis=0) * norm[:, None]
    out = jnp.zeros((x.shape[0], W.shape[1]), dtype=h.dtype).at[col].add(msgs)
    return out + b


def reference(x, edge_index, edge_attr, W1, b1, W2, b2):
    # cached=True -> normalization computed once and reused by both layers
    row, col, norm = gcn_norm(edge_index, edge_attr, x.shape[0])
    h1 = jax.nn.relu(gcn_conv(x, row, col, norm, W1, b1))
    # F.dropout(training=self.training): evaluated in eval mode -> identity
    final = gcn_conv(h1, row, col, norm, W2, b2)
    return final, jax.nn.log_softmax(final, axis=1)

if __name__ == "__main__":
    import jax
    _d = setup_inputs()
    print(jax.jit(kernel)(*tuple(_d.values())))

</pallas_src>

<mosaic_0001>
#map = affine_map<(d0, d1) -> (0, 0)>
#map1 = affine_map<(d0, d1) -> (0)>
#map2 = affine_map<(d0, d1) -> (0, 0, 0)>
module attributes {stable_mosaic.version = 14 : i64} {
  func.func @_prop(%arg0: i32, %arg1: i32, %arg2: memref<10000x128xf32, #tpu.memory_space<hbm>>, %arg3: memref<320000xi32, #tpu.memory_space<hbm>>, %arg4: memref<320000xi32, #tpu.memory_space<hbm>>, %arg5: memref<320000xf32, #tpu.memory_space<hbm>>, %arg6: memref<2x10000x128xf32, #tpu.memory_space<hbm>>, %arg7: memref<10000xi32, #tpu.memory_space<vmem>>, %arg8: memref<10000xi32, #tpu.memory_space<vmem>>, %arg9: memref<10000xf32, #tpu.memory_space<vmem>>, %arg10: memref<80x128xf32, #tpu.memory_space<vmem>>, %arg11: memref<80x128xf32, #tpu.memory_space<vmem>>, %arg12: memref<!tpu.dma_semaphore, #tpu.memory_space<semaphore_mem>>, %arg13: memref<!tpu.dma_semaphore, #tpu.memory_space<semaphore_mem>>, %arg14: memref<!tpu.dma_semaphore, #tpu.memory_space<semaphore_mem>>, %arg15: memref<!tpu.dma_semaphore, #tpu.memory_space<semaphore_mem>>, %arg16: memref<10000x128xf32, #tpu.memory_space<vmem_shared>>) attributes {dimension_semantics = [#tpu.dimension_semantics<core_parallel>, #tpu.dimension_semantics<subcore_parallel>], iteration_bounds = array<i64: 2, 16>, scalar_prefetch = 0 : i64, scratch_operands = 10 : i64, tpu.core_type = #tpu.core_type<sc_vector_subcore>, window_params = [{transform_indices = #map}, {transform_indices = #map1}, {transform_indices = #map1}, {transform_indices = #map1}, {transform_indices = #map2}]} {
    %mul3A = arith.constant 2 : i32
    %mul3A_0 = arith.muli %arg1, %mul3A : i32
    %add3A = arith.addi %mul3A_0, %arg0 : i32
    %broadcast_in_dim3A = arith.constant 0.000000e+00 : f32
    %broadcast_in_dim3A_1 = vector.broadcast %broadcast_in_dim3A : f32 to vector<16xf32>
    %mul3A_2 = arith.constant 10000 : i32
    %mul3A_3 = arith.muli %add3A, %mul3A_2 : i32
    "tpu.region"() ({
      %run_scoped3A = tpu.sem_alloc : memref<!tpu.dma_semaphore, #tpu.memory_space<semaphore_mem>>
      %dma_start3A_71 = tpu.memref_slice %arg3[%mul3A_3] : memref<320000xi32, #tpu.memory_space<hbm>> -> memref<10000xi32, #tpu.memory_space<hbm>>
      %dma_start3A_72 = tpu.memref_slice %arg3[%mul3A_3] : memref<320000xi32, #tpu.memory_space<hbm>> -> memref<10000xi32, #tpu.memory_space<hbm>>
      tpu.enqueue_dma source(%dma_start3A_72 : memref<10000xi32, #tpu.memory_space<hbm>>) target(%arg7 : memref<10000xi32, #tpu.memory_space<vmem>>) target_semaphore(%run_scoped3A : memref<!tpu.dma_semaphore, #tpu.memory_space<semaphore_mem>>)
      %dma_wait3A_73 = tpu.memref_slice %arg3[%mul3A_3] : memref<320000xi32, #tpu.memory_space<hbm>> -> memref<10000xi32, #tpu.memory_space<hbm>>
      %dma_wait3A_74 = tpu.memref_slice %arg3[%mul3A_3] : memref<320000xi32, #tpu.memory_space<hbm>> -> memref<10000xi32, #tpu.memory_space<hbm>>
      tpu.wait_dma2 semaphore(%run_scoped3A : memref<!tpu.dma_semaphore, #tpu.memory_space<semaphore_mem>>) src(%dma_wait3A_74 : memref<10000xi32, #tpu.memory_space<hbm>>) dst(%arg7 : memref<10000xi32, #tpu.memory_space<vmem>>)
      tpu.yield
    }) : () -> ()
    "tpu.region"() ({
      %run_scoped3A = tpu.sem_alloc : memref<!tpu.dma_semaphore, #tpu.memory_space<semaphore_mem>>
      %dma_start3A_71 = tpu.memref_slice %arg4[%mul3A_3] : memref<320000xi32, #tpu.memory_space<hbm>> -> memref<10000xi32, #tpu.memory_space<hbm>>
      %dma_start3A_72 = tpu.memref_slice %arg4[%mul3A_3] : memref<320000xi32, #tpu.memory_space<hbm>> -> memref<10000xi32, #tpu.memory_space<hbm>>
      tpu.enqueue_dma source(%dma_start3A_72 : memref<10000xi32, #tpu.memory_space<hbm>>) target(%arg8 : memref<10000xi32, #tpu.memory_space<vmem>>) target_semaphore(%run_scoped3A : memref<!tpu.dma_semaphore, #tpu.memory_space<semaphore_mem>>)
      %dma_wait3A_73 = tpu.memref_slice %arg4[%mul3A_3] : memref<320000xi32, #tpu.memory_space<hbm>> -> memref<10000xi32, #tpu.memory_space<hbm>>
      %dma_wait3A_74 = tpu.memref_slice %arg4[%mul3A_3] : memref<320000xi32, #tpu.memory_space<hbm>> -> memref<10000xi32, #tpu.memory_space<hbm>>
      tpu.wait_dma2 semaphore(%run_scoped3A : memref<!tpu.dma_semaphore, #tpu.memory_space<semaphore_mem>>) src(%dma_wait3A_74 : memref<10000xi32, #tpu.memory_space<hbm>>) dst(%arg8 : memref<10000xi32, #tpu.memory_space<vmem>>)
      tpu.yield
    }) : () -> ()
    "tpu.region"() ({
      %run_scoped3A = tpu.sem_alloc : memref<!tpu.dma_semaphore, #tpu.memory_space<semaphore_mem>>
      %dma_start3A_71 = tpu.memref_slice %arg5[%mul3A_3] : memref<320000xf32, #tpu.memory_space<hbm>> -> memref<10000xf32, #tpu.memory_space<hbm>>
      %dma_start3A_72 = tpu.memref_slice %arg5[%mul3A_3] : memref<320000xf32, #tpu.memory_space<hbm>> -> memref<10000xf32, #tpu.memory_space<hbm>>
      tpu.enqueue_dma source(%dma_start3A_72 : memref<10000xf32, #tpu.memory_space<hbm>>) target(%arg9 : memref<10000xf32, #tpu.memory_space<vmem>>) target_semaphore(%run_scoped3A : memref<!tpu.dma_semaphore, #tpu.memory_space<semaphore_mem>>)
      %dma_wait3A_73 = tpu.memref_slice %arg5[%mul3A_3] : memref<320000xf32, #tpu.memory_space<hbm>> -> memref<10000xf32, #tpu.memory_space<hbm>>
      %dma_wait3A_74 = tpu.memref_slice %arg5[%mul3A_3] : memref<320000xf32, #tpu.memory_space<hbm>> -> memref<10000xf32, #tpu.memory_space<hbm>>
      tpu.wait_dma2 semaphore(%run_scoped3A : memref<!tpu.dma_semaphore, #tpu.memory_space<semaphore_mem>>) src(%dma_wait3A_74 : memref<10000xf32, #tpu.memory_space<hbm>>) dst(%arg9 : memref<10000xf32, #tpu.memory_space<vmem>>)
      tpu.yield
    }) : () -> ()
    %scan3A = arith.constant 0 : i32
    %scan3A_4 = arith.constant 80 : i32
    %scan3A_5 = arith.addi %scan3A, %scan3A_4 : i32
    %scan3A_6 = arith.constant 1 : i32
    scf.for %scan3A_71 = %scan3A to %scan3A_5 step %scan3A_6  : i32 {
      %mul3A_72 = arith.constant 1 : i32
      %mul3A_73 = arith.muli %scan3A_71, %mul3A_72 : i32
      %add3A_74 = arith.constant 0 : i32
      %add3A_75 = arith.addi %add3A_74, %mul3A_73 : i32
      %swap3A = arith.index_cast %add3A_75 : i32 to index
      %swap3A_76 = arith.constant 0 : index
      %swap3A_77 = tpu.vector_load %arg10[%swap3A, %swap3A_76] {strides = array<i32>} : memref<80x128xf32, #tpu.memory_space<vmem>>, vector<16xf32>,
      tpu.vector_store %arg10[%swap3A, %swap3A_76], %broadcast_in_dim3A_1 {strides = array<i32>} : memref<80x128xf32, #tpu.memory_space<vmem>>, vector<16xf32>,
      %swap3A_78 = arith.index_cast %add3A_75 : i32 to index
      %swap3A_79 = arith.constant 16 : index
      %swap3A_80 = tpu.vector_load %arg10[%swap3A_78, %swap3A_79] {strides = array<i32>} : memref<80x128xf32, #tpu.memory_space<vmem>>, vector<16xf32>,
      tpu.vector_store %arg10[%swap3A_78, %swap3A_79], %broadcast_in_dim3A_1 {strides = array<i32>} : memref<80x128xf32, #tpu.memory_space<vmem>>, vector<16xf32>,
      %swap3A_81 = arith.index_cast %add3A_75 : i32 to index
      %swap3A_82 = arith.constant 32 : index
      %swap3A_83 = tpu.vector_load %arg10[%swap3A_81, %swap3A_82] {strides = array<i32>} : memref<80x128xf32, #tpu.memory_space<vmem>>, vector<16xf32>,
      tpu.vector_store %arg10[%swap3A_81, %swap3A_82], %broadcast_in_dim3A_1 {strides = array<i32>} : memref<80x128xf32, #tpu.memory_space<vmem>>, vector<16xf32>,
      %swap3A_84 = arith.index_cast %add3A_75 : i32 to index
      %swap3A_85 = arith.constant 48 : index
      %swap3A_86 = tpu.vector_load %arg10[%swap3A_84, %swap3A_85] {strides = array<i32>} : memref<80x128xf32, #tpu.memory_space<vmem>>, vector<16xf32>,
      tpu.vector_store %arg10[%swap3A_84, %swap3A_85], %broadcast_in_dim3A_1 {strides = array<i32>} : memref<80x128xf32, #tpu.memory_space<vmem>>, vector<16xf32>,
      %swap3A_87 = arith.index_cast %add3A_75 : i32 to index
      %swap3A_88 = arith.constant 64 : index
      %swap3A_89 = tpu.vector_load %arg10[%swap3A_87, %swap3A_88] {strides = array<i32>} : memref<80x128xf32, #tpu.memory_space<vmem>>, vector<16xf32>,
      tpu.vector_store %arg10[%swap3A_87, %swap3A_88], %broadcast_in_dim3A_1 {strides = array<i32>} : memref<80x128xf32, #tpu.memory_space<vmem>>, vector<16xf32>,
      %swap3A_90 = arith.index_cast %add3A_75 : i32 to index
      %swap3A_91 = arith.constant 80 : index
      %swap3A_92 = tpu.vector_load %arg10[%swap3A_90, %swap3A_91] {strides = array<i32>} : memref<80x128xf32, #tpu.memory_space<vmem>>, vector<16xf32>,
      tpu.vector_store %arg10[%swap3A_90, %swap3A_91], %broadcast_in_dim3A_1 {strides = array<i32>} : memref<80x128xf32, #tpu.memory_space<vmem>>, vector<16xf32>,
      %swap3A_93 = arith.index_cast %add3A_75 : i32 to index
      %swap3A_94 = arith.constant 96 : index
      %swap3A_95 = tpu.vector_load %arg10[%swap3A_93, %swap3A_94] {strides = array<i32>} : memref<80x128xf32, #tpu.memory_space<vmem>>, vector<16xf32>,
      tpu.vector_store %arg10[%swap3A_93, %swap3A_94], %broadcast_in_dim3A_1 {strides = array<i32>} : memref<80x128xf32, #tpu.memory_space<vmem>>, vector<16xf32>,
      %swap3A_96 = arith.index_cast %add3A_75 : i32 to index
      %swap3A_97 = arith.constant 112 : index
      %swap3A_98 = tpu.vector_load %arg10[%swap3A_96, %swap3A_97] {strides = array<i32>} : memref<80x128xf32, #tpu.memory_space<vmem>>, vector<16xf32>,
      tpu.vector_store %arg10[%swap3A_96, %swap3A_97], %broadcast_in_dim3A_1 {strides = array<i32>} : memref<80x128xf32, #tpu.memory_space<vmem>>, vector<16xf32>,
    }
    %scan3A_7 = arith.constant 80 : i32
    %mul3A_8 = arith.constant 625 : i32
    %mul3A_9 = arith.muli %arg1, %mul3A_8 : i32
    %scan3A_10 = arith.constant 0 : i32
    %scan3A_11 = arith.constant 7 : i32
    %scan3A_12 = arith.addi %scan3A_10, %scan3A_11 : i32
    %scan3A_13 = arith.constant 1 : i32
    scf.for %scan3A_71 = %scan3A_10 to %scan3A_12 step %scan3A_13  : i32 {
      %mul3A_72 = arith.constant 1 : i32
      %mul3A_73 = arith.muli %scan3A_71, %mul3A_72 : i32
      %add3A_74 = arith.constant 0 : i32
      %add3A_75 = arith.addi %add3A_74, %mul3A_73 : i32
      %mul3A_76 = arith.constant 80 : i32
      %mul3A_77 = arith.muli %add3A_75, %mul3A_76 : i32
      %add3A_78 = arith.addi %mul3A_9, %mul3A_77 : i32
      "tpu.region"() ({
        %run_scoped3A = tpu.sem_alloc : memref<!tpu.dma_semaphore, #tpu.memory_space<semaphore_mem>>
        %dma_start3A_79 = arith.constant 0 : i32
        %dma_start3A_80 = tpu.memref_slice %arg16[%add3A_78, %dma_start3A_79] : memref<10000x128xf32, #tpu.memory_space<vmem_shared>> -> memref<80x128xf32, #tpu.memory_space<vmem_shared>>
        %dma_start3A_81 = arith.constant 0 : i32
        %dma_start3A_82 = tpu.memref_slice %arg16[%add3A_78, %dma_start3A_81] : memref<10000x128xf32, #tpu.memory_space<vmem_shared>> -> memref<80x128xf32, #tpu.memory_space<vmem_shared>>
        tpu.enqueue_dma source(%arg10 : memref<80x128xf32, #tpu.memory_space<vmem>>) target(%dma_start3A_82 : memref<80x128xf32, #tpu.memory_space<vmem_shared>>) target_semaphore(%run_scoped3A : memref<!tpu.dma_semaphore, #tpu.memory_space<semaphore_mem>>)
        %dma_wait3A_83 = arith.constant 0 : i32
        %dma_wait3A_84 = tpu.memref_slice %arg16[%add3A_78, %dma_wait3A_83] : memref<10000x128xf32, #tpu.memory_space<vmem_shared>> -> memref<80x128xf32, #tpu.memory_space<vmem_shared>>
        %dma_wait3A_85 = arith.constant 0 : i32
        %dma_wait3A_86 = tpu.memref_slice %arg16[%add3A_78, %dma_wait3A_85] : memref<10000x128xf32, #tpu.memory_space<vmem_shared>> -> memref<80x128xf32, #tpu.memory_space<vmem_shared>>
        tpu.wait_dma2 semaphore(%run_scoped3A : memref<!tpu.dma_semaphore, #tpu.memory_space<semaphore_mem>>) src(%arg10 : memref<80x128xf32, #tpu.memory_space<vmem>>) dst(%dma_wait3A_86 : memref<80x128xf32, #tpu.memory_space<vmem_shared>>)
        tpu.yield
      }) : () -> ()
    }
    %scan3A_14 = arith.constant 7 : i32
    %add3A_15 = arith.constant 560 : i32
    %add3A_16 = arith.addi %mul3A_9, %add3A_15 : i32
    "tpu.region"() ({
      %run_scoped3A = tpu.sem_alloc : memref<!tpu.dma_semaphore, #tpu.memory_space<semaphore_mem>>
      %dma_start3A_71 = arith.constant 0 : i32
      %dma_start3A_72 = arith.constant 0 : i32
      %dma_start3A_73 = tpu.memref_slice %arg10[%dma_start3A_71, %dma_start3A_72] : memref<80x128xf32, #tpu.memory_space<vmem>> -> memref<65x128xf32, #tpu.memory_space<vmem>>
      %dma_start3A_74 = arith.constant 0 : i32
      %dma_start3A_75 = tpu.memref_slice %arg16[%add3A_16, %dma_start3A_74] : memref<10000x128xf32, #tpu.memory_space<vmem_shared>> -> memref<65x128xf32, #tpu.memory_space<vmem_shared>>
      %dma_start3A_76 = arith.constant 0 : i32
      %dma_start3A_77 = tpu.memref_slice %arg16[%add3A_16, %dma_start3A_76] : memref<10000x128xf32, #tpu.memory_space<vmem_shared>> -> memref<65x128xf32, #tpu.memory_space<vmem_shared>>
      %dma_start3A_78 = arith.constant 0 : i32
      %dma_start3A_79 = arith.constant 0 : i32
      %dma_start3A_80 = tpu.memref_slice %arg10[%dma_start3A_78, %dma_start3A_79] : memref<80x128xf32, #tpu.memory_space<vmem>> -> memref<65x128xf32, #tpu.memory_space<vmem>>
      tpu.enqueue_dma source(%dma_start3A_80 : memref<65x128xf32, #tpu.memory_space<vmem>>) target(%dma_start3A_77 : memref<65x128xf32, #tpu.memory_space<vmem_shared>>) target_semaphore(%run_scoped3A : memref<!tpu.dma_semaphore, #tpu.memory_space<semaphore_mem>>)
      %dma_wait3A_81 = arith.constant 0 : i32
      %dma_wait3A_82 = arith.constant 0 : i32
      %dma_wait3A_83 = tpu.memref_slice %arg10[%dma_wait3A_81, %dma_wait3A_82] : memref<80x128xf32, #tpu.memory_space<vmem>> -> memref<65x128xf32, #tpu.memory_space<vmem>>
      %dma_wait3A_84 = arith.constant 0 : i32
      %dma_wait3A_85 = tpu.memref_slice %arg16[%add3A_16, %dma_wait3A_84] : memref<10000x128xf32, #tpu.memory_space<vmem_shared>> -> memref<65x128xf32, #tpu.memory_space<vmem_shared>>
      %dma_wait3A_86 = arith.constant 0 : i32
      %dma_wait3A_87 = tpu.memref_slice %arg16[%add3A_16, %dma_wait3A_86] : memref<10000x128xf32, #tpu.memory_space<vmem_shared>> -> memref<65x128xf32, #tpu.memory_space<vmem_shared>>
      %dma_wait3A_88 = arith.constant 0 : i32
      %dma_wait3A_89 = arith.constant 0 : i32
      %dma_wait3A_90 = tpu.memref_slice %arg10[%dma_wait3A_88, %dma_wait3A_89] : memref<80x128xf32, #tpu.memory_space<vmem>> -> memref<65x128xf32, #tpu.memory_space<vmem>>
      tpu.wait_dma2 semaphore(%run_scoped3A : memref<!tpu.dma_semaphore, #tpu.memory_space<semaphore_mem>>) src(%dma_wait3A_90 : memref<65x128xf32, #tpu.memory_space<vmem>>) dst(%dma_wait3A_87 : memref<65x128xf32, #tpu.memory_space<vmem_shared>>)
      tpu.yield
    }) : () -> ()
    %barrier3A = arith.constant 0 : index
    tpu.barrier barrier_id(%barrier3A)
    %dma_start3A = arith.constant 0 : i32
    %dma_start3A_17 = arith.constant 0 : i32
    %dma_start3A_18 = tpu.memref_slice %arg10[%dma_start3A, %dma_start3A_17] : memref<80x128xf32, #tpu.memory_space<vmem>> -> memref<80x128xf32, #tpu.memory_space<vmem>>
    %dma_start3A_19 = arith.constant 0 : i32
    %dma_start3A_20 = tpu.memref_slice %arg7[%dma_start3A_19] : memref<10000xi32, #tpu.memory_space<vmem>> -> memref<80xi32, #tpu.memory_space<vmem>>
    %dma_start3A_21 = arith.constant 0 : i32
    %dma_start3A_22 = arith.constant 0 : i32
    %dma_start3A_23 = tpu.memref_slice %arg2[%dma_start3A_21, %dma_start3A_22] : memref<10000x128xf32, #tpu.memory_space<hbm>> -> memref<10000x128xf32, #tpu.memory_space<hbm>>
    tpu.enqueue_indirect_dma source(%dma_start3A_23 : memref<10000x128xf32, #tpu.memory_space<hbm>>) target(%dma_start3A_18 : memref<80x128xf32, #tpu.memory_space<vmem>>) offsets(%dma_start3A_20 : memref<80xi32, #tpu.memory_space<vmem>>) semaphore(%arg12 : memref<!tpu.dma_semaphore, #tpu.memory_space<semaphore_mem>>)
    %dma_start3A_24 = arith.constant 0 : i32
    %dma_start3A_25 = arith.constant 0 : i32
    %dma_start3A_26 = tpu.memref_slice %arg11[%dma_start3A_24, %dma_start3A_25] : memref<80x128xf32, #tpu.memory_space<vmem>> -> memref<80x128xf32, #tpu.memory_space<vmem>>
    %dma_start3A_27 = arith.constant 80 : i32
    %dma_start3A_28 = tpu.memref_slice %arg7[%dma_start3A_27] : memref<10000xi32, #tpu.memory_space<vmem>> -> memref<80xi32, #tpu.memory_space<vmem>>
    %dma_start3A_29 = arith.constant 0 : i32
    %dma_start3A_30 = arith.constant 0 : i32
    %dma_start3A_31 = tpu.memref_slice %arg2[%dma_start3A_29, %dma_start3A_30] : memref<10000x128xf32, #tpu.memory_space<hbm>> -> memref<10000x128xf32, #tpu.memory_space<hbm>>
    tpu.enqueue_indirect_dma source(%dma_start3A_31 : memref<10000x128xf32, #tpu.memory_space<hbm>>) target(%dma_start3A_26 : memref<80x128xf32, #tpu.memory_space<vmem>>) offsets(%dma_start3A_28 : memref<80xi32, #tpu.memory_space<vmem>>) semaphore(%arg13 : memref<!tpu.dma_semaphore, #tpu.memory_space<semaphore_mem>>)
    %scan3A_32 = arith.constant 0 : i32
    %scan3A_33 = arith.constant 62 : i32
    %scan3A_34 = arith.addi %scan3A_32, %scan3A_33 : i32
    %scan3A_35 = arith.constant 1 : i32
    scf.for %scan3A_71 = %scan3A_32 to %scan3A_34 step %scan3A_35  : i32 {
      %mul3A_72 = arith.constant 2 : i32
      %mul3A_73 = arith.muli %scan3A_71, %mul3A_72 : i32
      %add3A_74 = arith.constant 0 : i32
      %add3A_75 = arith.addi %add3A_74, %mul3A_73 : i32
      %dma_wait3A_76 = arith.constant 0 : i32
      %dma_wait3A_77 = arith.constant 0 : i32
      %dma_wait3A_78 = tpu.memref_slice %arg10[%dma_wait3A_76, %dma_wait3A_77] : memref<80x128xf32, #tpu.memory_space<vmem>> -> memref<80x128xf32, #tpu.memory_space<vmem>>
      %dma_wait3A_79 = arith.constant 0 : i32
      %dma_wait3A_80 = tpu.memref_slice %arg7[%dma_wait3A_79] : memref<10000xi32, #tpu.memory_space<vmem>> -> memref<80xi32, #tpu.memory_space<vmem>>
      %dma_wait3A_81 = arith.constant 0 : i32
      %dma_wait3A_82 = arith.constant 0 : i32
      %dma_wait3A_83 = tpu.memref_slice %arg2[%dma_wait3A_81, %dma_wait3A_82] : memref<10000x128xf32, #tpu.memory_space<hbm>> -> memref<10000x128xf32, #tpu.memory_space<hbm>>
      tpu.wait_indirect_dma semaphore(%arg12 : memref<!tpu.dma_semaphore, #tpu.memory_space<semaphore_mem>>) src(%dma_wait3A_83 : memref<10000x128xf32, #tpu.memory_space<hbm>>) dst(%dma_wait3A_78 : memref<80x128xf32, #tpu.memory_space<vmem>>)
      %parallel_loop3A_84 = arith.constant 0 : i32
      %parallel_loop3A_85 = arith.constant 80 : i32
      %parallel_loop3A_86 = arith.constant 1 : i32
      scf.for %parallel_loop3A_143 = %parallel_loop3A_84 to %parallel_loop3A_85 step %parallel_loop3A_86  : i32 {
        %parallel_loop3A_144 = arith.constant 80 : i32
        %parallel_loop3A_145 = arith.muli %add3A_75, %parallel_loop3A_144 : i32
        %parallel_loop3A_146 = arith.addi %parallel_loop3A_145, %parallel_loop3A_143 : i32
        %parallel_loop3A_147 = vector.broadcast %parallel_loop3A_146 : i32 to vector<16xi32>
        %parallel_loop3A_148 = tpu.vector_load_idx %arg9[%parallel_loop3A_147] : memref<10000xf32, #tpu.memory_space<vmem>>[vector<16xi32>], vector<16xf32>,
        %parallel_loop3A_149 = arith.index_cast %parallel_loop3A_143 : i32 to index
        %parallel_loop3A_150 = arith.constant 0 : index
        %parallel_loop3A_151 = tpu.vector_load %arg10[%parallel_loop3A_149, %parallel_loop3A_150] {strides = array<i32>} : memref<80x128xf32, #tpu.memory_space<vmem>>, vector<16xf32>,
        %parallel_loop3A_152 = arith.mulf %parallel_loop3A_151, %parallel_loop3A_148 : vector<16xf32>
        %parallel_loop3A_153 = arith.index_cast %parallel_loop3A_143 : i32 to index
        %parallel_loop3A_154 = arith.constant 0 : index
        %parallel_loop3A_155 = tpu.vector_load %arg10[%parallel_loop3A_153, %parallel_loop3A_154] {strides = array<i32>} : memref<80x128xf32, #tpu.memory_space<vmem>>, vector<16xf32>,
        tpu.vector_store %arg10[%parallel_loop3A_153, %parallel_loop3A_154], %parallel_loop3A_152 {strides = array<i32>} : memref<80x128xf32, #tpu.memory_space<vmem>>, vector<16xf32>,
        %parallel_loop3A_156 = arith.index_cast %parallel_loop3A_143 : i32 to index
        %parallel_loop3A_157 = arith.constant 16 : index
        %parallel_loop3A_158 = tpu.vector_load %arg10[%parallel_loop3A_156, %parallel_loop3A_157] {strides = array<i32>} : memref<80x128xf32, #tpu.memory_space<vmem>>, vector<16xf32>,
        %parallel_loop3A_159 = arith.mulf %parallel_loop3A_158, %parallel_loop3A_148 : vector<16xf32>
        %parallel_loop3A_160 = arith.index_cast %parallel_loop3A_143 : i32 to index
        %parallel_loop3A_161 = arith.constant 16 : index
        %parallel_loop3A_162 = tpu.vector_load %arg10[%parallel_loop3A_160, %parallel_loop3A_161] {strides = array<i32>} : memref<80x128xf32, #tpu.memory_space<vmem>>, vector<16xf32>,
        tpu.vector_store %arg10[%parallel_loop3A_160, %parallel_loop3A_161], %parallel_loop3A_159 {strides = array<i32>} : memref<80x128xf32, #tpu.memory_space<vmem>>, vector<16xf32>,
        %parallel_loop3A_163 = arith.index_cast %parallel_loop3A_143 : i32 to index
        %parallel_loop3A_164 = arith.constant 32 : index
        %parallel_loop3A_165 = tpu.vector_load %arg10[%parallel_loop3A_163, %parallel_loop3A_164] {strides = array<i32>} : memref<80x128xf32, #tpu.memory_space<vmem>>, vector<16xf32>,
        %parallel_loop3A_166 = arith.mulf %parallel_loop3A_165, %parallel_loop3A_148 : vector<16xf32>
        %parallel_loop3A_167 = arith.index_cast %parallel_loop3A_143 : i32 to index
        %parallel_loop3A_168 = arith.constant 32 : index
        %parallel_loop3A_169 = tpu.vector_load %arg10[%parallel_loop3A_167, %parallel_loop3A_168] {strides = array<i32>} : memref<80x128xf32, #tpu.memory_space<vmem>>, vector<16xf32>,
        tpu.vector_store %arg10[%parallel_loop3A_167, %parallel_loop3A_168], %parallel_loop3A_166 {strides = array<i32>} : memref<80x128xf32, #tpu.memory_space<vmem>>, vector<16xf32>,
        %parallel_loop3A_170 = arith.index_cast %parallel_loop3A_143 : i32 to index
        %parallel_loop3A_171 = arith.constant 48 : index
        %parallel_loop3A_172 = tpu.vector_load %arg10[%parallel_loop3A_170, %parallel_loop3A_171] {strides = array<i32>} : memref<80x128xf32, #tpu.memory_space<vmem>>, vector<16xf32>,
        %parallel_loop3A_173 = arith.mulf %parallel_loop3A_172, %parallel_loop3A_148 : vector<16xf32>
        %parallel_loop3A_174 = arith.index_cast %parallel_loop3A_143 : i32 to index
        %parallel_loop3A_175 = arith.constant 48 : index
        %parallel_loop3A_176 = tpu.vector_load %arg10[%parallel_loop3A_174, %parallel_loop3A_175] {strides = array<i32>} : memref<80x128xf32, #tpu.memory_space<vmem>>, vector<16xf32>,
        tpu.vector_store %arg10[%parallel_loop3A_174, %parallel_loop3A_175], %parallel_loop3A_173 {strides = array<i32>} : memref<80x128xf32, #tpu.memory_space<vmem>>, vector<16xf32>,
        %parallel_loop3A_177 = arith.index_cast %parallel_loop3A_143 : i32 to index
        %parallel_loop3A_178 = arith.constant 64 : index
        %parallel_loop3A_179 = tpu.vector_load %arg10[%parallel_loop3A_177, %parallel_loop3A_178] {strides = array<i32>} : memref<80x128xf32, #tpu.memory_space<vmem>>, vector<16xf32>,
        %parallel_loop3A_180 = arith.mulf %parallel_loop3A_179, %parallel_loop3A_148 : vector<16xf32>
        %parallel_loop3A_181 = arith.index_cast %parallel_loop3A_143 : i32 to index
        %parallel_loop3A_182 = arith.constant 64 : index
        %parallel_loop3A_183 = tpu.vector_load %arg10[%parallel_loop3A_181, %parallel_loop3A_182] {strides = array<i32>} : memref<80x128xf32, #tpu.memory_space<vmem>>, vector<16xf32>,
        tpu.vector_store %arg10[%parallel_loop3A_181, %parallel_loop3A_182], %parallel_loop3A_180 {strides = array<i32>} : memref<80x128xf32, #tpu.memory_space<vmem>>, vector<16xf32>,
        %parallel_loop3A_184 = arith.index_cast %parallel_loop3A_143 : i32 to index
        %parallel_loop3A_185 = arith.constant 80 : index
        %parallel_loop3A_186 = tpu.vector_load %arg10[%parallel_loop3A_184, %parallel_loop3A_185] {strides = array<i32>} : memref<80x128xf32, #tpu.memory_space<vmem>>, vector<16xf32>,
        %parallel_loop3A_187 = arith.mulf %parallel_loop3A_186, %parallel_loop3A_148 : vector<16xf32>
        %parallel_loop3A_188 = arith.index_cast %parallel_loop3A_143 : i32 to index
        %parallel_loop3A_189 = arith.constant 80 : index
        %parallel_loop3A_190 = tpu.vector_load %arg10[%parallel_loop3A_188, %parallel_loop3A_189] {strides = array<i32>} : memref<80x128xf32, #tpu.memory_space<vmem>>, vector<16xf32>,
        tpu.vector_store %arg10[%parallel_loop3A_188, %parallel_loop3A_189], %parallel_loop3A_187 {strides = array<i32>} : memref<80x128xf32, #tpu.memory_space<vmem>>, vector<16xf32>,
        %parallel_loop3A_191 = arith.index_cast %parallel_loop3A_143 : i32 to index
        %parallel_loop3A_192 = arith.constant 96 : index
        %parallel_loop3A_193 = tpu.vector_load %arg10[%parallel_loop3A_191, %parallel_loop3A_192] {strides = array<i32>} : memref<80x128xf32, #tpu.memory_space<vmem>>, vector<16xf32>,
        %parallel_loop3A_194 = arith.mulf %parallel_loop3A_193, %parallel_loop3A_148 : vector<16xf32>
        %parallel_loop3A_195 = arith.index_cast %parallel_loop3A_143 : i32 to index
        %parallel_loop3A_196 = arith.constant 96 : index
        %parallel_loop3A_197 = tpu.vector_load %arg10[%parallel_loop3A_195, %parallel_loop3A_196] {strides = array<i32>} : memref<80x128xf32, #tpu.memory_space<vmem>>, vector<16xf32>,
        tpu.vector_store %arg10[%parallel_loop3A_195, %parallel_loop3A_196], %parallel_loop3A_194 {strides = array<i32>} : memref<80x128xf32, #tpu.memory_space<vmem>>, vector<16xf32>,
        %parallel_loop3A_198 = arith.index_cast %parallel_loop3A_143 : i32 to index
        %parallel_loop3A_199 = arith.constant 112 : index
        %parallel_loop3A_200 = tpu.vector_load %arg10[%parallel_loop3A_198, %parallel_loop3A_199] {strides = array<i32>} : memref<80x128xf32, #tpu.memory_space<vmem>>, vector<16xf32>,
        %parallel_loop3A_201 = arith.mulf %parallel_loop3A_200, %parallel_loop3A_148 : vector<16xf32>
        %parallel_loop3A_202 = arith.index_cast %parallel_loop3A_143 : i32 to index
        %parallel_loop3A_203 = arith.constant 112 : index
        %parallel_loop3A_204 = tpu.vector_load %arg10[%parallel_loop3A_202, %parallel_loop3A_203] {strides = array<i32>} : memref<80x128xf32, #tpu.memory_space<vmem>>, vector<16xf32>,
        tpu.vector_store %arg10[%parallel_loop3A_202, %parallel_loop3A_203], %parallel_loop3A_201 {strides = array<i32>} : memref<80x128xf32, #tpu.memory_space<vmem>>, vector<16xf32>,
      } {sc.loop_unroll_factor = 4 : i64, sc.parallel_access}
      %mul3A_87 = arith.constant 80 : i32
      %mul3A_88 = arith.muli %add3A_75, %mul3A_87 : i32
      %dma_start3A_89 = arith.constant 0 : i32
      %dma_start3A_90 = arith.constant 0 : i32
      %dma_start3A_91 = tpu.memref_slice %arg10[%dma_start3A_89, %dma_start3A_90] : memref<80x128xf32, #tpu.memory_space<vmem>> -> memref<80x128xf32, #tpu.memory_space<vmem>>
      %dma_start3A_92 = tpu.memref_slice %arg8[%mul3A_88] : memref<10000xi32, #tpu.memory_space<vmem>> -> memref<80xi32, #tpu.memory_space<vmem>>
      %dma_start3A_93 = arith.constant 0 : i32
      %dma_start3A_94 = arith.constant 0 : i32
      %dma_start3A_95 = tpu.memref_slice %arg16[%dma_start3A_93, %dma_start3A_94] : memref<10000x128xf32, #tpu.memory_space<vmem_shared>> -> memref<10000x128xf32, #tpu.memory_space<vmem_shared>>
      tpu.enqueue_indirect_dma source(%dma_start3A_91 : memref<80x128xf32, #tpu.memory_space<vmem>>) target(%dma_start3A_95 : memref<10000x128xf32, #tpu.memory_space<vmem_shared>>) offsets(%dma_start3A_92 : memref<80xi32, #tpu.memory_space<vmem>>) semaphore(%arg14 : memref<!tpu.dma_semaphore, #tpu.memory_space<semaphore_mem>>) {add = true}
      %dma_wait3A_96 = arith.constant 0 : i32
      %dma_wait3A_97 = arith.constant 0 : i32
      %dma_wait3A_98 = tpu.memref_slice %arg11[%dma_wait3A_96, %dma_wait3A_97] : memref<80x128xf32, #tpu.memory_space<vmem>> -> memref<80x128xf32, #tpu.memory_space<vmem>>
      %dma_wait3A_99 = arith.constant 0 : i32
      %dma_wait3A_100 = tpu.memref_slice %arg7[%dma_wait3A_99] : memref<10000xi32, #tpu.memory_space<vmem>> -> memref<80xi32, #tpu.memory_space<vmem>>
      %dma_wait3A_101 = arith.constant 0 : i32
      %dma_wait3A_102 = arith.constant 0 : i32
      %dma_wait3A_103 = tpu.memref_slice %arg2[%dma_wait3A_101, %dma_wait3A_102] : memref<10000x128xf32, #tpu.memory_space<hbm>> -> memref<10000x128xf32, #tpu.memory_space<hbm>>
      tpu.wait_indirect_dma semaphore(%arg13 : memref<!tpu.dma_semaphore, #tpu.memory_space<semaphore_mem>>) src(%dma_wait3A_103 : memref<10000x128xf32, #tpu.memory_space<hbm>>) dst(%dma_wait3A_98 : memref<80x128xf32, #tpu.memory_space<vmem>>)
      %add3A_104 = arith.constant 1 : i32
      %add3A_105 = arith.addi %add3A_75, %add3A_104 : i32
      %parallel_loop3A_106 = arith.constant 0 : i32
      %parallel_loop3A_107 = arith.constant 80 : i32
      %parallel_loop3A_108 = arith.constant 1 : i32
      scf.for %parallel_loop3A_143 = %parallel_loop3A_106 to %parallel_loop3A_107 step %parallel_loop3A_108  : i32 {
        %parallel_loop3A_144 = arith.constant 80 : i32
        %parallel_loop3A_145 = arith.muli %add3A_105, %parallel_loop3A_144 : i32
        %parallel_loop3A_146 = arith.addi %parallel_loop3A_145, %parallel_loop3A_143 : i32
        %parallel_loop3A_147 = vector.broadcast %parallel_loop3A_146 : i32 to vector<16xi32>
        %parallel_loop3A_148 = tpu.vector_load_idx %arg9[%parallel_loop3A_147] : memref<10000xf32, #tpu.memory_space<vmem>>[vector<16xi32>], vector<16xf32>,
        %parallel_loop3A_149 = arith.index_cast %parallel_loop3A_143 : i32 to index
        %parallel_loop3A_150 = arith.constant 0 : index
        %parallel_loop3A_151 = tpu.vector_load %arg11[%parallel_loop3A_149, %parallel_loop3A_150] {strides = array<i32>} : memref<80x128xf32, #tpu.memory_space<vmem>>, vector<16xf32>,
        %parallel_loop3A_152 = arith.mulf %parallel_loop3A_151, %parallel_loop3A_148 : vector<16xf32>
        %parallel_loop3A_153 = arith.index_cast %parallel_loop3A_143 : i32 to index
        %parallel_loop3A_154 = arith.constant 0 : index
        %parallel_loop3A_155 = tpu.vector_load %arg11[%parallel_loop3A_153, %parallel_loop3A_154] {strides = array<i32>} : memref<80x128xf32, #tpu.memory_space<vmem>>, vector<16xf32>,
        tpu.vector_store %arg11[%parallel_loop3A_153, %parallel_loop3A_154], %parallel_loop3A_152 {strides = array<i32>} : memref<80x128xf32, #tpu.memory_space<vmem>>, vector<16xf32>,
        %parallel_loop3A_156 = arith.index_cast %parallel_loop3A_143 : i32 to index
        %parallel_loop3A_157 = arith.constant 16 : index
        %parallel_loop3A_158 = tpu.vector_load %arg11[%parallel_loop3A_156, %parallel_loop3A_157] {strides = array<i32>} : memref<80x128xf32, #tpu.memory_space<vmem>>, vector<16xf32>,
        %parallel_loop3A_159 = arith.mulf %parallel_loop3A_158, %parallel_loop3A_148 : vector<16xf32>
        %parallel_loop3A_160 = arith.index_cast %parallel_loop3A_143 : i32 to index
        %parallel_loop3A_161 = arith.constant 16 : index
        %parallel_loop3A_162 = tpu.vector_load %arg11[%parallel_loop3A_160, %parallel_loop3A_161] {strides = array<i32>} : memref<80x128xf32, #tpu.memory_space<vmem>>, vector<16xf32>,
        tpu.vector_store %arg11[%parallel_loop3A_160, %parallel_loop3A_161], %parallel_loop3A_159 {strides = array<i32>} : memref<80x128xf32, #tpu.memory_space<vmem>>, vector<16xf32>,
        %parallel_loop3A_163 = arith.index_cast %parallel_loop3A_143 : i32 to index
        %parallel_loop3A_164 = arith.constant 32 : index
        %parallel_loop3A_165 = tpu.vector_load %arg11[%parallel_loop3A_163, %parallel_loop3A_164] {strides = array<i32>} : memref<80x128xf32, #tpu.memory_space<vmem>>, vector<16xf32>,
        %parallel_loop3A_166 = arith.mulf %parallel_loop3A_165, %parallel_loop3A_148 : vector<16xf32>
        %parallel_loop3A_167 = arith.index_cast %parallel_loop3A_143 : i32 to index
        %parallel_loop3A_168 = arith.constant 32 : index
        %parallel_loop3A_169 = tpu.vector_load %arg11[%parallel_loop3A_167, %parallel_loop3A_168] {strides = array<i32>} : memref<80x128xf32, #tpu.memory_space<vmem>>, vector<16xf32>,
        tpu.vector_store %arg11[%parallel_loop3A_167, %parallel_loop3A_168], %parallel_loop3A_166 {strides = array<i32>} : memref<80x128xf32, #tpu.memory_space<vmem>>, vector<16xf32>,
        %parallel_loop3A_170 = arith.index_cast %parallel_loop3A_143 : i32 to index
        %parallel_loop3A_171 = arith.constant 48 : index
        %parallel_loop3A_172 = tpu.vector_load %arg11[%parallel_loop3A_170, %parallel_loop3A_171] {strides = array<i32>} : memref<80x128xf32, #tpu.memory_space<vmem>>, vector<16xf32>,
        %parallel_loop3A_173 = arith.mulf %parallel_loop3A_172, %parallel_loop3A_148 : vector<16xf32>
        %parallel_loop3A_174 = arith.index_cast %parallel_loop3A_143 : i32 to index
        %parallel_loop3A_175 = arith.constant 48 : index
        %parallel_loop3A_176 = tpu.vector_load %arg11[%parallel_loop3A_174, %parallel_loop3A_175] {strides = array<i32>} : memref<80x128xf32, #tpu.memory_space<vmem>>, vector<16xf32>,
        tpu.vector_store %arg11[%parallel_loop3A_174, %parallel_loop3A_175], %parallel_loop3A_173 {strides = array<i32>} : memref<80x128xf32, #tpu.memory_space<vmem>>, vector<16xf32>,
        %parallel_loop3A_177 = arith.index_cast %parallel_loop3A_143 : i32 to index
        %parallel_loop3A_178 = arith.constant 64 : index
        %parallel_loop3A_179 = tpu.vector_load %arg11[%parallel_loop3A_177, %parallel_loop3A_178] {strides = array<i32>} : memref<80x128xf32, #tpu.memory_space<vmem>>, vector<16xf32>,
        %parallel_loop3A_180 = arith.mulf %parallel_loop3A_179, %parallel_loop3A_148 : vector<16xf32>
        %parallel_loop3A_181 = arith.index_cast %parallel_loop3A_143 : i32 to index
        %parallel_loop3A_182 = arith.constant 64 : index
        %parallel_loop3A_183 = tpu.vector_load %arg11[%parallel_loop3A_181, %parallel_loop3A_182] {strides = array<i32>} : memref<80x128xf32, #tpu.memory_space<vmem>>, vector<16xf32>,
        tpu.vector_store %arg11[%parallel_loop3A_181, %parallel_loop3A_182], %parallel_loop3A_180 {strides = array<i32>} : memref<80x128xf32, #tpu.memory_space<vmem>>, vector<16xf32>,
        %parallel_loop3A_184 = arith.index_cast %parallel_loop3A_143 : i32 to index
        %parallel_loop3A_185 = arith.constant 80 : index
        %parallel_loop3A_186 = tpu.vector_load %arg11[%parallel_loop3A_184, %parallel_loop3A_185] {strides = array<i32>} : memref<80x128xf32, #tpu.memory_space<vmem>>, vector<16xf32>,
        %parallel_loop3A_187 = arith.mulf %parallel_loop3A_186, %parallel_loop3A_148 : vector<16xf32>
        %parallel_loop3A_188 = arith.index_cast %parallel_loop3A_143 : i32 to index
        %parallel_loop3A_189 = arith.constant 80 : index
        %parallel_loop3A_190 = tpu.vector_load %arg11[%parallel_loop3A_188, %parallel_loop3A_189] {strides = array<i32>} : memref<80x128xf32, #tpu.memory_space<vmem>>, vector<16xf32>,
        tpu.vector_store %arg11[%parallel_loop3A_188, %parallel_loop3A_189], %parallel_loop3A_187 {strides = array<i32>} : memref<80x128xf32, #tpu.memory_space<vmem>>, vector<16xf32>,
        %parallel_loop3A_191 = arith.index_cast %parallel_loop3A_143 : i32 to index
        %parallel_loop3A_192 = arith.constant 96 : index
        %parallel_loop3A_193 = tpu.vector_load %arg11[%parallel_loop3A_191, %parallel_loop3A_192] {strides = array<i32>} : memref<80x128xf32, #tpu.memory_space<vmem>>, vector<16xf32>,
        %parallel_loop3A_194 = arith.mulf %parallel_loop3A_193, %parallel_loop3A_148 : vector<16xf32>
        %parallel_loop3A_195 = arith.index_cast %parallel_loop3A_143 : i32 to index
        %parallel_loop3A_196 = arith.constant 96 : index
        %parallel_loop3A_197 = tpu.vector_load %arg11[%parallel_loop3A_195, %parallel_loop3A_196] {strides = array<i32>} : memref<80x128xf32, #tpu.memory_space<vmem>>, vector<16xf32>,
        tpu.vector_store %arg11[%parallel_loop3A_195, %parallel_loop3A_196], %parallel_loop3A_194 {strides = array<i32>} : memref<80x128xf32, #tpu.memory_space<vmem>>, vector<16xf32>,
        %parallel_loop3A_198 = arith.index_cast %parallel_loop3A_143 : i32 to index
        %parallel_loop3A_199 = arith.constant 112 : index
        %parallel_loop3A_200 = tpu.vector_load %arg11[%parallel_loop3A_198, %parallel_loop3A_199] {strides = array<i32>} : memref<80x128xf32, #tpu.memory_space<vmem>>, vector<16xf32>,
        %parallel_loop3A_201 = arith.mulf %parallel_loop3A_200, %parallel_loop3A_148 : vector<16xf32>
        %parallel_loop3A_202 = arith.index_cast %parallel_loop3A_143 : i32 to index
        %parallel_loop3A_203 = arith.constant 112 : index
        %parallel_loop3A_204 = tpu.vector_load %arg11[%parallel_loop3A_202, %parallel_loop3A_203] {strides = array<i32>} : memref<80x128xf32, #tpu.memory_space<vmem>>, vector<16xf32>,
        tpu.vector_store %arg11[%parallel_loop3A_202, %parallel_loop3A_203], %parallel_loop3A_201 {strides = array<i32>} : memref<80x128xf32, #tpu.memory_space<vmem>>, vector<16xf32>,
      } {sc.loop_unroll_factor = 4 : i64, sc.parallel_access}
      %add3A_109 = arith.constant 1 : i32
      %add3A_110 = arith.addi %add3A_75, %add3A_109 : i32
      %mul3A_111 = arith.constant 80 : i32
      %mul3A_112 = arith.muli %add3A_110, %mul3A_111 : i32
      %dma_start3A_113 = arith.constant 0 : i32
      %dma_start3A_114 = arith.constant 0 : i32
      %dma_start3A_115 = tpu.memref_slice %arg11[%dma_start3A_113, %dma_start3A_114] : memref<80x128xf32, #tpu.memory_space<vmem>> -> memref<80x128xf32, #tpu.memory_space<vmem>>
      %dma_start3A_116 = tpu.memref_slice %arg8[%mul3A_112] : memref<10000xi32, #tpu.memory_space<vmem>> -> memref<80xi32, #tpu.memory_space<vmem>>
      %dma_start3A_117 = arith.constant 0 : i32
      %dma_start3A_118 = arith.constant 0 : i32
      %dma_start3A_119 = tpu.memref_slice %arg16[%dma_start3A_117, %dma_start3A_118] : memref<10000x128xf32, #tpu.memory_space<vmem_shared>> -> memref<10000x128xf32, #tpu.memory_space<vmem_shared>>
      tpu.enqueue_indirect_dma source(%dma_start3A_115 : memref<80x128xf32, #tpu.memory_space<vmem>>) target(%dma_start3A_119 : memref<10000x128xf32, #tpu.memory_space<vmem_shared>>) offsets(%dma_start3A_116 : memref<80xi32, #tpu.memory_space<vmem>>) semaphore(%arg15 : memref<!tpu.dma_semaphore, #tpu.memory_space<semaphore_mem>>) {add = true}
      %dma_wait3A_120 = arith.constant 0 : i32
      %dma_wait3A_121 = arith.constant 0 : i32
      %dma_wait3A_122 = tpu.memref_slice %arg10[%dma_wait3A_120, %dma_wait3A_121] : memref<80x128xf32, #tpu.memory_space<vmem>> -> memref<80x128xf32, #tpu.memory_space<vmem>>
      %dma_wait3A_123 = arith.constant 0 : i32
      %dma_wait3A_124 = tpu.memref_slice %arg8[%dma_wait3A_123] : memref<10000xi32, #tpu.memory_space<vmem>> -> memref<80xi32, #tpu.memory_space<vmem>>
      %dma_wait3A_125 = arith.constant 0 : i32
      %dma_wait3A_126 = arith.constant 0 : i32
      %dma_wait3A_127 = tpu.memref_slice %arg16[%dma_wait3A_125, %dma_wait3A_126] : memref<10000x128xf32, #tpu.memory_space<vmem_shared>> -> memref<10000x128xf32, #tpu.memory_space<vmem_shared>>
      tpu.wait_indirect_dma semaphore(%arg14 : memref<!tpu.dma_semaphore, #tpu.memory_space<semaphore_mem>>) src(%dma_wait3A_122 : memref<80x128xf32, #tpu.memory_space<vmem>>) dst(%dma_wait3A_127 : memref<10000x128xf32, #tpu.memory_space<vmem_shared>>)
      %lt3A = arith.constant 122 : i32
      %lt3A_128 = arith.cmpi slt, %add3A_75, %lt3A : i32
      %convert_element_type3A = arith.extui %lt3A_128 : i1 to i32
      %cond3A = arith.constant 0 : i32
      %cond3A_129 = arith.cmpi ne, %convert_element_type3A, %cond3A : i32
      scf.if %cond3A_129 {
        %add3A_143 = arith.constant 2 : i32
        %add3A_144 = arith.addi %add3A_75, %add3A_143 : i32
        %mul3A_145 = arith.constant 80 : i32
        %mul3A_146 = arith.muli %add3A_144, %mul3A_145 : i32
        %dma_start3A_147 = arith.constant 0 : i32
        %dma_start3A_148 = arith.constant 0 : i32
        %dma_start3A_149 = tpu.memref_slice %arg10[%dma_start3A_147, %dma_start3A_148] : memref<80x128xf32, #tpu.memory_space<vmem>> -> memref<80x128xf32, #tpu.memory_space<vmem>>
        %dma_start3A_150 = tpu.memref_slice %arg7[%mul3A_146] : memref<10000xi32, #tpu.memory_space<vmem>> -> memref<80xi32, #tpu.memory_space<vmem>>
        %dma_start3A_151 = arith.constant 0 : i32
        %dma_start3A_152 = arith.constant 0 : i32
        %dma_start3A_153 = tpu.memref_slice %arg2[%dma_start3A_151, %dma_start3A_152] : memref<10000x128xf32, #tpu.memory_space<hbm>> -> memref<10000x128xf32, #tpu.memory_space<hbm>>
        tpu.enqueue_indirect_dma source(%dma_start3A_153 : memref<10000x128xf32, #tpu.memory_space<hbm>>) target(%dma_start3A_149 : memref<80x128xf32, #tpu.memory_space<vmem>>) offsets(%dma_start3A_150 : memref<80xi32, #tpu.memory_space<vmem>>) semaphore(%arg12 : memref<!tpu.dma_semaphore, #tpu.memory_space<semaphore_mem>>)
      } else {
      }
      %dma_wait3A_130 = arith.constant 0 : i32
      %dma_wait3A_131 = arith.constant 0 : i32
      %dma_wait3A_132 = tpu.memref_slice %arg11[%dma_wait3A_130, %dma_wait3A_131] : memref<80x128xf32, #tpu.memory_space<vmem>> -> memref<80x128xf32, #tpu.memory_space<vmem>>
      %dma_wait3A_133 = arith.constant 0 : i32
      %dma_wait3A_134 = tpu.memref_slice %arg8[%dma_wait3A_133] : memref<10000xi32, #tpu.memory_space<vmem>> -> memref<80xi32, #tpu.memory_space<vmem>>
      %dma_wait3A_135 = arith.constant 0 : i32
      %dma_wait3A_136 = arith.constant 0 : i32
      %dma_wait3A_137 = tpu.memref_slice %arg16[%dma_wait3A_135, %dma_wait3A_136] : memref<10000x128xf32, #tpu.memory_space<vmem_shared>> -> memref<10000x128xf32, #tpu.memory_space<vmem_shared>>
      tpu.wait_indirect_dma semaphore(%arg15 : memref<!tpu.dma_semaphore, #tpu.memory_space<semaphore_mem>>) src(%dma_wait3A_132 : memref<80x128xf32, #tpu.memory_space<vmem>>) dst(%dma_wait3A_137 : memref<10000x128xf32, #tpu.memory_space<vmem_shared>>)
      %lt3A_138 = arith.constant 122 : i32
      %lt3A_139 = arith.cmpi slt, %add3A_75, %lt3A_138 : i32
      %convert_element_type3A_140 = arith.extui %lt3A_139 : i1 to i32
      %cond3A_141 = arith.constant 0 : i32
      %cond3A_142 = arith.cmpi ne, %convert_element_type3A_140, %cond3A_141 : i32
      scf.if %cond3A_142 {
        %add3A_143 = arith.constant 3 : i32
        %add3A_144 = arith.addi %add3A_75, %add3A_143 : i32
        %mul3A_145 = arith.constant 80 : i32
        %mul3A_146 = arith.muli %add3A_144, %mul3A_145 : i32
        %dma_start3A_147 = arith.constant 0 : i32
        %dma_start3A_148 = arith.constant 0 : i32
        %dma_start3A_149 = tpu.memref_slice %arg11[%dma_start3A_147, %dma_start3A_148] : memref<80x128xf32, #tpu.memory_space<vmem>> -> memref<80x128xf32, #tpu.memory_space<vmem>>
        %dma_start3A_150 = tpu.memref_slice %arg7[%mul3A_146] : memref<10000xi32, #tpu.memory_space<vmem>> -> memref<80xi32, #tpu.memory_space<vmem>>
        %dma_start3A_151 = arith.constant 0 : i32
        %dma_start3A_152 = arith.constant 0 : i32
        %dma_start3A_153 = tpu.memref_slice %arg2[%dma_start3A_151, %dma_start3A_152] : memref<10000x128xf32, #tpu.memory_space<hbm>> -> memref<10000x128xf32, #tpu.memory_space<hbm>>
        tpu.enqueue_indirect_dma source(%dma_start3A_153 : memref<10000x128xf32, #tpu.memory_space<hbm>>) target(%dma_start3A_149 : memref<80x128xf32, #tpu.memory_space<vmem>>) offsets(%dma_start3A_150 : memref<80xi32, #tpu.memory_space<vmem>>) semaphore(%arg13 : memref<!tpu.dma_semaphore, #tpu.memory_space<semaphore_mem>>)
      } else {
      }
    }
    %scan3A_36 = arith.constant 62 : i32
    %dma_start3A_37 = arith.constant 0 : i32
    %dma_start3A_38 = arith.constant 0 : i32
    %dma_start3A_39 = tpu.memref_slice %arg10[%dma_start3A_37, %dma_start3A_38] : memref<80x128xf32, #tpu.memory_space<vmem>> -> memref<80x128xf32, #tpu.memory_space<vmem>>
    %dma_start3A_40 = arith.constant 9920 : i32
    %dma_start3A_41 = tpu.memref_slice %arg7[%dma_start3A_40] : memref<10000xi32, #tpu.memory_space<vmem>> -> memref<80xi32, #tpu.memory_space<vmem>>
    %dma_start3A_42 = arith.constant 0 : i32
    %dma_start3A_43 = arith.constant 0 : i32
    %dma_start3A_44 = tpu.memref_slice %arg2[%dma_start3A_42, %dma_start3A_43] : memref<10000x128xf32, #tpu.memory_space<hbm>> -> memref<10000x128xf32, #tpu.memory_space<hbm>>
    tpu.enqueue_indirect_dma source(%dma_start3A_44 : memref<10000x128xf32, #tpu.memory_space<hbm>>) target(%dma_start3A_39 : memref<80x128xf32, #tpu.memory_space<vmem>>) offsets(%dma_start3A_41 : memref<80xi32, #tpu.memory_space<vmem>>) semaphore(%arg12 : memref<!tpu.dma_semaphore, #tpu.memory_space<semaphore_mem>>)
    %dma_wait3A = arith.constant 0 : i32
    %dma_wait3A_45 = arith.constant 0 : i32
    %dma_wait3A_46 = tpu.memref_slice %arg10[%dma_wait3A, %dma_wait3A_45] : memref<80x128xf32, #tpu.memory_space<vmem>> -> memref<80x128xf32, #tpu.memory_space<vmem>>
    %dma_wait3A_47 = arith.constant 0 : i32
    %dma_wait3A_48 = tpu.memref_slice %arg7[%dma_wait3A_47] : memref<10000xi32, #tpu.memory_space<vmem>> -> memref<80xi32, #tpu.memory_space<vmem>>
    %dma_wait3A_49 = arith.constant 0 : i32
    %dma_wait3A_50 = arith.constant 0 : i32
    %dma_wait3A_51 = tpu.memref_slice %arg2[%dma_wait3A_49, %dma_wait3A_50] : memref<10000x128xf32, #tpu.memory_space<hbm>> -> memref<10000x128xf32, #tpu.memory_space<hbm>>
    tpu.wait_indirect_dma semaphore(%arg12 : memref<!tpu.dma_semaphore, #tpu.memory_space<semaphore_mem>>) src(%dma_wait3A_51 : memref<10000x128xf32, #tpu.memory_space<hbm>>) dst(%dma_wait3A_46 : memref<80x128xf32, #tpu.memory_space<vmem>>)
    %parallel_loop3A = arith.constant 0 : i32
    %parallel_loop3A_52 = arith.constant 80 : i32
    %parallel_loop3A_53 = arith.constant 1 : i32
    scf.for %parallel_loop3A_71 = %parallel_loop3A to %parallel_loop3A_52 step %parallel_loop3A_53  : i32 {
      %parallel_loop3A_72 = arith.constant 9920 : i32
      %parallel_loop3A_73 = arith.addi %parallel_loop3A_72, %parallel_loop3A_71 : i32
      %parallel_loop3A_74 = vector.broadcast %parallel_loop3A_73 : i32 to vector<16xi32>
      %parallel_loop3A_75 = tpu.vector_load_idx %arg9[%parallel_loop3A_74] : memref<10000xf32, #tpu.memory_space<vmem>>[vector<16xi32>], vector<16xf32>,
      %parallel_loop3A_76 = arith.index_cast %parallel_loop3A_71 : i32 to index
      %parallel_loop3A_77 = arith.constant 0 : index
      %parallel_loop3A_78 = tpu.vector_load %arg10[%parallel_loop3A_76, %parallel_loop3A_77] {strides = array<i32>} : memref<80x128xf32, #tpu.memory_space<vmem>>, vector<16xf32>,
      %parallel_loop3A_79 = arith.mulf %parallel_loop3A_78, %parallel_loop3A_75 : vector<16xf32>
      %parallel_loop3A_80 = arith.index_cast %parallel_loop3A_71 : i32 to index
      %parallel_loop3A_81 = arith.constant 0 : index
      %parallel_loop3A_82 = tpu.vector_load %arg10[%parallel_loop3A_80, %parallel_loop3A_81] {strides = array<i32>} : memref<80x128xf32, #tpu.memory_space<vmem>>, vector<16xf32>,
      tpu.vector_store %arg10[%parallel_loop3A_80, %parallel_loop3A_81], %parallel_loop3A_79 {strides = array<i32>} : memref<80x128xf32, #tpu.memory_space<vmem>>, vector<16xf32>,
      %parallel_loop3A_83 = arith.index_cast %parallel_loop3A_71 : i32 to index
      %parallel_loop3A_84 = arith.constant 16 : index
      %parallel_loop3A_85 = tpu.vector_load %arg10[%parallel_loop3A_83, %parallel_loop3A_84] {strides = array<i32>} : memref<80x128xf32, #tpu.memory_space<vmem>>, vector<16xf32>,
      %parallel_loop3A_86 = arith.mulf %parallel_loop3A_85, %parallel_loop3A_75 : vector<16xf32>
      %parallel_loop3A_87 = arith.index_cast %parallel_loop3A_71 : i32 to index
      %parallel_loop3A_88 = arith.constant 16 : index
      %parallel_loop3A_89 = tpu.vector_load %arg10[%parallel_loop3A_87, %parallel_loop3A_88] {strides = array<i32>} : memref<80x128xf32, #tpu.memory_space<vmem>>, vector<16xf32>,
      tpu.vector_store %arg10[%parallel_loop3A_87, %parallel_loop3A_88], %parallel_loop3A_86 {strides = array<i32>} : memref<80x128xf32, #tpu.memory_space<vmem>>, vector<16xf32>,
      %parallel_loop3A_90 = arith.index_cast %parallel_loop3A_71 : i32 to index
      %parallel_loop3A_91 = arith.constant 32 : index
      %parallel_loop3A_92 = tpu.vector_load %arg10[%parallel_loop3A_90, %parallel_loop3A_91] {strides = array<i32>} : memref<80x128xf32, #tpu.memory_space<vmem>>, vector<16xf32>,
      %parallel_loop3A_93 = arith.mulf %parallel_loop3A_92, %parallel_loop3A_75 : vector<16xf32>
      %parallel_loop3A_94 = arith.index_cast %parallel_loop3A_71 : i32 to index
      %parallel_loop3A_95 = arith.constant 32 : index
      %parallel_loop3A_96 = tpu.vector_load %arg10[%parallel_loop3A_94, %parallel_loop3A_95] {strides = array<i32>} : memref<80x128xf32, #tpu.memory_space<vmem>>, vector<16xf32>,
      tpu.vector_store %arg10[%parallel_loop3A_94, %parallel_loop3A_95], %parallel_loop3A_93 {strides = array<i32>} : memref<80x128xf32, #tpu.memory_space<vmem>>, vector<16xf32>,
      %parallel_loop3A_97 = arith.index_cast %parallel_loop3A_71 : i32 to index
      %parallel_loop3A_98 = arith.constant 48 : index
      %parallel_loop3A_99 = tpu.vector_load %arg10[%parallel_loop3A_97, %parallel_loop3A_98] {strides = array<i32>} : memref<80x128xf32, #tpu.memory_space<vmem>>, vector<16xf32>,
      %parallel_loop3A_100 = arith.mulf %parallel_loop3A_99, %parallel_loop3A_75 : vector<16xf32>
      %parallel_loop3A_101 = arith.index_cast %parallel_loop3A_71 : i32 to index
      %parallel_loop3A_102 = arith.constant 48 : index
      %parallel_loop3A_103 = tpu.vector_load %arg10[%parallel_loop3A_101, %parallel_loop3A_102] {strides = array<i32>} : memref<80x128xf32, #tpu.memory_space<vmem>>, vector<16xf32>,
      tpu.vector_store %arg10[%parallel_loop3A_101, %parallel_loop3A_102], %parallel_loop3A_100 {strides = array<i32>} : memref<80x128xf32, #tpu.memory_space<vmem>>, vector<16xf32>,
      %parallel_loop3A_104 = arith.index_cast %parallel_loop3A_71 : i32 to index
      %parallel_loop3A_105 = arith.constant 64 : index
      %parallel_loop3A_106 = tpu.vector_load %arg10[%parallel_loop3A_104, %parallel_loop3A_105] {strides = array<i32>} : memref<80x128xf32, #tpu.memory_space<vmem>>, vector<16xf32>,
      %parallel_loop3A_107 = arith.mulf %parallel_loop3A_106, %parallel_loop3A_75 : vector<16xf32>
      %parallel_loop3A_108 = arith.index_cast %parallel_loop3A_71 : i32 to index
      %parallel_loop3A_109 = arith.constant 64 : index
      %parallel_loop3A_110 = tpu.vector_load %arg10[%parallel_loop3A_108, %parallel_loop3A_109] {strides = array<i32>} : memref<80x128xf32, #tpu.memory_space<vmem>>, vector<16xf32>,
      tpu.vector_store %arg10[%parallel_loop3A_108, %parallel_loop3A_109], %parallel_loop3A_107 {strides = array<i32>} : memref<80x128xf32, #tpu.memory_space<vmem>>, vector<16xf32>,
      %parallel_loop3A_111 = arith.index_cast %parallel_loop3A_71 : i32 to index
      %parallel_loop3A_112 = arith.constant 80 : index
      %parallel_loop3A_113 = tpu.vector_load %arg10[%parallel_loop3A_111, %parallel_loop3A_112] {strides = array<i32>} : memref<80x128xf32, #tpu.memory_space<vmem>>, vector<16xf32>,
      %parallel_loop3A_114 = arith.mulf %parallel_loop3A_113, %parallel_loop3A_75 : vector<16xf32>
      %parallel_loop3A_115 = arith.index_cast %parallel_loop3A_71 : i32 to index
      %parallel_loop3A_116 = arith.constant 80 : index
      %parallel_loop3A_117 = tpu.vector_load %arg10[%parallel_loop3A_115, %parallel_loop3A_116] {strides = array<i32>} : memref<80x128xf32, #tpu.memory_space<vmem>>, vector<16xf32>,
      tpu.vector_store %arg10[%parallel_loop3A_115, %parallel_loop3A_116], %parallel_loop3A_114 {strides = array<i32>} : memref<80x128xf32, #tpu.memory_space<vmem>>, vector<16xf32>,
      %parallel_loop3A_118 = arith.index_cast %parallel_loop3A_71 : i32 to index
      %parallel_loop3A_119 = arith.constant 96 : index
      %parallel_loop3A_120 = tpu.vector_load %arg10[%parallel_loop3A_118, %parallel_loop3A_119] {strides = array<i32>} : memref<80x128xf32, #tpu.memory_space<vmem>>, vector<16xf32>,
      %parallel_loop3A_121 = arith.mulf %parallel_loop3A_120, %parallel_loop3A_75 : vector<16xf32>
      %parallel_loop3A_122 = arith.index_cast %parallel_loop3A_71 : i32 to index
      %parallel_loop3A_123 = arith.constant 96 : index
      %parallel_loop3A_124 = tpu.vector_load %arg10[%parallel_loop3A_122, %parallel_loop3A_123] {strides = array<i32>} : memref<80x128xf32, #tpu.memory_space<vmem>>, vector<16xf32>,
      tpu.vector_store %arg10[%parallel_loop3A_122, %parallel_loop3A_123], %parallel_loop3A_121 {strides = array<i32>} : memref<80x128xf32, #tpu.memory_space<vmem>>, vector<16xf32>,
      %parallel_loop3A_125 = arith.index_cast %parallel_loop3A_71 : i32 to index
      %parallel_loop3A_126 = arith.constant 112 : index
      %parallel_loop3A_127 = tpu.vector_load %arg10[%parallel_loop3A_125, %parallel_loop3A_126] {strides = array<i32>} : memref<80x128xf32, #tpu.memory_space<vmem>>, vector<16xf32>,
      %parallel_loop3A_128 = arith.mulf %parallel_loop3A_127, %parallel_loop3A_75 : vector<16xf32>
      %parallel_loop3A_129 = arith.index_cast %parallel_loop3A_71 : i32 to index
      %parallel_loop3A_130 = arith.constant 112 : index
      %parallel_loop3A_131 = tpu.vector_load %arg10[%parallel_loop3A_129, %parallel_loop3A_130] {strides = array<i32>} : memref<80x128xf32, #tpu.memory_space<vmem>>, vector<16xf32>,
      tpu.vector_store %arg10[%parallel_loop3A_129, %parallel_loop3A_130], %parallel_loop3A_128 {strides = array<i32>} : memref<80x128xf32, #tpu.memory_space<vmem>>, vector<16xf32>,
    } {sc.loop_unroll_factor = 4 : i64, sc.parallel_access}
    %dma_start3A_54 = arith.constant 0 : i32
    %dma_start3A_55 = arith.constant 0 : i32
    %dma_start3A_56 = tpu.memref_slice %arg10[%dma_start3A_54, %dma_start3A_55] : memref<80x128xf32, #tpu.memory_space<vmem>> -> memref<80x128xf32, #tpu.memory_space<vmem>>
    %dma_start3A_57 = arith.constant 9920 : i32
    %dma_start3A_58 = tpu.memref_slice %arg8[%dma_start3A_57] : memref<10000xi32, #tpu.memory_space<vmem>> -> memref<80xi32, #tpu.memory_space<vmem>>
    %dma_start3A_59 = arith.constant 0 : i32
    %dma_start3A_60 = arith.constant 0 : i32
    %dma_start3A_61 = tpu.memref_slice %arg16[%dma_start3A_59, %dma_start3A_60] : memref<10000x128xf32, #tpu.memory_space<vmem_shared>> -> memref<10000x128xf32, #tpu.memory_space<vmem_shared>>
    tpu.enqueue_indirect_dma source(%dma_start3A_56 : memref<80x128xf32, #tpu.memory_space<vmem>>) target(%dma_start3A_61 : memref<10000x128xf32, #tpu.memory_space<vmem_shared>>) offsets(%dma_start3A_58 : memref<80xi32, #tpu.memory_space<vmem>>) semaphore(%arg14 : memref<!tpu.dma_semaphore, #tpu.memory_space<semaphore_mem>>) {add = true}
    %dma_wait3A_62 = arith.constant 0 : i32
    %dma_wait3A_63 = arith.constant 0 : i32
    %dma_wait3A_64 = tpu.memref_slice %arg10[%dma_wait3A_62, %dma_wait3A_63] : memref<80x128xf32, #tpu.memory_space<vmem>> -> memref<80x128xf32, #tpu.memory_space<vmem>>
    %dma_wait3A_65 = arith.constant 0 : i32
    %dma_wait3A_66 = tpu.memref_slice %arg8[%dma_wait3A_65] : memref<10000xi32, #tpu.memory_space<vmem>> -> memref<80xi32, #tpu.memory_space<vmem>>
    %dma_wait3A_67 = arith.constant 0 : i32
    %dma_wait3A_68 = arith.constant 0 : i32
    %dma_wait3A_69 = tpu.memref_slice %arg16[%dma_wait3A_67, %dma_wait3A_68] : memref<10000x128xf32, #tpu.memory_space<vmem_shared>> -> memref<10000x128xf32, #tpu.memory_space<vmem_shared>>
    tpu.wait_indirect_dma semaphore(%arg14 : memref<!tpu.dma_semaphore, #tpu.memory_space<semaphore_mem>>) src(%dma_wait3A_64 : memref<80x128xf32, #tpu.memory_space<vmem>>) dst(%dma_wait3A_69 : memref<10000x128xf32, #tpu.memory_space<vmem_shared>>)
    %barrier3A_70 = arith.constant 0 : index
    tpu.barrier barrier_id(%barrier3A_70)
    "tpu.region"() ({
      %run_scoped3A = tpu.sem_alloc : memref<!tpu.dma_semaphore, #tpu.memory_space<semaphore_mem>>
      %dma_start3A_71 = arith.constant 0 : i32
      %dma_start3A_72 = tpu.memref_slice %arg6[%arg0, %mul3A_9, %dma_start3A_71] : memref<2x10000x128xf32, #tpu.memory_space<hbm>> -> memref<1x625x128xf32, #tpu.memory_space<hbm>>
      %dma_start3A_73 = tpu.memref_squeeze %dma_start3A_72 : memref<1x625x128xf32, #tpu.memory_space<hbm>> -> memref<625x128xf32, #tpu.memory_space<hbm>>
      %dma_start3A_74 = arith.constant 0 : i32
      %dma_start3A_75 = tpu.memref_slice %arg16[%mul3A_9, %dma_start3A_74] : memref<10000x128xf32, #tpu.memory_space<vmem_shared>> -> memref<625x128xf32, #tpu.memory_space<vmem_shared>>
      tpu.enqueue_dma source(%dma_start3A_75 : memref<625x128xf32, #tpu.memory_space<vmem_shared>>) target(%dma_start3A_73 : memref<625x128xf32, #tpu.memory_space<hbm>>) target_semaphore(%run_scoped3A : memref<!tpu.dma_semaphore, #tpu.memory_space<semaphore_mem>>)
      %dma_wait3A_76 = arith.constant 0 : i32
      %dma_wait3A_77 = tpu.memref_slice %arg6[%arg0, %mul3A_9, %dma_wait3A_76] : memref<2x10000x128xf32, #tpu.memory_space<hbm>> -> memref<1x625x128xf32, #tpu.memory_space<hbm>>
      %dma_wait3A_78 = tpu.memref_squeeze %dma_wait3A_77 : memref<1x625x128xf32, #tpu.memory_space<hbm>> -> memref<625x128xf32, #tpu.memory_space<hbm>>
      %dma_wait3A_79 = arith.constant 0 : i32
      %dma_wait3A_80 = tpu.memref_slice %arg16[%mul3A_9, %dma_wait3A_79] : memref<10000x128xf32, #tpu.memory_space<vmem_shared>> -> memref<625x128xf32, #tpu.memory_space<vmem_shared>>
      tpu.wait_dma2 semaphore(%run_scoped3A : memref<!tpu.dma_semaphore, #tpu.memory_space<semaphore_mem>>) src(%dma_wait3A_80 : memref<625x128xf32, #tpu.memory_space<vmem_shared>>) dst(%dma_wait3A_78 : memref<625x128xf32, #tpu.memory_space<hbm>>)
      tpu.yield
    }) : () -> ()
    return
  }
}

#map = affine_map<(d0, d1) -> (0)>
module attributes {stable_mosaic.version = 14 : i64} {
  func.func @_deg_body(%arg0: i32, %arg1: i32, %arg2: memref<320000xi32, #tpu.memory_space<hbm>>, %arg3: memref<320000xf32, #tpu.memory_space<hbm>>, %arg4: memref<327680xf32, #tpu.memory_space<hbm>>, %arg5: memref<2000xi32, #tpu.memory_space<vmem>>, %arg6: memref<2000xf32, #tpu.memory_space<vmem>>, %arg7: memref<10240xf32, #tpu.memory_space<vmem>>) attributes {dimension_semantics = [#tpu.dimension_semantics<core_parallel>, #tpu.dimension_semantics<subcore_parallel>], iteration_bounds = array<i64: 2, 16>, scalar_prefetch = 0 : i64, scratch_operands = 3 : i64, tpu.core_type = #tpu.core_type<sc_vector_subcore>, window_params = [{transform_indices = #map}, {transform_indices = #map}, {transform_indices = #map}]} {
    %mul3A = arith.constant 2 : i32
    %mul3A_0 = arith.muli %arg1, %mul3A : i32
    %add3A = arith.addi %mul3A_0, %arg0 : i32
    %broadcast_in_dim3A = arith.constant 0.000000e+00 : f32
    %broadcast_in_dim3A_1 = vector.broadcast %broadcast_in_dim3A : f32 to vector<16xf32>
    %scan3A = arith.constant 0 : i32
    %scan3A_2 = arith.constant 640 : i32
    %scan3A_3 = arith.addi %scan3A, %scan3A_2 : i32
    %scan3A_4 = arith.constant 1 : i32
    scf.for %scan3A_15 = %scan3A to %scan3A_3 step %scan3A_4  : i32 {
      %mul3A_16 = arith.constant 16 : i32
      %mul3A_17 = arith.muli %scan3A_15, %mul3A_16 : i32
      %add3A_18 = arith.constant 0 : i32
      %add3A_19 = arith.addi %add3A_18, %mul3A_17 : i32
      %swap3A = arith.index_cast %add3A_19 : i32 to index
      %swap3A_20 = tpu.vector_load %arg7[%swap3A] {strides = array<i32>} : memref<10240xf32, #tpu.memory_space<vmem>>, vector<16xf32>,
      tpu.vector_store %arg7[%swap3A], %broadcast_in_dim3A_1 {strides = array<i32>} : memref<10240xf32, #tpu.memory_space<vmem>>, vector<16xf32>,
    }
    %scan3A_5 = arith.constant 640 : i32
    %mul3A_6 = arith.constant 10000 : i32
    %mul3A_7 = arith.muli %add3A, %mul3A_6 : i32
    %scan3A_8 = arith.constant 0 : i32
    %scan3A_9 = arith.constant 5 : i32
    %scan3A_10 = arith.addi %scan3A_8, %scan3A_9 : i32
    %scan3A_11 = arith.constant 1 : i32
    scf.for %scan3A_15 = %scan3A_8 to %scan3A_10 step %scan3A_11  : i32 {
      %mul3A_16 = arith.constant 2000 : i32
      %mul3A_17 = arith.muli %scan3A_15, %mul3A_16 : i32
      %add3A_18 = arith.constant 0 : i32
      %add3A_19 = arith.addi %add3A_18, %mul3A_17 : i32
      %add3A_20 = arith.addi %mul3A_7, %add3A_19 : i32
      "tpu.region"() ({
        %run_scoped3A = tpu.sem_alloc : memref<!tpu.dma_semaphore, #tpu.memory_space<semaphore_mem>>
        %dma_start3A = tpu.memref_slice %arg2[%add3A_20] : memref<320000xi32, #tpu.memory_space<hbm>> -> memref<2000xi32, #tpu.memory_space<hbm>>
        %dma_start3A_27 = tpu.memref_slice %arg2[%add3A_20] : memref<320000xi32, #tpu.memory_space<hbm>> -> memref<2000xi32, #tpu.memory_space<hbm>>
        tpu.enqueue_dma source(%dma_start3A_27 : memref<2000xi32, #tpu.memory_space<hbm>>) target(%arg5 : memref<2000xi32, #tpu.memory_space<vmem>>) target_semaphore(%run_scoped3A : memref<!tpu.dma_semaphore, #tpu.memory_space<semaphore_mem>>)
        %dma_wait3A = tpu.memref_slice %arg2[%add3A_20] : memref<320000xi32, #tpu.memory_space<hbm>> -> memref<2000xi32, #tpu.memory_space<hbm>>
        %dma_wait3A_28 = tpu.memref_slice %arg2[%add3A_20] : memref<320000xi32, #tpu.memory_space<hbm>> -> memref<2000xi32, #tpu.memory_space<hbm>>
        tpu.wait_dma2 semaphore(%run_scoped3A : memref<!tpu.dma_semaphore, #tpu.memory_space<semaphore_mem>>) src(%dma_wait3A_28 : memref<2000xi32, #tpu.memory_space<hbm>>) dst(%arg5 : memref<2000xi32, #tpu.memory_space<vmem>>)
        tpu.yield
      }) : () -> ()
      %add3A_21 = arith.addi %mul3A_7, %add3A_19 : i32
      "tpu.region"() ({
        %run_scoped3A = tpu.sem_alloc : memref<!tpu.dma_semaphore, #tpu.memory_space<semaphore_mem>>
        %dma_start3A = tpu.memref_slice %arg3[%add3A_21] : memref<320000xf32, #tpu.memory_space<hbm>> -> memref<2000xf32, #tpu.memory_space<hbm>>
        %dma_start3A_27 = tpu.memref_slice %arg3[%add3A_21] : memref<320000xf32, #tpu.memory_space<hbm>> -> memref<2000xf32, #tpu.memory_space<hbm>>
        tpu.enqueue_dma source(%dma_start3A_27 : memref<2000xf32, #tpu.memory_space<hbm>>) target(%arg6 : memref<2000xf32, #tpu.memory_space<vmem>>) target_semaphore(%run_scoped3A : memref<!tpu.dma_semaphore, #tpu.memory_space<semaphore_mem>>)
        %dma_wait3A = tpu.memref_slice %arg3[%add3A_21] : memref<320000xf32, #tpu.memory_space<hbm>> -> memref<2000xf32, #tpu.memory_space<hbm>>
        %dma_wait3A_28 = tpu.memref_slice %arg3[%add3A_21] : memref<320000xf32, #tpu.memory_space<hbm>> -> memref<2000xf32, #tpu.memory_space<hbm>>
        tpu.wait_dma2 semaphore(%run_scoped3A : memref<!tpu.dma_semaphore, #tpu.memory_space<semaphore_mem>>) src(%dma_wait3A_28 : memref<2000xf32, #tpu.memory_space<hbm>>) dst(%arg6 : memref<2000xf32, #tpu.memory_space<vmem>>)
        tpu.yield
      }) : () -> ()
      %scan3A_22 = arith.constant 0 : i32
      %scan3A_23 = arith.constant 125 : i32
      %scan3A_24 = arith.addi %scan3A_22, %scan3A_23 : i32
      %scan3A_25 = arith.constant 1 : i32
      scf.for %scan3A_27 = %scan3A_22 to %scan3A_24 step %scan3A_25  : i32 {
        %mul3A_28 = arith.constant 16 : i32
        %mul3A_29 = arith.muli %scan3A_27, %mul3A_28 : i32
        %add3A_30 = arith.constant 0 : i32
        %add3A_31 = arith.addi %add3A_30, %mul3A_29 : i32
        %get3A = arith.index_cast %add3A_31 : i32 to index
        %get3A_32 = tpu.vector_load %arg5[%get3A] {strides = array<i32>} : memref<2000xi32, #tpu.memory_space<vmem>>, vector<16xi32>,
        %get3A_33 = arith.index_cast %add3A_31 : i32 to index
        %get3A_34 = tpu.vector_load %arg6[%get3A_33] {strides = array<i32>} : memref<2000xf32, #tpu.memory_space<vmem>>, vector<16xf32>,
        tpu.vector_store_idx %arg7[%get3A_32], %get3A_34 {add = true} : memref<10240xf32, #tpu.memory_space<vmem>>[vector<16xi32>], vector<16xf32>,
      }
      %scan3A_26 = arith.constant 125 : i32
    }
    %scan3A_12 = arith.constant 5 : i32
    %mul3A_13 = arith.constant 10240 : i32
    %mul3A_14 = arith.muli %add3A, %mul3A_13 : i32
    "tpu.region"() ({
      %run_scoped3A = tpu.sem_alloc : memref<!tpu.dma_semaphore, #tpu.memory_space<semaphore_mem>>
      %dma_start3A = tpu.memref_slice %arg4[%mul3A_14] : memref<327680xf32, #tpu.memory_space<hbm>> -> memref<10240xf32, #tpu.memory_space<hbm>>
      %dma_start3A_15 = tpu.memref_slice %arg4[%mul3A_14] : memref<327680xf32, #tpu.memory_space<hbm>> -> memref<10240xf32, #tpu.memory_space<hbm>>
      tpu.enqueue_dma source(%arg7 : memref<10240xf32, #tpu.memory_space<vmem>>) target(%dma_start3A_15 : memref<10240xf32, #tpu.memory_space<hbm>>) target_semaphore(%run_scoped3A : memref<!tpu.dma_semaphore, #tpu.memory_space<semaphore_mem>>)
      %dma_wait3A = tpu.memref_slice %arg4[%mul3A_14] : memref<327680xf32, #tpu.memory_space<hbm>> -> memref<10240xf32, #tpu.memory_space<hbm>>
      %dma_wait3A_16 = tpu.memref_slice %arg4[%mul3A_14] : memref<327680xf32, #tpu.memory_space<hbm>> -> memref<10240xf32, #tpu.memory_space<hbm>>
      tpu.wait_dma2 semaphore(%run_scoped3A : memref<!tpu.dma_semaphore, #tpu.memory_space<semaphore_mem>>) src(%arg7 : memref<10240xf32, #tpu.memory_space<vmem>>) dst(%dma_wait3A_16 : memref<10240xf32, #tpu.memory_space<hbm>>)
      tpu.yield
    }) : () -> ()
    return
  }
}

#map = affine_map<(d0, d1) -> (0, 0)>
#map1 = affine_map<(d0, d1) -> (0)>
#map2 = affine_map<(d0, d1) -> (0, 0, 0)>
module attributes {stable_mosaic.version = 14 : i64} {
  func.func @_prop(%arg0: i32, %arg1: i32, %arg2: memref<10000x128xf32, #tpu.memory_space<hbm>>, %arg3: memref<320000xi32, #tpu.memory_space<hbm>>, %arg4: memref<320000xi32, #tpu.memory_space<hbm>>, %arg5: memref<320000xf32, #tpu.memory_space<hbm>>, %arg6: memref<2x10000x128xf32, #tpu.memory_space<hbm>>, %arg7: memref<10000xi32, #tpu.memory_space<vmem>>, %arg8: memref<10000xi32, #tpu.memory_space<vmem>>, %arg9: memref<10000xf32, #tpu.memory_space<vmem>>, %arg10: memref<80x128xf32, #tpu.memory_space<vmem>>, %arg11: memref<80x128xf32, #tpu.memory_space<vmem>>, %arg12: memref<!tpu.dma_semaphore, #tpu.memory_space<semaphore_mem>>, %arg13: memref<!tpu.dma_semaphore, #tpu.memory_space<semaphore_mem>>, %arg14: memref<!tpu.dma_semaphore, #tpu.memory_space<semaphore_mem>>, %arg15: memref<!tpu.dma_semaphore, #tpu.memory_space<semaphore_mem>>, %arg16: memref<10000x128xf32, #tpu.memory_space<vmem_shared>>) attributes {dimension_semantics = [#tpu.dimension_semantics<core_parallel>, #tpu.dimension_semantics<subcore_parallel>], iteration_bounds = array<i64: 2, 16>, scalar_prefetch = 0 : i64, scratch_operands = 10 : i64, tpu.core_type = #tpu.core_type<sc_vector_subcore>, window_params = [{transform_indices = #map}, {transform_indices = #map1}, {transform_indices = #map1}, {transform_indices = #map1}, {transform_indices = #map2}]} {
    %mul3A = arith.constant 2 : i32
    %mul3A_0 = arith.muli %arg1, %mul3A : i32
    %add3A = arith.addi %mul3A_0, %arg0 : i32
    %broadcast_in_dim3A = arith.constant 0.000000e+00 : f32
    %broadcast_in_dim3A_1 = vector.broadcast %broadcast_in_dim3A : f32 to vector<16xf32>
    %mul3A_2 = arith.constant 10000 : i32
    %mul3A_3 = arith.muli %add3A, %mul3A_2 : i32
    "tpu.region"() ({
      %run_scoped3A = tpu.sem_alloc : memref<!tpu.dma_semaphore, #tpu.memory_space<semaphore_mem>>
      %dma_start3A_71 = tpu.memref_slice %arg3[%mul3A_3] : memref<320000xi32, #tpu.memory_space<hbm>> -> memref<10000xi32, #tpu.memory_space<hbm>>
      %dma_start3A_72 = tpu.memref_slice %arg3[%mul3A_3] : memref<320000xi32, #tpu.memory_space<hbm>> -> memref<10000xi32, #tpu.memory_space<hbm>>
      tpu.enqueue_dma source(%dma_start3A_72 : memref<10000xi32, #tpu.memory_space<hbm>>) target(%arg7 : memref<10000xi32, #tpu.memory_space<vmem>>) target_semaphore(%run_scoped3A : memref<!tpu.dma_semaphore, #tpu.memory_space<semaphore_mem>>)
      %dma_wait3A_73 = tpu.memref_slice %arg3[%mul3A_3] : memref<320000xi32, #tpu.memory_space<hbm>> -> memref<10000xi32, #tpu.memory_space<hbm>>
      %dma_wait3A_74 = tpu.memref_slice %arg3[%mul3A_3] : memref<320000xi32, #tpu.memory_space<hbm>> -> memref<10000xi32, #tpu.memory_space<hbm>>
      tpu.wait_dma2 semaphore(%run_scoped3A : memref<!tpu.dma_semaphore, #tpu.memory_space<semaphore_mem>>) src(%dma_wait3A_74 : memref<10000xi32, #tpu.memory_space<hbm>>) dst(%arg7 : memref<10000xi32, #tpu.memory_space<vmem>>)
      tpu.yield
    }) : () -> ()
    "tpu.region"() ({
      %run_scoped3A = tpu.sem_alloc : memref<!tpu.dma_semaphore, #tpu.memory_space<semaphore_mem>>
      %dma_start3A_71 = tpu.memref_slice %arg4[%mul3A_3] : memref<320000xi32, #tpu.memory_space<hbm>> -> memref<10000xi32, #tpu.memory_space<hbm>>
      %dma_start3A_72 = tpu.memref_slice %arg4[%mul3A_3] : memref<320000xi32, #tpu.memory_space<hbm>> -> memref<10000xi32, #tpu.memory_space<hbm>>
      tpu.enqueue_dma source(%dma_start3A_72 : memref<10000xi32, #tpu.memory_space<hbm>>) target(%arg8 : memref<10000xi32, #tpu.memory_space<vmem>>) target_semaphore(%run_scoped3A : memref<!tpu.dma_semaphore, #tpu.memory_space<semaphore_mem>>)
      %dma_wait3A_73 = tpu.memref_slice %arg4[%mul3A_3] : memref<320000xi32, #tpu.memory_space<hbm>> -> memref<10000xi32, #tpu.memory_space<hbm>>
      %dma_wait3A_74 = tpu.memref_slice %arg4[%mul3A_3] : memref<320000xi32, #tpu.memory_space<hbm>> -> memref<10000xi32, #tpu.memory_space<hbm>>
      tpu.wait_dma2 semaphore(%run_scoped3A : memref<!tpu.dma_semaphore, #tpu.memory_space<semaphore_mem>>) src(%dma_wait3A_74 : memref<10000xi32, #tpu.memory_space<hbm>>) dst(%arg8 : memref<10000xi32, #tpu.memory_space<vmem>>)
      tpu.yield
    }) : () -> ()
    "tpu.region"() ({
      %run_scoped3A = tpu.sem_alloc : memref<!tpu.dma_semaphore, #tpu.memory_space<semaphore_mem>>
      %dma_start3A_71 = tpu.memref_slice %arg5[%mul3A_3] : memref<320000xf32, #tpu.memory_space<hbm>> -> memref<10000xf32, #tpu.memory_space<hbm>>
      %dma_start3A_72 = tpu.memref_slice %arg5[%mul3A_3] : memref<320000xf32, #tpu.memory_space<hbm>> -> memref<10000xf32, #tpu.memory_space<hbm>>
      tpu.enqueue_dma source(%dma_start3A_72 : memref<10000xf32, #tpu.memory_space<hbm>>) target(%arg9 : memref<10000xf32, #tpu.memory_space<vmem>>) target_semaphore(%run_scoped3A : memref<!tpu.dma_semaphore, #tpu.memory_space<semaphore_mem>>)
      %dma_wait3A_73 = tpu.memref_slice %arg5[%mul3A_3] : memref<320000xf32, #tpu.memory_space<hbm>> -> memref<10000xf32, #tpu.memory_space<hbm>>
      %dma_wait3A_74 = tpu.memref_slice %arg5[%mul3A_3] : memref<320000xf32, #tpu.memory_space<hbm>> -> memref<10000xf32, #tpu.memory_space<hbm>>
      tpu.wait_dma2 semaphore(%run_scoped3A : memref<!tpu.dma_semaphore, #tpu.memory_space<semaphore_mem>>) src(%dma_wait3A_74 : memref<10000xf32, #tpu.memory_space<hbm>>) dst(%arg9 : memref<10000xf32, #tpu.memory_space<vmem>>)
      tpu.yield
    }) : () -> ()
    %scan3A = arith.constant 0 : i32
    %scan3A_4 = arith.constant 80 : i32
    %scan3A_5 = arith.addi %scan3A, %scan3A_4 : i32
    %scan3A_6 = arith.constant 1 : i32
    scf.for %scan3A_71 = %scan3A to %scan3A_5 step %scan3A_6  : i32 {
      %mul3A_72 = arith.constant 1 : i32
      %mul3A_73 = arith.muli %scan3A_71, %mul3A_72 : i32
      %add3A_74 = arith.constant 0 : i32
      %add3A_75 = arith.addi %add3A_74, %mul3A_73 : i32
      %swap3A = arith.index_cast %add3A_75 : i32 to index
      %swap3A_76 = arith.constant 0 : index
      %swap3A_77 = tpu.vector_load %arg10[%swap3A, %swap3A_76] {strides = array<i32>} : memref<80x128xf32, #tpu.memory_space<vmem>>, vector<16xf32>,
      tpu.vector_store %arg10[%swap3A, %swap3A_76], %broadcast_in_dim3A_1 {strides = array<i32>} : memref<80x128xf32, #tpu.memory_space<vmem>>, vector<16xf32>,
      %swap3A_78 = arith.index_cast %add3A_75 : i32 to index
      %swap3A_79 = arith.constant 16 : index
      %swap3A_80 = tpu.vector_load %arg10[%swap3A_78, %swap3A_79] {strides = array<i32>} : memref<80x128xf32, #tpu.memory_space<vmem>>, vector<16xf32>,
      tpu.vector_store %arg10[%swap3A_78, %swap3A_79], %broadcast_in_dim3A_1 {strides = array<i32>} : memref<80x128xf32, #tpu.memory_space<vmem>>, vector<16xf32>,
      %swap3A_81 = arith.index_cast %add3A_75 : i32 to index
      %swap3A_82 = arith.constant 32 : index
      %swap3A_83 = tpu.vector_load %arg10[%swap3A_81, %swap3A_82] {strides = array<i32>} : memref<80x128xf32, #tpu.memory_space<vmem>>, vector<16xf32>,
      tpu.vector_store %arg10[%swap3A_81, %swap3A_82], %broadcast_in_dim3A_1 {strides = array<i32>} : memref<80x128xf32, #tpu.memory_space<vmem>>, vector<16xf32>,
      %swap3A_84 = arith.index_cast %add3A_75 : i32 to index
      %swap3A_85 = arith.constant 48 : index
      %swap3A_86 = tpu.vector_load %arg10[%swap3A_84, %swap3A_85] {strides = array<i32>} : memref<80x128xf32, #tpu.memory_space<vmem>>, vector<16xf32>,
      tpu.vector_store %arg10[%swap3A_84, %swap3A_85], %broadcast_in_dim3A_1 {strides = array<i32>} : memref<80x128xf32, #tpu.memory_space<vmem>>, vector<16xf32>,
      %swap3A_87 = arith.index_cast %add3A_75 : i32 to index
      %swap3A_88 = arith.constant 64 : index
      %swap3A_89 = tpu.vector_load %arg10[%swap3A_87, %swap3A_88] {strides = array<i32>} : memref<80x128xf32, #tpu.memory_space<vmem>>, vector<16xf32>,
      tpu.vector_store %arg10[%swap3A_87, %swap3A_88], %broadcast_in_dim3A_1 {strides = array<i32>} : memref<80x128xf32, #tpu.memory_space<vmem>>, vector<16xf32>,
      %swap3A_90 = arith.index_cast %add3A_75 : i32 to index
      %swap3A_91 = arith.constant 80 : index
      %swap3A_92 = tpu.vector_load %arg10[%swap3A_90, %swap3A_91] {strides = array<i32>} : memref<80x128xf32, #tpu.memory_space<vmem>>, vector<16xf32>,
      tpu.vector_store %arg10[%swap3A_90, %swap3A_91], %broadcast_in_dim3A_1 {strides = array<i32>} : memref<80x128xf32, #tpu.memory_space<vmem>>, vector<16xf32>,
      %swap3A_93 = arith.index_cast %add3A_75 : i32 to index
      %swap3A_94 = arith.constant 96 : index
      %swap3A_95 = tpu.vector_load %arg10[%swap3A_93, %swap3A_94] {strides = array<i32>} : memref<80x128xf32, #tpu.memory_space<vmem>>, vector<16xf32>,
      tpu.vector_store %arg10[%swap3A_93, %swap3A_94], %broadcast_in_dim3A_1 {strides = array<i32>} : memref<80x128xf32, #tpu.memory_space<vmem>>, vector<16xf32>,
      %swap3A_96 = arith.index_cast %add3A_75 : i32 to index
      %swap3A_97 = arith.constant 112 : index
      %swap3A_98 = tpu.vector_load %arg10[%swap3A_96, %swap3A_97] {strides = array<i32>} : memref<80x128xf32, #tpu.memory_space<vmem>>, vector<16xf32>,
      tpu.vector_store %arg10[%swap3A_96, %swap3A_97], %broadcast_in_dim3A_1 {strides = array<i32>} : memref<80x128xf32, #tpu.memory_space<vmem>>, vector<16xf32>,
    }
    %scan3A_7 = arith.constant 80 : i32
    %mul3A_8 = arith.constant 625 : i32
    %mul3A_9 = arith.muli %arg1, %mul3A_8 : i32
    %scan3A_10 = arith.constant 0 : i32
    %scan3A_11 = arith.constant 7 : i32
    %scan3A_12 = arith.addi %scan3A_10, %scan3A_11 : i32
    %scan3A_13 = arith.constant 1 : i32
    scf.for %scan3A_71 = %scan3A_10 to %scan3A_12 step %scan3A_13  : i32 {
      %mul3A_72 = arith.constant 1 : i32
      %mul3A_73 = arith.muli %scan3A_71, %mul3A_72 : i32
      %add3A_74 = arith.constant 0 : i32
      %add3A_75 = arith.addi %add3A_74, %mul3A_73 : i32
      %mul3A_76 = arith.constant 80 : i32
      %mul3A_77 = arith.muli %add3A_75, %mul3A_76 : i32
      %add3A_78 = arith.addi %mul3A_9, %mul3A_77 : i32
      "tpu.region"() ({
        %run_scoped3A = tpu.sem_alloc : memref<!tpu.dma_semaphore, #tpu.memory_space<semaphore_mem>>
        %dma_start3A_79 = arith.constant 0 : i32
        %dma_start3A_80 = tpu.memref_slice %arg16[%add3A_78, %dma_start3A_79] : memref<10000x128xf32, #tpu.memory_space<vmem_shared>> -> memref<80x128xf32, #tpu.memory_space<vmem_shared>>
        %dma_start3A_81 = arith.constant 0 : i32
        %dma_start3A_82 = tpu.memref_slice %arg16[%add3A_78, %dma_start3A_81] : memref<10000x128xf32, #tpu.memory_space<vmem_shared>> -> memref<80x128xf32, #tpu.memory_space<vmem_shared>>
        tpu.enqueue_dma source(%arg10 : memref<80x128xf32, #tpu.memory_space<vmem>>) target(%dma_start3A_82 : memref<80x128xf32, #tpu.memory_space<vmem_shared>>) target_semaphore(%run_scoped3A : memref<!tpu.dma_semaphore, #tpu.memory_space<semaphore_mem>>)
        %dma_wait3A_83 = arith.constant 0 : i32
        %dma_wait3A_84 = tpu.memref_slice %arg16[%add3A_78, %dma_wait3A_83] : memref<10000x128xf32, #tpu.memory_space<vmem_shared>> -> memref<80x128xf32, #tpu.memory_space<vmem_shared>>
        %dma_wait3A_85 = arith.constant 0 : i32
        %dma_wait3A_86 = tpu.memref_slice %arg16[%add3A_78, %dma_wait3A_85] : memref<10000x128xf32, #tpu.memory_space<vmem_shared>> -> memref<80x128xf32, #tpu.memory_space<vmem_shared>>
        tpu.wait_dma2 semaphore(%run_scoped3A : memref<!tpu.dma_semaphore, #tpu.memory_space<semaphore_mem>>) src(%arg10 : memref<80x128xf32, #tpu.memory_space<vmem>>) dst(%dma_wait3A_86 : memref<80x128xf32, #tpu.memory_space<vmem_shared>>)
        tpu.yield
      }) : () -> ()
    }
    %scan3A_14 = arith.constant 7 : i32
    %add3A_15 = arith.constant 560 : i32
    %add3A_16 = arith.addi %mul3A_9, %add3A_15 : i32
    "tpu.region"() ({
      %run_scoped3A = tpu.sem_alloc : memref<!tpu.dma_semaphore, #tpu.memory_space<semaphore_mem>>
      %dma_start3A_71 = arith.constant 0 : i32
      %dma_start3A_72 = arith.constant 0 : i32
      %dma_start3A_73 = tpu.memref_slice %arg10[%dma_start3A_71, %dma_start3A_72] : memref<80x128xf32, #tpu.memory_space<vmem>> -> memref<65x128xf32, #tpu.memory_space<vmem>>
      %dma_start3A_74 = arith.constant 0 : i32
      %dma_start3A_75 = tpu.memref_slice %arg16[%add3A_16, %dma_start3A_74] : memref<10000x128xf32, #tpu.memory_space<vmem_shared>> -> memref<65x128xf32, #tpu.memory_space<vmem_shared>>
      %dma_start3A_76 = arith.constant 0 : i32
      %dma_start3A_77 = tpu.memref_slice %arg16[%add3A_16, %dma_start3A_76] : memref<10000x128xf32, #tpu.memory_space<vmem_shared>> -> memref<65x128xf32, #tpu.memory_space<vmem_shared>>
      %dma_start3A_78 = arith.constant 0 : i32
      %dma_start3A_79 = arith.constant 0 : i32
      %dma_start3A_80 = tpu.memref_slice %arg10[%dma_start3A_78, %dma_start3A_79] : memref<80x128xf32, #tpu.memory_space<vmem>> -> memref<65x128xf32, #tpu.memory_space<vmem>>
      tpu.enqueue_dma source(%dma_start3A_80 : memref<65x128xf32, #tpu.memory_space<vmem>>) target(%dma_start3A_77 : memref<65x128xf32, #tpu.memory_space<vmem_shared>>) target_semaphore(%run_scoped3A : memref<!tpu.dma_semaphore, #tpu.memory_space<semaphore_mem>>)
      %dma_wait3A_81 = arith.constant 0 : i32
      %dma_wait3A_82 = arith.constant 0 : i32
      %dma_wait3A_83 = tpu.memref_slice %arg10[%dma_wait3A_81, %dma_wait3A_82] : memref<80x128xf32, #tpu.memory_space<vmem>> -> memref<65x128xf32, #tpu.memory_space<vmem>>
      %dma_wait3A_84 = arith.constant 0 : i32
      %dma_wait3A_85 = tpu.memref_slice %arg16[%add3A_16, %dma_wait3A_84] : memref<10000x128xf32, #tpu.memory_space<vmem_shared>> -> memref<65x128xf32, #tpu.memory_space<vmem_shared>>
      %dma_wait3A_86 = arith.constant 0 : i32
      %dma_wait3A_87 = tpu.memref_slice %arg16[%add3A_16, %dma_wait3A_86] : memref<10000x128xf32, #tpu.memory_space<vmem_shared>> -> memref<65x128xf32, #tpu.memory_space<vmem_shared>>
      %dma_wait3A_88 = arith.constant 0 : i32
      %dma_wait3A_89 = arith.constant 0 : i32
      %dma_wait3A_90 = tpu.memref_slice %arg10[%dma_wait3A_88, %dma_wait3A_89] : memref<80x128xf32, #tpu.memory_space<vmem>> -> memref<65x128xf32, #tpu.memory_space<vmem>>
      tpu.wait_dma2 semaphore(%run_scoped3A : memref<!tpu.dma_semaphore, #tpu.memory_space<semaphore_mem>>) src(%dma_wait3A_90 : memref<65x128xf32, #tpu.memory_space<vmem>>) dst(%dma_wait3A_87 : memref<65x128xf32, #tpu.memory_space<vmem_shared>>)
      tpu.yield
    }) : () -> ()
    %barrier3A = arith.constant 0 : index
    tpu.barrier barrier_id(%barrier3A)
    %dma_start3A = arith.constant 0 : i32
    %dma_start3A_17 = arith.constant 0 : i32
    %dma_start3A_18 = tpu.memref_slice %arg10[%dma_start3A, %dma_start3A_17] : memref<80x128xf32, #tpu.memory_space<vmem>> -> memref<80x128xf32, #tpu.memory_space<vmem>>
    %dma_start3A_19 = arith.constant 0 : i32
    %dma_start3A_20 = tpu.memref_slice %arg7[%dma_start3A_19] : memref<10000xi32, #tpu.memory_space<vmem>> -> memref<80xi32, #tpu.memory_space<vmem>>
    %dma_start3A_21 = arith.constant 0 : i32
    %dma_start3A_22 = arith.constant 0 : i32
    %dma_start3A_23 = tpu.memref_slice %arg2[%dma_start3A_21, %dma_start3A_22] : memref<10000x128xf32, #tpu.memory_space<hbm>> -> memref<10000x128xf32, #tpu.memory_space<hbm>>
    tpu.enqueue_indirect_dma source(%dma_start3A_23 : memref<10000x128xf32, #tpu.memory_space<hbm>>) target(%dma_start3A_18 : memref<80x128xf32, #tpu.memory_space<vmem>>) offsets(%dma_start3A_20 : memref<80xi32, #tpu.memory_space<vmem>>) semaphore(%arg12 : memref<!tpu.dma_semaphore, #tpu.memory_space<semaphore_mem>>)
    %dma_start3A_24 = arith.constant 0 : i32
    %dma_start3A_25 = arith.constant 0 : i32
    %dma_start3A_26 = tpu.memref_slice %arg11[%dma_start3A_24, %dma_start3A_25] : memref<80x128xf32, #tpu.memory_space<vmem>> -> memref<80x128xf32, #tpu.memory_space<vmem>>
    %dma_start3A_27 = arith.constant 80 : i32
    %dma_start3A_28 = tpu.memref_slice %arg7[%dma_start3A_27] : memref<10000xi32, #tpu.memory_space<vmem>> -> memref<80xi32, #tpu.memory_space<vmem>>
    %dma_start3A_29 = arith.constant 0 : i32
    %dma_start3A_30 = arith.constant 0 : i32
    %dma_start3A_31 = tpu.memref_slice %arg2[%dma_start3A_29, %dma_start3A_30] : memref<10000x128xf32, #tpu.memory_space<hbm>> -> memref<10000x128xf32, #tpu.memory_space<hbm>>
    tpu.enqueue_indirect_dma source(%dma_start3A_31 : memref<10000x128xf32, #tpu.memory_space<hbm>>) target(%dma_start3A_26 : memref<80x128xf32, #tpu.memory_space<vmem>>) offsets(%dma_start3A_28 : memref<80xi32, #tpu.memory_space<vmem>>) semaphore(%arg13 : memref<!tpu.dma_semaphore, #tpu.memory_space<semaphore_mem>>)
    %scan3A_32 = arith.constant 0 : i32
    %scan3A_33 = arith.constant 62 : i32
    %scan3A_34 = arith.addi %scan3A_32, %scan3A_33 : i32
    %scan3A_35 = arith.constant 1 : i32
    scf.for %scan3A_71 = %scan3A_32 to %scan3A_34 step %scan3A_35  : i32 {
      %mul3A_72 = arith.constant 2 : i32
      %mul3A_73 = arith.muli %scan3A_71, %mul3A_72 : i32
      %add3A_74 = arith.constant 0 : i32
      %add3A_75 = arith.addi %add3A_74, %mul3A_73 : i32
      %dma_wait3A_76 = arith.constant 0 : i32
      %dma_wait3A_77 = arith.constant 0 : i32
      %dma_wait3A_78 = tpu.memref_slice %arg10[%dma_wait3A_76, %dma_wait3A_77] : memref<80x128xf32, #tpu.memory_space<vmem>> -> memref<80x128xf32, #tpu.memory_space<vmem>>
      %dma_wait3A_79 = arith.constant 0 : i32
      %dma_wait3A_80 = tpu.memref_slice %arg7[%dma_wait3A_79] : memref<10000xi32, #tpu.memory_space<vmem>> -> memref<80xi32, #tpu.memory_space<vmem>>
      %dma_wait3A_81 = arith.constant 0 : i32
      %dma_wait3A_82 = arith.constant 0 : i32
      %dma_wait3A_83 = tpu.memref_slice %arg2[%dma_wait3A_81, %dma_wait3A_82] : memref<10000x128xf32, #tpu.memory_space<hbm>> -> memref<10000x128xf32, #tpu.memory_space<hbm>>
      tpu.wait_indirect_dma semaphore(%arg12 : memref<!tpu.dma_semaphore, #tpu.memory_space<semaphore_mem>>) src(%dma_wait3A_83 : memref<10000x128xf32, #tpu.memory_space<hbm>>) dst(%dma_wait3A_78 : memref<80x128xf32, #tpu.memory_space<vmem>>)
      %parallel_loop3A_84 = arith.constant 0 : i32
      %parallel_loop3A_85 = arith.constant 80 : i32
      %parallel_loop3A_86 = arith.constant 1 : i32
      scf.for %parallel_loop3A_143 = %parallel_loop3A_84 to %parallel_loop3A_85 step %parallel_loop3A_86  : i32 {
        %parallel_loop3A_144 = arith.constant 80 : i32
        %parallel_loop3A_145 = arith.muli %add3A_75, %parallel_loop3A_144 : i32
        %parallel_loop3A_146 = arith.addi %parallel_loop3A_145, %parallel_loop3A_143 : i32
        %parallel_loop3A_147 = vector.broadcast %parallel_loop3A_146 : i32 to vector<16xi32>
        %parallel_loop3A_148 = tpu.vector_load_idx %arg9[%parallel_loop3A_147] : memref<10000xf32, #tpu.memory_space<vmem>>[vector<16xi32>], vector<16xf32>,
        %parallel_loop3A_149 = arith.index_cast %parallel_loop3A_143 : i32 to index
        %parallel_loop3A_150 = arith.constant 0 : index
        %parallel_loop3A_151 = tpu.vector_load %arg10[%parallel_loop3A_149, %parallel_loop3A_150] {strides = array<i32>} : memref<80x128xf32, #tpu.memory_space<vmem>>, vector<16xf32>,
        %parallel_loop3A_152 = arith.mulf %parallel_loop3A_151, %parallel_loop3A_148 : vector<16xf32>
        %parallel_loop3A_153 = arith.index_cast %parallel_loop3A_143 : i32 to index
        %parallel_loop3A_154 = arith.constant 0 : index
        %parallel_loop3A_155 = tpu.vector_load %arg10[%parallel_loop3A_153, %parallel_loop3A_154] {strides = array<i32>} : memref<80x128xf32, #tpu.memory_space<vmem>>, vector<16xf32>,
        tpu.vector_store %arg10[%parallel_loop3A_153, %parallel_loop3A_154], %parallel_loop3A_152 {strides = array<i32>} : memref<80x128xf32, #tpu.memory_space<vmem>>, vector<16xf32>,
        %parallel_loop3A_156 = arith.index_cast %parallel_loop3A_143 : i32 to index
        %parallel_loop3A_157 = arith.constant 16 : index
        %parallel_loop3A_158 = tpu.vector_load %arg10[%parallel_loop3A_156, %parallel_loop3A_157] {strides = array<i32>} : memref<80x128xf32, #tpu.memory_space<vmem>>, vector<16xf32>,
        %parallel_loop3A_159 = arith.mulf %parallel_loop3A_158, %parallel_loop3A_148 : vector<16xf32>
        %parallel_loop3A_160 = arith.index_cast %parallel_loop3A_143 : i32 to index
        %parallel_loop3A_161 = arith.constant 16 : index
        %parallel_loop3A_162 = tpu.vector_load %arg10[%parallel_loop3A_160, %parallel_loop3A_161] {strides = array<i32>} : memref<80x128xf32, #tpu.memory_space<vmem>>, vector<16xf32>,
        tpu.vector_store %arg10[%parallel_loop3A_160, %parallel_loop3A_161], %parallel_loop3A_159 {strides = array<i32>} : memref<80x128xf32, #tpu.memory_space<vmem>>, vector<16xf32>,
        %parallel_loop3A_163 = arith.index_cast %parallel_loop3A_143 : i32 to index
        %parallel_loop3A_164 = arith.constant 32 : index
        %parallel_loop3A_165 = tpu.vector_load %arg10[%parallel_loop3A_163, %parallel_loop3A_164] {strides = array<i32>} : memref<80x128xf32, #tpu.memory_space<vmem>>, vector<16xf32>,
        %parallel_loop3A_166 = arith.mulf %parallel_loop3A_165, %parallel_loop3A_148 : vector<16xf32>
        %parallel_loop3A_167 = arith.index_cast %parallel_loop3A_143 : i32 to index
        %parallel_loop3A_168 = arith.constant 32 : index
        %parallel_loop3A_169 = tpu.vector_load %arg10[%parallel_loop3A_167, %parallel_loop3A_168] {strides = array<i32>} : memref<80x128xf32, #tpu.memory_space<vmem>>, vector<16xf32>,
        tpu.vector_store %arg10[%parallel_loop3A_167, %parallel_loop3A_168], %parallel_loop3A_166 {strides = array<i32>} : memref<80x128xf32, #tpu.memory_space<vmem>>, vector<16xf32>,
        %parallel_loop3A_170 = arith.index_cast %parallel_loop3A_143 : i32 to index
        %parallel_loop3A_171 = arith.constant 48 : index
        %parallel_loop3A_172 = tpu.vector_load %arg10[%parallel_loop3A_170, %parallel_loop3A_171] {strides = array<i32>} : memref<80x128xf32, #tpu.memory_space<vmem>>, vector<16xf32>,
        %parallel_loop3A_173 = arith.mulf %parallel_loop3A_172, %parallel_loop3A_148 : vector<16xf32>
        %parallel_loop3A_174 = arith.index_cast %parallel_loop3A_143 : i32 to index
        %parallel_loop3A_175 = arith.constant 48 : index
        %parallel_loop3A_176 = tpu.vector_load %arg10[%parallel_loop3A_174, %parallel_loop3A_175] {strides = array<i32>} : memref<80x128xf32, #tpu.memory_space<vmem>>, vector<16xf32>,
        tpu.vector_store %arg10[%parallel_loop3A_174, %parallel_loop3A_175], %parallel_loop3A_173 {strides = array<i32>} : memref<80x128xf32, #tpu.memory_space<vmem>>, vector<16xf32>,
        %parallel_loop3A_177 = arith.index_cast %parallel_loop3A_143 : i32 to index
        %parallel_loop3A_178 = arith.constant 64 : index
        %parallel_loop3A_179 = tpu.vector_load %arg10[%parallel_loop3A_177, %parallel_loop3A_178] {strides = array<i32>} : memref<80x128xf32, #tpu.memory_space<vmem>>, vector<16xf32>,
        %parallel_loop3A_180 = arith.mulf %parallel_loop3A_179, %parallel_loop3A_148 : vector<16xf32>
        %parallel_loop3A_181 = arith.index_cast %parallel_loop3A_143 : i32 to index
        %parallel_loop3A_182 = arith.constant 64 : index
        %parallel_loop3A_183 = tpu.vector_load %arg10[%parallel_loop3A_181, %parallel_loop3A_182] {strides = array<i32>} : memref<80x128xf32, #tpu.memory_space<vmem>>, vector<16xf32>,
        tpu.vector_store %arg10[%parallel_loop3A_181, %parallel_loop3A_182], %parallel_loop3A_180 {strides = array<i32>} : memref<80x128xf32, #tpu.memory_space<vmem>>, vector<16xf32>,
        %parallel_loop3A_184 = arith.index_cast %parallel_loop3A_143 : i32 to index
        %parallel_loop3A_185 = arith.constant 80 : index
        %parallel_loop3A_186 = tpu.vector_load %arg10[%parallel_loop3A_184, %parallel_loop3A_185] {strides = array<i32>} : memref<80x128xf32, #tpu.memory_space<vmem>>, vector<16xf32>,
        %parallel_loop3A_187 = arith.mulf %parallel_loop3A_186, %parallel_loop3A_148 : vector<16xf32>
        %parallel_loop3A_188 = arith.index_cast %parallel_loop3A_143 : i32 to index
        %parallel_loop3A_189 = arith.constant 80 : index
        %parallel_loop3A_190 = tpu.vector_load %arg10[%parallel_loop3A_188, %parallel_loop3A_189] {strides = array<i32>} : memref<80x128xf32, #tpu.memory_space<vmem>>, vector<16xf32>,
        tpu.vector_store %arg10[%parallel_loop3A_188, %parallel_loop3A_189], %parallel_loop3A_187 {strides = array<i32>} : memref<80x128xf32, #tpu.memory_space<vmem>>, vector<16xf32>,
        %parallel_loop3A_191 = arith.index_cast %parallel_loop3A_143 : i32 to index
        %parallel_loop3A_192 = arith.constant 96 : index
        %parallel_loop3A_193 = tpu.vector_load %arg10[%parallel_loop3A_191, %parallel_loop3A_192] {strides = array<i32>} : memref<80x128xf32, #tpu.memory_space<vmem>>, vector<16xf32>,
        %parallel_loop3A_194 = arith.mulf %parallel_loop3A_193, %parallel_loop3A_148 : vector<16xf32>
        %parallel_loop3A_195 = arith.index_cast %parallel_loop3A_143 : i32 to index
        %parallel_loop3A_196 = arith.constant 96 : index
        %parallel_loop3A_197 = tpu.vector_load %arg10[%parallel_loop3A_195, %parallel_loop3A_196] {strides = array<i32>} : memref<80x128xf32, #tpu.memory_space<vmem>>, vector<16xf32>,
        tpu.vector_store %arg10[%parallel_loop3A_195, %parallel_loop3A_196], %parallel_loop3A_194 {strides = array<i32>} : memref<80x128xf32, #tpu.memory_space<vmem>>, vector<16xf32>,
        %parallel_loop3A_198 = arith.index_cast %parallel_loop3A_143 : i32 to index
        %parallel_loop3A_199 = arith.constant 112 : index
        %parallel_loop3A_200 = tpu.vector_load %arg10[%parallel_loop3A_198, %parallel_loop3A_199] {strides = array<i32>} : memref<80x128xf32, #tpu.memory_space<vmem>>, vector<16xf32>,
        %parallel_loop3A_201 = arith.mulf %parallel_loop3A_200, %parallel_loop3A_148 : vector<16xf32>
        %parallel_loop3A_202 = arith.index_cast %parallel_loop3A_143 : i32 to index
        %parallel_loop3A_203 = arith.constant 112 : index
        %parallel_loop3A_204 = tpu.vector_load %arg10[%parallel_loop3A_202, %parallel_loop3A_203] {strides = array<i32>} : memref<80x128xf32, #tpu.memory_space<vmem>>, vector<16xf32>,
        tpu.vector_store %arg10[%parallel_loop3A_202, %parallel_loop3A_203], %parallel_loop3A_201 {strides = array<i32>} : memref<80x128xf32, #tpu.memory_space<vmem>>, vector<16xf32>,
      } {sc.loop_unroll_factor = 4 : i64, sc.parallel_access}
      %mul3A_87 = arith.constant 80 : i32
      %mul3A_88 = arith.muli %add3A_75, %mul3A_87 : i32
      %dma_start3A_89 = arith.constant 0 : i32
      %dma_start3A_90 = arith.constant 0 : i32
      %dma_start3A_91 = tpu.memref_slice %arg10[%dma_start3A_89, %dma_start3A_90] : memref<80x128xf32, #tpu.memory_space<vmem>> -> memref<80x128xf32, #tpu.memory_space<vmem>>
      %dma_start3A_92 = tpu.memref_slice %arg8[%mul3A_88] : memref<10000xi32, #tpu.memory_space<vmem>> -> memref<80xi32, #tpu.memory_space<vmem>>
      %dma_start3A_93 = arith.constant 0 : i32
      %dma_start3A_94 = arith.constant 0 : i32
      %dma_start3A_95 = tpu.memref_slice %arg16[%dma_start3A_93, %dma_start3A_94] : memref<10000x128xf32, #tpu.memory_space<vmem_shared>> -> memref<10000x128xf32, #tpu.memory_space<vmem_shared>>
      tpu.enqueue_indirect_dma source(%dma_start3A_91 : memref<80x128xf32, #tpu.memory_space<vmem>>) target(%dma_start3A_95 : memref<10000x128xf32, #tpu.memory_space<vmem_shared>>) offsets(%dma_start3A_92 : memref<80xi32, #tpu.memory_space<vmem>>) semaphore(%arg14 : memref<!tpu.dma_semaphore, #tpu.memory_space<semaphore_mem>>) {add = true}
      %dma_wait3A_96 = arith.constant 0 : i32
      %dma_wait3A_97 = arith.constant 0 : i32
      %dma_wait3A_98 = tpu.memref_slice %arg11[%dma_wait3A_96, %dma_wait3A_97] : memref<80x128xf32, #tpu.memory_space<vmem>> -> memref<80x128xf32, #tpu.memory_space<vmem>>
      %dma_wait3A_99 = arith.constant 0 : i32
      %dma_wait3A_100 = tpu.memref_slice %arg7[%dma_wait3A_99] : memref<10000xi32, #tpu.memory_space<vmem>> -> memref<80xi32, #tpu.memory_space<vmem>>
      %dma_wait3A_101 = arith.constant 0 : i32
      %dma_wait3A_102 = arith.constant 0 : i32
      %dma_wait3A_103 = tpu.memref_slice %arg2[%dma_wait3A_101, %dma_wait3A_102] : memref<10000x128xf32, #tpu.memory_space<hbm>> -> memref<10000x128xf32, #tpu.memory_space<hbm>>
      tpu.wait_indirect_dma semaphore(%arg13 : memref<!tpu.dma_semaphore, #tpu.memory_space<semaphore_mem>>) src(%dma_wait3A_103 : memref<10000x128xf32, #tpu.memory_space<hbm>>) dst(%dma_wait3A_98 : memref<80x128xf32, #tpu.memory_space<vmem>>)
      %add3A_104 = arith.constant 1 : i32
      %add3A_105 = arith.addi %add3A_75, %add3A_104 : i32
      %parallel_loop3A_106 = arith.constant 0 : i32
      %parallel_loop3A_107 = arith.constant 80 : i32
      %parallel_loop3A_108 = arith.constant 1 : i32
      scf.for %parallel_loop3A_143 = %parallel_loop3A_106 to %parallel_loop3A_107 step %parallel_loop3A_108  : i32 {
        %parallel_loop3A_144 = arith.constant 80 : i32
        %parallel_loop3A_145 = arith.muli %add3A_105, %parallel_loop3A_144 : i32
        %parallel_loop3A_146 = arith.addi %parallel_loop3A_145, %parallel_loop3A_143 : i32
        %parallel_loop3A_147 = vector.broadcast %parallel_loop3A_146 : i32 to vector<16xi32>
        %parallel_loop3A_148 = tpu.vector_load_idx %arg9[%parallel_loop3A_147] : memref<10000xf32, #tpu.memory_space<vmem>>[vector<16xi32>], vector<16xf32>,
        %parallel_loop3A_149 = arith.index_cast %parallel_loop3A_143 : i32 to index
        %parallel_loop3A_150 = arith.constant 0 : index
        %parallel_loop3A_151 = tpu.vector_load %arg11[%parallel_loop3A_149, %parallel_loop3A_150] {strides = array<i32>} : memref<80x128xf32, #tpu.memory_space<vmem>>, vector<16xf32>,
        %parallel_loop3A_152 = arith.mulf %parallel_loop3A_151, %parallel_loop3A_148 : vector<16xf32>
        %parallel_loop3A_153 = arith.index_cast %parallel_loop3A_143 : i32 to index
        %parallel_loop3A_154 = arith.constant 0 : index
        %parallel_loop3A_155 = tpu.vector_load %arg11[%parallel_loop3A_153, %parallel_loop3A_154] {strides = array<i32>} : memref<80x128xf32, #tpu.memory_space<vmem>>, vector<16xf32>,
        tpu.vector_store %arg11[%parallel_loop3A_153, %parallel_loop3A_154], %parallel_loop3A_152 {strides = array<i32>} : memref<80x128xf32, #tpu.memory_space<vmem>>, vector<16xf32>,
        %parallel_loop3A_156 = arith.index_cast %parallel_loop3A_143 : i32 to index
        %parallel_loop3A_157 = arith.constant 16 : index
        %parallel_loop3A_158 = tpu.vector_load %arg11[%parallel_loop3A_156, %parallel_loop3A_157] {strides = array<i32>} : memref<80x128xf32, #tpu.memory_space<vmem>>, vector<16xf32>,
        %parallel_loop3A_159 = arith.mulf %parallel_loop3A_158, %parallel_loop3A_148 : vector<16xf32>
        %parallel_loop3A_160 = arith.index_cast %parallel_loop3A_143 : i32 to index
        %parallel_loop3A_161 = arith.constant 16 : index
        %parallel_loop3A_162 = tpu.vector_load %arg11[%parallel_loop3A_160, %parallel_loop3A_161] {strides = array<i32>} : memref<80x128xf32, #tpu.memory_space<vmem>>, vector<16xf32>,
        tpu.vector_store %arg11[%parallel_loop3A_160, %parallel_loop3A_161], %parallel_loop3A_159 {strides = array<i32>} : memref<80x128xf32, #tpu.memory_space<vmem>>, vector<16xf32>,
        %parallel_loop3A_163 = arith.index_cast %parallel_loop3A_143 : i32 to index
        %parallel_loop3A_164 = arith.constant 32 : index
        %parallel_loop3A_165 = tpu.vector_load %arg11[%parallel_loop3A_163, %parallel_loop3A_164] {strides = array<i32>} : memref<80x128xf32, #tpu.memory_space<vmem>>, vector<16xf32>,
        %parallel_loop3A_166 = arith.mulf %parallel_loop3A_165, %parallel_loop3A_148 : vector<16xf32>
        %parallel_loop3A_167 = arith.index_cast %parallel_loop3A_143 : i32 to index
        %parallel_loop3A_168 = arith.constant 32 : index
        %parallel_loop3A_169 = tpu.vector_load %arg11[%parallel_loop3A_167, %parallel_loop3A_168] {strides = array<i32>} : memref<80x128xf32, #tpu.memory_space<vmem>>, vector<16xf32>,
        tpu.vector_store %arg11[%parallel_loop3A_167, %parallel_loop3A_168], %parallel_loop3A_166 {strides = array<i32>} : memref<80x128xf32, #tpu.memory_space<vmem>>, vector<16xf32>,
        %parallel_loop3A_170 = arith.index_cast %parallel_loop3A_143 : i32 to index
        %parallel_loop3A_171 = arith.constant 48 : index
        %parallel_loop3A_172 = tpu.vector_load %arg11[%parallel_loop3A_170, %parallel_loop3A_171] {strides = array<i32>} : memref<80x128xf32, #tpu.memory_space<vmem>>, vector<16xf32>,
        %parallel_loop3A_173 = arith.mulf %parallel_loop3A_172, %parallel_loop3A_148 : vector<16xf32>
        %parallel_loop3A_174 = arith.index_cast %parallel_loop3A_143 : i32 to index
        %parallel_loop3A_175 = arith.constant 48 : index
        %parallel_loop3A_176 = tpu.vector_load %arg11[%parallel_loop3A_174, %parallel_loop3A_175] {strides = array<i32>} : memref<80x128xf32, #tpu.memory_space<vmem>>, vector<16xf32>,
        tpu.vector_store %arg11[%parallel_loop3A_174, %parallel_loop3A_175], %parallel_loop3A_173 {strides = array<i32>} : memref<80x128xf32, #tpu.memory_space<vmem>>, vector<16xf32>,
        %parallel_loop3A_177 = arith.index_cast %parallel_loop3A_143 : i32 to index
        %parallel_loop3A_178 = arith.constant 64 : index
        %parallel_loop3A_179 = tpu.vector_load %arg11[%parallel_loop3A_177, %parallel_loop3A_178] {strides = array<i32>} : memref<80x128xf32, #tpu.memory_space<vmem>>, vector<16xf32>,
        %parallel_loop3A_180 = arith.mulf %parallel_loop3A_179, %parallel_loop3A_148 : vector<16xf32>
        %parallel_loop3A_181 = arith.index_cast %parallel_loop3A_143 : i32 to index
        %parallel_loop3A_182 = arith.constant 64 : index
        %parallel_loop3A_183 = tpu.vector_load %arg11[%parallel_loop3A_181, %parallel_loop3A_182] {strides = array<i32>} : memref<80x128xf32, #tpu.memory_space<vmem>>, vector<16xf32>,
        tpu.vector_store %arg11[%parallel_loop3A_181, %parallel_loop3A_182], %parallel_loop3A_180 {strides = array<i32>} : memref<80x128xf32, #tpu.memory_space<vmem>>, vector<16xf32>,
        %parallel_loop3A_184 = arith.index_cast %parallel_loop3A_143 : i32 to index
        %parallel_loop3A_185 = arith.constant 80 : index
        %parallel_loop3A_186 = tpu.vector_load %arg11[%parallel_loop3A_184, %parallel_loop3A_185] {strides = array<i32>} : memref<80x128xf32, #tpu.memory_space<vmem>>, vector<16xf32>,
        %parallel_loop3A_187 = arith.mulf %parallel_loop3A_186, %parallel_loop3A_148 : vector<16xf32>
        %parallel_loop3A_188 = arith.index_cast %parallel_loop3A_143 : i32 to index
        %parallel_loop3A_189 = arith.constant 80 : index
        %parallel_loop3A_190 = tpu.vector_load %arg11[%parallel_loop3A_188, %parallel_loop3A_189] {strides = array<i32>} : memref<80x128xf32, #tpu.memory_space<vmem>>, vector<16xf32>,
        tpu.vector_store %arg11[%parallel_loop3A_188, %parallel_loop3A_189], %parallel_loop3A_187 {strides = array<i32>} : memref<80x128xf32, #tpu.memory_space<vmem>>, vector<16xf32>,
        %parallel_loop3A_191 = arith.index_cast %parallel_loop3A_143 : i32 to index
        %parallel_loop3A_192 = arith.constant 96 : index
        %parallel_loop3A_193 = tpu.vector_load %arg11[%parallel_loop3A_191, %parallel_loop3A_192] {strides = array<i32>} : memref<80x128xf32, #tpu.memory_space<vmem>>, vector<16xf32>,
        %parallel_loop3A_194 = arith.mulf %parallel_loop3A_193, %parallel_loop3A_148 : vector<16xf32>
        %parallel_loop3A_195 = arith.index_cast %parallel_loop3A_143 : i32 to index
        %parallel_loop3A_196 = arith.constant 96 : index
        %parallel_loop3A_197 = tpu.vector_load %arg11[%parallel_loop3A_195, %parallel_loop3A_196] {strides = array<i32>} : memref<80x128xf32, #tpu.memory_space<vmem>>, vector<16xf32>,
        tpu.vector_store %arg11[%parallel_loop3A_195, %parallel_loop3A_196], %parallel_loop3A_194 {strides = array<i32>} : memref<80x128xf32, #tpu.memory_space<vmem>>, vector<16xf32>,
        %parallel_loop3A_198 = arith.index_cast %parallel_loop3A_143 : i32 to index
        %parallel_loop3A_199 = arith.constant 112 : index
        %parallel_loop3A_200 = tpu.vector_load %arg11[%parallel_loop3A_198, %parallel_loop3A_199] {strides = array<i32>} : memref<80x128xf32, #tpu.memory_space<vmem>>, vector<16xf32>,
        %parallel_loop3A_201 = arith.mulf %parallel_loop3A_200, %parallel_loop3A_148 : vector<16xf32>
        %parallel_loop3A_202 = arith.index_cast %parallel_loop3A_143 : i32 to index
        %parallel_loop3A_203 = arith.constant 112 : index
        %parallel_loop3A_204 = tpu.vector_load %arg11[%parallel_loop3A_202, %parallel_loop3A_203] {strides = array<i32>} : memref<80x128xf32, #tpu.memory_space<vmem>>, vector<16xf32>,
        tpu.vector_store %arg11[%parallel_loop3A_202, %parallel_loop3A_203], %parallel_loop3A_201 {strides = array<i32>} : memref<80x128xf32, #tpu.memory_space<vmem>>, vector<16xf32>,
      } {sc.loop_unroll_factor = 4 : i64, sc.parallel_access}
      %add3A_109 = arith.constant 1 : i32
      %add3A_110 = arith.addi %add3A_75, %add3A_109 : i32
      %mul3A_111 = arith.constant 80 : i32
      %mul3A_112 = arith.muli %add3A_110, %mul3A_111 : i32
      %dma_start3A_113 = arith.constant 0 : i32
      %dma_start3A_114 = arith.constant 0 : i32
      %dma_start3A_115 = tpu.memref_slice %arg11[%dma_start3A_113, %dma_start3A_114] : memref<80x128xf32, #tpu.memory_space<vmem>> -> memref<80x128xf32, #tpu.memory_space<vmem>>
      %dma_start3A_116 = tpu.memref_slice %arg8[%mul3A_112] : memref<10000xi32, #tpu.memory_space<vmem>> -> memref<80xi32, #tpu.memory_space<vmem>>
      %dma_start3A_117 = arith.constant 0 : i32
      %dma_start3A_118 = arith.constant 0 : i32
      %dma_start3A_119 = tpu.memref_slice %arg16[%dma_start3A_117, %dma_start3A_118] : memref<10000x128xf32, #tpu.memory_space<vmem_shared>> -> memref<10000x128xf32, #tpu.memory_space<vmem_shared>>
      tpu.enqueue_indirect_dma source(%dma_start3A_115 : memref<80x128xf32, #tpu.memory_space<vmem>>) target(%dma_start3A_119 : memref<10000x128xf32, #tpu.memory_space<vmem_shared>>) offsets(%dma_start3A_116 : memref<80xi32, #tpu.memory_space<vmem>>) semaphore(%arg15 : memref<!tpu.dma_semaphore, #tpu.memory_space<semaphore_mem>>) {add = true}
      %dma_wait3A_120 = arith.constant 0 : i32
      %dma_wait3A_121 = arith.constant 0 : i32
      %dma_wait3A_122 = tpu.memref_slice %arg10[%dma_wait3A_120, %dma_wait3A_121] : memref<80x128xf32, #tpu.memory_space<vmem>> -> memref<80x128xf32, #tpu.memory_space<vmem>>
      %dma_wait3A_123 = arith.constant 0 : i32
      %dma_wait3A_124 = tpu.memref_slice %arg8[%dma_wait3A_123] : memref<10000xi32, #tpu.memory_space<vmem>> -> memref<80xi32, #tpu.memory_space<vmem>>
      %dma_wait3A_125 = arith.constant 0 : i32
      %dma_wait3A_126 = arith.constant 0 : i32
      %dma_wait3A_127 = tpu.memref_slice %arg16[%dma_wait3A_125, %dma_wait3A_126] : memref<10000x128xf32, #tpu.memory_space<vmem_shared>> -> memref<10000x128xf32, #tpu.memory_space<vmem_shared>>
      tpu.wait_indirect_dma semaphore(%arg14 : memref<!tpu.dma_semaphore, #tpu.memory_space<semaphore_mem>>) src(%dma_wait3A_122 : memref<80x128xf32, #tpu.memory_space<vmem>>) dst(%dma_wait3A_127 : memref<10000x128xf32, #tpu.memory_space<vmem_shared>>)
      %lt3A = arith.constant 122 : i32
      %lt3A_128 = arith.cmpi slt, %add3A_75, %lt3A : i32
      %convert_element_type3A = arith.extui %lt3A_128 : i1 to i32
      %cond3A = arith.constant 0 : i32
      %cond3A_129 = arith.cmpi ne, %convert_element_type3A, %cond3A : i32
      scf.if %cond3A_129 {
        %add3A_143 = arith.constant 2 : i32
        %add3A_144 = arith.addi %add3A_75, %add3A_143 : i32
        %mul3A_145 = arith.constant 80 : i32
        %mul3A_146 = arith.muli %add3A_144, %mul3A_145 : i32
        %dma_start3A_147 = arith.constant 0 : i32
        %dma_start3A_148 = arith.constant 0 : i32
        %dma_start3A_149 = tpu.memref_slice %arg10[%dma_start3A_147, %dma_start3A_148] : memref<80x128xf32, #tpu.memory_space<vmem>> -> memref<80x128xf32, #tpu.memory_space<vmem>>
        %dma_start3A_150 = tpu.memref_slice %arg7[%mul3A_146] : memref<10000xi32, #tpu.memory_space<vmem>> -> memref<80xi32, #tpu.memory_space<vmem>>
        %dma_start3A_151 = arith.constant 0 : i32
        %dma_start3A_152 = arith.constant 0 : i32
        %dma_start3A_153 = tpu.memref_slice %arg2[%dma_start3A_151, %dma_start3A_152] : memref<10000x128xf32, #tpu.memory_space<hbm>> -> memref<10000x128xf32, #tpu.memory_space<hbm>>
        tpu.enqueue_indirect_dma source(%dma_start3A_153 : memref<10000x128xf32, #tpu.memory_space<hbm>>) target(%dma_start3A_149 : memref<80x128xf32, #tpu.memory_space<vmem>>) offsets(%dma_start3A_150 : memref<80xi32, #tpu.memory_space<vmem>>) semaphore(%arg12 : memref<!tpu.dma_semaphore, #tpu.memory_space<semaphore_mem>>)
      } else {
      }
      %dma_wait3A_130 = arith.constant 0 : i32
      %dma_wait3A_131 = arith.constant 0 : i32
      %dma_wait3A_132 = tpu.memref_slice %arg11[%dma_wait3A_130, %dma_wait3A_131] : memref<80x128xf32, #tpu.memory_space<vmem>> -> memref<80x128xf32, #tpu.memory_space<vmem>>
      %dma_wait3A_133 = arith.constant 0 : i32
      %dma_wait3A_134 = tpu.memref_slice %arg8[%dma_wait3A_133] : memref<10000xi32, #tpu.memory_space<vmem>> -> memref<80xi32, #tpu.memory_space<vmem>>
      %dma_wait3A_135 = arith.constant 0 : i32
      %dma_wait3A_136 = arith.constant 0 : i32
      %dma_wait3A_137 = tpu.memref_slice %arg16[%dma_wait3A_135, %dma_wait3A_136] : memref<10000x128xf32, #tpu.memory_space<vmem_shared>> -> memref<10000x128xf32, #tpu.memory_space<vmem_shared>>
      tpu.wait_indirect_dma semaphore(%arg15 : memref<!tpu.dma_semaphore, #tpu.memory_space<semaphore_mem>>) src(%dma_wait3A_132 : memref<80x128xf32, #tpu.memory_space<vmem>>) dst(%dma_wait3A_137 : memref<10000x128xf32, #tpu.memory_space<vmem_shared>>)
      %lt3A_138 = arith.constant 122 : i32
      %lt3A_139 = arith.cmpi slt, %add3A_75, %lt3A_138 : i32
      %convert_element_type3A_140 = arith.extui %lt3A_139 : i1 to i32
      %cond3A_141 = arith.constant 0 : i32
      %cond3A_142 = arith.cmpi ne, %convert_element_type3A_140, %cond3A_141 : i32
      scf.if %cond3A_142 {
        %add3A_143 = arith.constant 3 : i32
        %add3A_144 = arith.addi %add3A_75, %add3A_143 : i32
        %mul3A_145 = arith.constant 80 : i32
        %mul3A_146 = arith.muli %add3A_144, %mul3A_145 : i32
        %dma_start3A_147 = arith.constant 0 : i32
        %dma_start3A_148 = arith.constant 0 : i32
        %dma_start3A_149 = tpu.memref_slice %arg11[%dma_start3A_147, %dma_start3A_148] : memref<80x128xf32, #tpu.memory_space<vmem>> -> memref<80x128xf32, #tpu.memory_space<vmem>>
        %dma_start3A_150 = tpu.memref_slice %arg7[%mul3A_146] : memref<10000xi32, #tpu.memory_space<vmem>> -> memref<80xi32, #tpu.memory_space<vmem>>
        %dma_start3A_151 = arith.constant 0 : i32
        %dma_start3A_152 = arith.constant 0 : i32
        %dma_start3A_153 = tpu.memref_slice %arg2[%dma_start3A_151, %dma_start3A_152] : memref<10000x128xf32, #tpu.memory_space<hbm>> -> memref<10000x128xf32, #tpu.memory_space<hbm>>
        tpu.enqueue_indirect_dma source(%dma_start3A_153 : memref<10000x128xf32, #tpu.memory_space<hbm>>) target(%dma_start3A_149 : memref<80x128xf32, #tpu.memory_space<vmem>>) offsets(%dma_start3A_150 : memref<80xi32, #tpu.memory_space<vmem>>) semaphore(%arg13 : memref<!tpu.dma_semaphore, #tpu.memory_space<semaphore_mem>>)
      } else {
      }
    }
    %scan3A_36 = arith.constant 62 : i32
    %dma_start3A_37 = arith.constant 0 : i32
    %dma_start3A_38 = arith.constant 0 : i32
    %dma_start3A_39 = tpu.memref_slice %arg10[%dma_start3A_37, %dma_start3A_38] : memref<80x128xf32, #tpu.memory_space<vmem>> -> memref<80x128xf32, #tpu.memory_space<vmem>>
    %dma_start3A_40 = arith.constant 9920 : i32
    %dma_start3A_41 = tpu.memref_slice %arg7[%dma_start3A_40] : memref<10000xi32, #tpu.memory_space<vmem>> -> memref<80xi32, #tpu.memory_space<vmem>>
    %dma_start3A_42 = arith.constant 0 : i32
    %dma_start3A_43 = arith.constant 0 : i32
    %dma_start3A_44 = tpu.memref_slice %arg2[%dma_start3A_42, %dma_start3A_43] : memref<10000x128xf32, #tpu.memory_space<hbm>> -> memref<10000x128xf32, #tpu.memory_space<hbm>>
    tpu.enqueue_indirect_dma source(%dma_start3A_44 : memref<10000x128xf32, #tpu.memory_space<hbm>>) target(%dma_start3A_39 : memref<80x128xf32, #tpu.memory_space<vmem>>) offsets(%dma_start3A_41 : memref<80xi32, #tpu.memory_space<vmem>>) semaphore(%arg12 : memref<!tpu.dma_semaphore, #tpu.memory_space<semaphore_mem>>)
    %dma_wait3A = arith.constant 0 : i32
    %dma_wait3A_45 = arith.constant 0 : i32
    %dma_wait3A_46 = tpu.memref_slice %arg10[%dma_wait3A, %dma_wait3A_45] : memref<80x128xf32, #tpu.memory_space<vmem>> -> memref<80x128xf32, #tpu.memory_space<vmem>>
    %dma_wait3A_47 = arith.constant 0 : i32
    %dma_wait3A_48 = tpu.memref_slice %arg7[%dma_wait3A_47] : memref<10000xi32, #tpu.memory_space<vmem>> -> memref<80xi32, #tpu.memory_space<vmem>>
    %dma_wait3A_49 = arith.constant 0 : i32
    %dma_wait3A_50 = arith.constant 0 : i32
    %dma_wait3A_51 = tpu.memref_slice %arg2[%dma_wait3A_49, %dma_wait3A_50] : memref<10000x128xf32, #tpu.memory_space<hbm>> -> memref<10000x128xf32, #tpu.memory_space<hbm>>
    tpu.wait_indirect_dma semaphore(%arg12 : memref<!tpu.dma_semaphore, #tpu.memory_space<semaphore_mem>>) src(%dma_wait3A_51 : memref<10000x128xf32, #tpu.memory_space<hbm>>) dst(%dma_wait3A_46 : memref<80x128xf32, #tpu.memory_space<vmem>>)
    %parallel_loop3A = arith.constant 0 : i32
    %parallel_loop3A_52 = arith.constant 80 : i32
    %parallel_loop3A_53 = arith.constant 1 : i32
    scf.for %parallel_loop3A_71 = %parallel_loop3A to %parallel_loop3A_52 step %parallel_loop3A_53  : i32 {
      %parallel_loop3A_72 = arith.constant 9920 : i32
      %parallel_loop3A_73 = arith.addi %parallel_loop3A_72, %parallel_loop3A_71 : i32
      %parallel_loop3A_74 = vector.broadcast %parallel_loop3A_73 : i32 to vector<16xi32>
      %parallel_loop3A_75 = tpu.vector_load_idx %arg9[%parallel_loop3A_74] : memref<10000xf32, #tpu.memory_space<vmem>>[vector<16xi32>], vector<16xf32>,
      %parallel_loop3A_76 = arith.index_cast %parallel_loop3A_71 : i32 to index
      %parallel_loop3A_77 = arith.constant 0 : index
      %parallel_loop3A_78 = tpu.vector_load %arg10[%parallel_loop3A_76, %parallel_loop3A_77] {strides = array<i32>} : memref<80x128xf32, #tpu.memory_space<vmem>>, vector<16xf32>,
      %parallel_loop3A_79 = arith.mulf %parallel_loop3A_78, %parallel_loop3A_75 : vector<16xf32>
      %parallel_loop3A_80 = arith.index_cast %parallel_loop3A_71 : i32 to index
      %parallel_loop3A_81 = arith.constant 0 : index
      %parallel_loop3A_82 = tpu.vector_load %arg10[%parallel_loop3A_80, %parallel_loop3A_81] {strides = array<i32>} : memref<80x128xf32, #tpu.memory_space<vmem>>, vector<16xf32>,
      tpu.vector_store %arg10[%parallel_loop3A_80, %parallel_loop3A_81], %parallel_loop3A_79 {strides = array<i32>} : memref<80x128xf32, #tpu.memory_space<vmem>>, vector<16xf32>,
      %parallel_loop3A_83 = arith.index_cast %parallel_loop3A_71 : i32 to index
      %parallel_loop3A_84 = arith.constant 16 : index
      %parallel_loop3A_85 = tpu.vector_load %arg10[%parallel_loop3A_83, %parallel_loop3A_84] {strides = array<i32>} : memref<80x128xf32, #tpu.memory_space<vmem>>, vector<16xf32>,
      %parallel_loop3A_86 = arith.mulf %parallel_loop3A_85, %parallel_loop3A_75 : vector<16xf32>
      %parallel_loop3A_87 = arith.index_cast %parallel_loop3A_71 : i32 to index
      %parallel_loop3A_88 = arith.constant 16 : index
      %parallel_loop3A_89 = tpu.vector_load %arg10[%parallel_loop3A_87, %parallel_loop3A_88] {strides = array<i32>} : memref<80x128xf32, #tpu.memory_space<vmem>>, vector<16xf32>,
      tpu.vector_store %arg10[%parallel_loop3A_87, %parallel_loop3A_88], %parallel_loop3A_86 {strides = array<i32>} : memref<80x128xf32, #tpu.memory_space<vmem>>, vector<16xf32>,
      %parallel_loop3A_90 = arith.index_cast %parallel_loop3A_71 : i32 to index
      %parallel_loop3A_91 = arith.constant 32 : index
      %parallel_loop3A_92 = tpu.vector_load %arg10[%parallel_loop3A_90, %parallel_loop3A_91] {strides = array<i32>} : memref<80x128xf32, #tpu.memory_space<vmem>>, vector<16xf32>,
      %parallel_loop3A_93 = arith.mulf %parallel_loop3A_92, %parallel_loop3A_75 : vector<16xf32>
      %parallel_loop3A_94 = arith.index_cast %parallel_loop3A_71 : i32 to index
      %parallel_loop3A_95 = arith.constant 32 : index
      %parallel_loop3A_96 = tpu.vector_load %arg10[%parallel_loop3A_94, %parallel_loop3A_95] {strides = array<i32>} : memref<80x128xf32, #tpu.memory_space<vmem>>, vector<16xf32>,
      tpu.vector_store %arg10[%parallel_loop3A_94, %parallel_loop3A_95], %parallel_loop3A_93 {strides = array<i32>} : memref<80x128xf32, #tpu.memory_space<vmem>>, vector<16xf32>,
      %parallel_loop3A_97 = arith.index_cast %parallel_loop3A_71 : i32 to index
      %parallel_loop3A_98 = arith.constant 48 : index
      %parallel_loop3A_99 = tpu.vector_load %arg10[%parallel_loop3A_97, %parallel_loop3A_98] {strides = array<i32>} : memref<80x128xf32, #tpu.memory_space<vmem>>, vector<16xf32>,
      %parallel_loop3A_100 = arith.mulf %parallel_loop3A_99, %parallel_loop3A_75 : vector<16xf32>
      %parallel_loop3A_101 = arith.index_cast %parallel_loop3A_71 : i32 to index
      %parallel_loop3A_102 = arith.constant 48 : index
      %parallel_loop3A_103 = tpu.vector_load %arg10[%parallel_loop3A_101, %parallel_loop3A_102] {strides = array<i32>} : memref<80x128xf32, #tpu.memory_space<vmem>>, vector<16xf32>,
      tpu.vector_store %arg10[%parallel_loop3A_101, %parallel_loop3A_102], %parallel_loop3A_100 {strides = array<i32>} : memref<80x128xf32, #tpu.memory_space<vmem>>, vector<16xf32>,
      %parallel_loop3A_104 = arith.index_cast %parallel_loop3A_71 : i32 to index
      %parallel_loop3A_105 = arith.constant 64 : index
      %parallel_loop3A_106 = tpu.vector_load %arg10[%parallel_loop3A_104, %parallel_loop3A_105] {strides = array<i32>} : memref<80x128xf32, #tpu.memory_space<vmem>>, vector<16xf32>,
      %parallel_loop3A_107 = arith.mulf %parallel_loop3A_106, %parallel_loop3A_75 : vector<16xf32>
      %parallel_loop3A_108 = arith.index_cast %parallel_loop3A_71 : i32 to index
      %parallel_loop3A_109 = arith.constant 64 : index
      %parallel_loop3A_110 = tpu.vector_load %arg10[%parallel_loop3A_108, %parallel_loop3A_109] {strides = array<i32>} : memref<80x128xf32, #tpu.memory_space<vmem>>, vector<16xf32>,
      tpu.vector_store %arg10[%parallel_loop3A_108, %parallel_loop3A_109], %parallel_loop3A_107 {strides = array<i32>} : memref<80x128xf32, #tpu.memory_space<vmem>>, vector<16xf32>,
      %parallel_loop3A_111 = arith.index_cast %parallel_loop3A_71 : i32 to index
      %parallel_loop3A_112 = arith.constant 80 : index
      %parallel_loop3A_113 = tpu.vector_load %arg10[%parallel_loop3A_111, %parallel_loop3A_112] {strides = array<i32>} : memref<80x128xf32, #tpu.memory_space<vmem>>, vector<16xf32>,
      %parallel_loop3A_114 = arith.mulf %parallel_loop3A_113, %parallel_loop3A_75 : vector<16xf32>
      %parallel_loop3A_115 = arith.index_cast %parallel_loop3A_71 : i32 to index
      %parallel_loop3A_116 = arith.constant 80 : index
      %parallel_loop3A_117 = tpu.vector_load %arg10[%parallel_loop3A_115, %parallel_loop3A_116] {strides = array<i32>} : memref<80x128xf32, #tpu.memory_space<vmem>>, vector<16xf32>,
      tpu.vector_store %arg10[%parallel_loop3A_115, %parallel_loop3A_116], %parallel_loop3A_114 {strides = array<i32>} : memref<80x128xf32, #tpu.memory_space<vmem>>, vector<16xf32>,
      %parallel_loop3A_118 = arith.index_cast %parallel_loop3A_71 : i32 to index
      %parallel_loop3A_119 = arith.constant 96 : index
      %parallel_loop3A_120 = tpu.vector_load %arg10[%parallel_loop3A_118, %parallel_loop3A_119] {strides = array<i32>} : memref<80x128xf32, #tpu.memory_space<vmem>>, vector<16xf32>,
      %parallel_loop3A_121 = arith.mulf %parallel_loop3A_120, %parallel_loop3A_75 : vector<16xf32>
      %parallel_loop3A_122 = arith.index_cast %parallel_loop3A_71 : i32 to index
      %parallel_loop3A_123 = arith.constant 96 : index
      %parallel_loop3A_124 = tpu.vector_load %arg10[%parallel_loop3A_122, %parallel_loop3A_123] {strides = array<i32>} : memref<80x128xf32, #tpu.memory_space<vmem>>, vector<16xf32>,
      tpu.vector_store %arg10[%parallel_loop3A_122, %parallel_loop3A_123], %parallel_loop3A_121 {strides = array<i32>} : memref<80x128xf32, #tpu.memory_space<vmem>>, vector<16xf32>,
      %parallel_loop3A_125 = arith.index_cast %parallel_loop3A_71 : i32 to index
      %parallel_loop3A_126 = arith.constant 112 : index
      %parallel_loop3A_127 = tpu.vector_load %arg10[%parallel_loop3A_125, %parallel_loop3A_126] {strides = array<i32>} : memref<80x128xf32, #tpu.memory_space<vmem>>, vector<16xf32>,
      %parallel_loop3A_128 = arith.mulf %parallel_loop3A_127, %parallel_loop3A_75 : vector<16xf32>
      %parallel_loop3A_129 = arith.index_cast %parallel_loop3A_71 : i32 to index
      %parallel_loop3A_130 = arith.constant 112 : index
      %parallel_loop3A_131 = tpu.vector_load %arg10[%parallel_loop3A_129, %parallel_loop3A_130] {strides = array<i32>} : memref<80x128xf32, #tpu.memory_space<vmem>>, vector<16xf32>,
      tpu.vector_store %arg10[%parallel_loop3A_129, %parallel_loop3A_130], %parallel_loop3A_128 {strides = array<i32>} : memref<80x128xf32, #tpu.memory_space<vmem>>, vector<16xf32>,
    } {sc.loop_unroll_factor = 4 : i64, sc.parallel_access}
    %dma_start3A_54 = arith.constant 0 : i32
    %dma_start3A_55 = arith.constant 0 : i32
    %dma_start3A_56 = tpu.memref_slice %arg10[%dma_start3A_54, %dma_start3A_55] : memref<80x128xf32, #tpu.memory_space<vmem>> -> memref<80x128xf32, #tpu.memory_space<vmem>>
    %dma_start3A_57 = arith.constant 9920 : i32
    %dma_start3A_58 = tpu.memref_slice %arg8[%dma_start3A_57] : memref<10000xi32, #tpu.memory_space<vmem>> -> memref<80xi32, #tpu.memory_space<vmem>>
    %dma_start3A_59 = arith.constant 0 : i32
    %dma_start3A_60 = arith.constant 0 : i32
    %dma_start3A_61 = tpu.memref_slice %arg16[%dma_start3A_59, %dma_start3A_60] : memref<10000x128xf32, #tpu.memory_space<vmem_shared>> -> memref<10000x128xf32, #tpu.memory_space<vmem_shared>>
    tpu.enqueue_indirect_dma source(%dma_start3A_56 : memref<80x128xf32, #tpu.memory_space<vmem>>) target(%dma_start3A_61 : memref<10000x128xf32, #tpu.memory_space<vmem_shared>>) offsets(%dma_start3A_58 : memref<80xi32, #tpu.memory_space<vmem>>) semaphore(%arg14 : memref<!tpu.dma_semaphore, #tpu.memory_space<semaphore_mem>>) {add = true}
    %dma_wait3A_62 = arith.constant 0 : i32
    %dma_wait3A_63 = arith.constant 0 : i32
    %dma_wait3A_64 = tpu.memref_slice %arg10[%dma_wait3A_62, %dma_wait3A_63] : memref<80x128xf32, #tpu.memory_space<vmem>> -> memref<80x128xf32, #tpu.memory_space<vmem>>
    %dma_wait3A_65 = arith.constant 0 : i32
    %dma_wait3A_66 = tpu.memref_slice %arg8[%dma_wait3A_65] : memref<10000xi32, #tpu.memory_space<vmem>> -> memref<80xi32, #tpu.memory_space<vmem>>
    %dma_wait3A_67 = arith.constant 0 : i32
    %dma_wait3A_68 = arith.constant 0 : i32
    %dma_wait3A_69 = tpu.memref_slice %arg16[%dma_wait3A_67, %dma_wait3A_68] : memref<10000x128xf32, #tpu.memory_space<vmem_shared>> -> memref<10000x128xf32, #tpu.memory_space<vmem_shared>>
    tpu.wait_indirect_dma semaphore(%arg14 : memref<!tpu.dma_semaphore, #tpu.memory_space<semaphore_mem>>) src(%dma_wait3A_64 : memref<80x128xf32, #tpu.memory_space<vmem>>) dst(%dma_wait3A_69 : memref<10000x128xf32, #tpu.memory_space<vmem_shared>>)
    %barrier3A_70 = arith.constant 0 : index
    tpu.barrier barrier_id(%barrier3A_70)
    "tpu.region"() ({
      %run_scoped3A = tpu.sem_alloc : memref<!tpu.dma_semaphore, #tpu.memory_space<semaphore_mem>>
      %dma_start3A_71 = arith.constant 0 : i32
      %dma_start3A_72 = tpu.memref_slice %arg6[%arg0, %mul3A_9, %dma_start3A_71] : memref<2x10000x128xf32, #tpu.memory_space<hbm>> -> memref<1x625x128xf32, #tpu.memory_space<hbm>>
      %dma_start3A_73 = tpu.memref_squeeze %dma_start3A_72 : memref<1x625x128xf32, #tpu.memory_space<hbm>> -> memref<625x128xf32, #tpu.memory_space<hbm>>
      %dma_start3A_74 = arith.constant 0 : i32
      %dma_start3A_75 = tpu.memref_slice %arg16[%mul3A_9, %dma_start3A_74] : memref<10000x128xf32, #tpu.memory_space<vmem_shared>> -> memref<625x128xf32, #tpu.memory_space<vmem_shared>>
      tpu.enqueue_dma source(%dma_start3A_75 : memref<625x128xf32, #tpu.memory_space<vmem_shared>>) target(%dma_start3A_73 : memref<625x128xf32, #tpu.memory_space<hbm>>) target_semaphore(%run_scoped3A : memref<!tpu.dma_semaphore, #tpu.memory_space<semaphore_mem>>)
      %dma_wait3A_76 = arith.constant 0 : i32
      %dma_wait3A_77 = tpu.memref_slice %arg6[%arg0, %mul3A_9, %dma_wait3A_76] : memref<2x10000x128xf32, #tpu.memory_space<hbm>> -> memref<1x625x128xf32, #tpu.memory_space<hbm>>
      %dma_wait3A_78 = tpu.memref_squeeze %dma_wait3A_77 : memref<1x625x128xf32, #tpu.memory_space<hbm>> -> memref<625x128xf32, #tpu.memory_space<hbm>>
      %dma_wait3A_79 = arith.constant 0 : i32
      %dma_wait3A_80 = tpu.memref_slice %arg16[%mul3A_9, %dma_wait3A_79] : memref<10000x128xf32, #tpu.memory_space<vmem_shared>> -> memref<625x128xf32, #tpu.memory_space<vmem_shared>>
      tpu.wait_dma2 semaphore(%run_scoped3A : memref<!tpu.dma_semaphore, #tpu.memory_space<semaphore_mem>>) src(%dma_wait3A_80 : memref<625x128xf32, #tpu.memory_space<vmem_shared>>) dst(%dma_wait3A_78 : memref<625x128xf32, #tpu.memory_space<hbm>>)
      tpu.yield
    }) : () -> ()
    return
  }
}

module attributes {stable_mosaic.version = 14 : i64} {
  func.func @_dis_body(%arg0: memref<32x10240xf32, #tpu.memory_space<vmem>>, %arg1: memref<1x10240xf32, #tpu.memory_space<vmem>>) attributes {dimension_semantics = [], scalar_prefetch = 0 : i64, scratch_operands = 0 : i64, tpu.core_type = #tpu.core_type<tc>} {
    %get3A = arith.constant 0 : index
    %get3A_0 = arith.constant 0 : index
    %get3A_1 = vector.load %arg0[%get3A, %get3A_0] : memref<32x10240xf32, #tpu.memory_space<vmem>>, vector<32x10240xf32>
    %reduce_sum3A = arith.constant dense<0.000000e+00> : vector<10240xf32>
    %reduce_sum3A_2 = vector.multi_reduction <add>, %get3A_1, %reduce_sum3A [0] : vector<32x10240xf32> to vector<10240xf32>
    %broadcast_in_dim3A = vector.shape_cast %reduce_sum3A_2 : vector<10240xf32> to vector<1x10240xf32>
    %add3A = arith.constant 1.000000e+00 : f32
    %add3A_3 = vector.broadcast %add3A : f32 to vector<1x10240xf32>
    %add3A_4 = arith.addf %broadcast_in_dim3A, %add3A_3 : vector<1x10240xf32>
    %rsqrt3A = math.rsqrt %add3A_4 : vector<1x10240xf32>
    %swap3A = arith.constant 0 : index
    %swap3A_5 = arith.constant 0 : index
    %swap3A_6 = vector.load %arg1[%swap3A, %swap3A_5] : memref<1x10240xf32, #tpu.memory_space<vmem>>, vector<1x10240xf32>
    tpu.vector_store %arg1[%swap3A, %swap3A_5], %rsqrt3A {strides = array<i32>} : memref<1x10240xf32, #tpu.memory_space<vmem>>, vector<1x10240xf32>,
    return
  }
}

module attributes {stable_mosaic.version = 14 : i64} {
  func.func @_mid_body(%arg0: memref<2x10000x128xf32, #tpu.memory_space<vmem>>, %arg1: memref<10000x128xf32, #tpu.memory_space<vmem>>, %arg2: memref<10000x1xf32, #tpu.memory_space<vmem>>, %arg3: memref<128x256xf32, #tpu.memory_space<vmem>>, %arg4: memref<256xf32, #tpu.memory_space<vmem>>, %arg5: memref<256x64xf32, #tpu.memory_space<vmem>>, %arg6: memref<10000x128xf32, #tpu.memory_space<vmem>>) attributes {dimension_semantics = [], scalar_prefetch = 0 : i64, scratch_operands = 0 : i64, tpu.core_type = #tpu.core_type<tc>} {
    %get3A = arith.constant 0 : index
    %get3A_0 = arith.constant 0 : index
    %get3A_1 = vector.load %arg2[%get3A, %get3A_0] : memref<10000x1xf32, #tpu.memory_space<vmem>>, vector<10000x1xf32>
    %get3A_2 = arith.constant 0 : index
    %get3A_3 = arith.constant 0 : index
    %get3A_4 = arith.constant 0 : index
    %get3A_5 = vector.load %arg0[%get3A_2, %get3A_3, %get3A_4] : memref<2x10000x128xf32, #tpu.memory_space<vmem>>, vector<1x10000x128xf32>
    %get3A_6 = vector.shape_cast %get3A_5 : vector<1x10000x128xf32> to vector<10000x128xf32>
    %get3A_7 = arith.constant 1 : index
    %get3A_8 = arith.constant 0 : index
    %get3A_9 = arith.constant 0 : index
    %get3A_10 = vector.load %arg0[%get3A_7, %get3A_8, %get3A_9] : memref<2x10000x128xf32, #tpu.memory_space<vmem>>, vector<1x10000x128xf32>
    %get3A_11 = vector.shape_cast %get3A_10 : vector<1x10000x128xf32> to vector<10000x128xf32>
    %add3A = arith.addf %get3A_6, %get3A_11 : vector<10000x128xf32>
    %get3A_12 = arith.constant 0 : index
    %get3A_13 = arith.constant 0 : index
    %get3A_14 = vector.load %arg1[%get3A_12, %get3A_13] : memref<10000x128xf32, #tpu.memory_space<vmem>>, vector<10000x128xf32>
    %add3A_15 = arith.addf %add3A, %get3A_14 : vector<10000x128xf32>
    %mul3A = vector.broadcast %get3A_1 : vector<10000x1xf32> to vector<10000x128xf32>
    %mul3A_16 = arith.mulf %mul3A, %add3A_15 : vector<10000x128xf32>
    %get3A_17 = arith.constant 0 : index
    %get3A_18 = arith.constant 0 : index
    %get3A_19 = vector.load %arg3[%get3A_17, %get3A_18] : memref<128x256xf32, #tpu.memory_space<vmem>>, vector<128x256xf32>
    %dot_general3A = arith.constant dense<0.000000e+00> : vector<10000x256xf32>
    %dot_general3A_20 = tpu.matmul %mul3A_16, %get3A_19, %dot_general3A {dimension_numbers = #tpu.dot_dimension_numbers<[1], [0], [0], [1], [0, 0, 1, 1], [], []>, transpose_lhs_hint = false} : vector<10000x128xf32>, vector<128x256xf32>, vector<10000x256xf32> -> vector<10000x256xf32>
    %get3A_21 = arith.constant 0 : index
    %get3A_22 = vector.load %arg4[%get3A_21] : memref<256xf32, #tpu.memory_space<vmem>>, vector<256xf32>
    %broadcast_in_dim3A = vector.shape_cast %get3A_22 : vector<256xf32> to vector<1x256xf32>
    %add3A_23 = vector.broadcast %broadcast_in_dim3A : vector<1x256xf32> to vector<10000x256xf32>
    %add3A_24 = arith.addf %dot_general3A_20, %add3A_23 : vector<10000x256xf32>
    %max3A = arith.constant 0.000000e+00 : f32
    %max3A_25 = vector.broadcast %max3A : f32 to vector<10000x256xf32>
    %max3A_26 = arith.maximumf %add3A_24, %max3A_25 : vector<10000x256xf32>
    %get3A_27 = arith.constant 0 : index
    %get3A_28 = arith.constant 0 : index
    %get3A_29 = vector.load %arg5[%get3A_27, %get3A_28] : memref<256x64xf32, #tpu.memory_space<vmem>>, vector<256x64xf32>
    %dot_general3A_30 = arith.constant dense<0.000000e+00> : vector<10000x64xf32>
    %dot_general3A_31 = tpu.matmul %max3A_26, %get3A_29, %dot_general3A_30 {dimension_numbers = #tpu.dot_dimension_numbers<[1], [0], [0], [1], [0, 0, 1, 1], [], []>, transpose_lhs_hint = false} : vector<10000x256xf32>, vector<256x64xf32>, vector<10000x64xf32> -> vector<10000x64xf32>
    %mul3A_32 = vector.broadcast %get3A_1 : vector<10000x1xf32> to vector<10000x64xf32>
    %mul3A_33 = arith.mulf %mul3A_32, %dot_general3A_31 : vector<10000x64xf32>
    %broadcast_in_dim3A_34 = arith.constant 0.000000e+00 : f32
    %broadcast_in_dim3A_35 = vector.broadcast %broadcast_in_dim3A_34 : f32 to vector<10000x64xf32>
    %concatenate3A = tpu.concatenate %mul3A_33, %broadcast_in_dim3A_35 in 1 : vector<10000x64xf32>, vector<10000x64xf32> -> vector<10000x128xf32>
    %swap3A = arith.constant 0 : index
    %swap3A_36 = arith.constant 0 : index
    %swap3A_37 = vector.load %arg6[%swap3A, %swap3A_36] : memref<10000x128xf32, #tpu.memory_space<vmem>>, vector<10000x128xf32>
    tpu.vector_store %arg6[%swap3A, %swap3A_36], %concatenate3A {strides = array<i32>} : memref<10000x128xf32, #tpu.memory_space<vmem>>, vector<10000x128xf32>,
    return
  }
}

module attributes {stable_mosaic.version = 14 : i64} {
  func.func @_prescale_body(%arg0: memref<10000x128xf32, #tpu.memory_space<vmem>>, %arg1: memref<10000x1xf32, #tpu.memory_space<vmem>>, %arg2: memref<10000x128xf32, #tpu.memory_space<vmem>>) attributes {dimension_semantics = [], scalar_prefetch = 0 : i64, scratch_operands = 0 : i64, tpu.core_type = #tpu.core_type<tc>} {
    %get3A = arith.constant 0 : index
    %get3A_0 = arith.constant 0 : index
    %get3A_1 = vector.load %arg1[%get3A, %get3A_0] : memref<10000x1xf32, #tpu.memory_space<vmem>>, vector<10000x1xf32>
    %get3A_2 = arith.constant 0 : index
    %get3A_3 = arith.constant 0 : index
    %get3A_4 = vector.load %arg0[%get3A_2, %get3A_3] : memref<10000x128xf32, #tpu.memory_space<vmem>>, vector<10000x128xf32>
    %mul3A = vector.broadcast %get3A_1 : vector<10000x1xf32> to vector<10000x128xf32>
    %mul3A_5 = arith.mulf %mul3A, %get3A_4 : vector<10000x128xf32>
    %swap3A = arith.constant 0 : index
    %swap3A_6 = arith.constant 0 : index
    %swap3A_7 = vector.load %arg2[%swap3A, %swap3A_6] : memref<10000x128xf32, #tpu.memory_space<vmem>>, vector<10000x128xf32>
    tpu.vector_store %arg2[%swap3A, %swap3A_6], %mul3A_5 {strides = array<i32>} : memref<10000x128xf32, #tpu.memory_space<vmem>>, vector<10000x128xf32>,
    return
  }
}

module attributes {stable_mosaic.version = 14 : i64} {
  func.func @_final_body(%arg0: memref<2x10000x128xf32, #tpu.memory_space<vmem>>, %arg1: memref<10000x128xf32, #tpu.memory_space<vmem>>, %arg2: memref<10000x1xf32, #tpu.memory_space<vmem>>, %arg3: memref<64xf32, #tpu.memory_space<vmem>>, %arg4: memref<10000x64xf32, #tpu.memory_space<vmem>>, %arg5: memref<10000x64xf32, #tpu.memory_space<vmem>>) attributes {dimension_semantics = [], scalar_prefetch = 0 : i64, scratch_operands = 0 : i64, tpu.core_type = #tpu.core_type<tc>} {
    %get3A = arith.constant 0 : index
    %get3A_0 = arith.constant 0 : index
    %get3A_1 = vector.load %arg2[%get3A, %get3A_0] : memref<10000x1xf32, #tpu.memory_space<vmem>>, vector<10000x1xf32>
    %get3A_2 = arith.constant 0 : index
    %get3A_3 = arith.constant 0 : index
    %get3A_4 = arith.constant 0 : index
    %get3A_5 = vector.load %arg0[%get3A_2, %get3A_3, %get3A_4] : memref<2x10000x128xf32, #tpu.memory_space<vmem>>, vector<1x10000x128xf32>
    %get3A_6 = vector.shape_cast %get3A_5 : vector<1x10000x128xf32> to vector<10000x128xf32>
    %slice3A = vector.extract_strided_slice %get3A_6 {offsets = [0, 0], sizes = [10000, 64], strides = [1, 1]} : vector<10000x128xf32> to vector<10000x64xf32>
    %get3A_7 = arith.constant 1 : index
    %get3A_8 = arith.constant 0 : index
    %get3A_9 = arith.constant 0 : index
    %get3A_10 = vector.load %arg0[%get3A_7, %get3A_8, %get3A_9] : memref<2x10000x128xf32, #tpu.memory_space<vmem>>, vector<1x10000x128xf32>
    %get3A_11 = vector.shape_cast %get3A_10 : vector<1x10000x128xf32> to vector<10000x128xf32>
    %slice3A_12 = vector.extract_strided_slice %get3A_11 {offsets = [0, 0], sizes = [10000, 64], strides = [1, 1]} : vector<10000x128xf32> to vector<10000x64xf32>
    %add3A = arith.addf %slice3A, %slice3A_12 : vector<10000x64xf32>
    %get3A_13 = arith.constant 0 : index
    %get3A_14 = arith.constant 0 : index
    %get3A_15 = vector.load %arg1[%get3A_13, %get3A_14] : memref<10000x128xf32, #tpu.memory_space<vmem>>, vector<10000x128xf32>
    %slice3A_16 = vector.extract_strided_slice %get3A_15 {offsets = [0, 0], sizes = [10000, 64], strides = [1, 1]} : vector<10000x128xf32> to vector<10000x64xf32>
    %add3A_17 = arith.addf %add3A, %slice3A_16 : vector<10000x64xf32>
    %mul3A = vector.broadcast %get3A_1 : vector<10000x1xf32> to vector<10000x64xf32>
    %mul3A_18 = arith.mulf %mul3A, %add3A_17 : vector<10000x64xf32>
    %get3A_19 = arith.constant 0 : index
    %get3A_20 = vector.load %arg3[%get3A_19] : memref<64xf32, #tpu.memory_space<vmem>>, vector<64xf32>
    %broadcast_in_dim3A = vector.shape_cast %get3A_20 : vector<64xf32> to vector<1x64xf32>
    %add3A_21 = vector.broadcast %broadcast_in_dim3A : vector<1x64xf32> to vector<10000x64xf32>
    %add3A_22 = arith.addf %mul3A_18, %add3A_21 : vector<10000x64xf32>
    %reduce_max3A = arith.constant dense<0xFF800000> : vector<10000xf32>
    %reduce_max3A_23 = vector.multi_reduction <maximumf>, %add3A_22, %reduce_max3A [1] : vector<10000x64xf32> to vector<10000xf32>
    %broadcast_in_dim3A_24 = vector.shape_cast %reduce_max3A_23 : vector<10000xf32> to vector<10000x1xf32>
    %sub3A = vector.broadcast %broadcast_in_dim3A_24 : vector<10000x1xf32> to vector<10000x64xf32>
    %sub3A_25 = arith.subf %add3A_22, %sub3A : vector<10000x64xf32>
    %exp3A = math.exp %sub3A_25 : vector<10000x64xf32>
    %reduce_sum3A = arith.constant dense<0.000000e+00> : vector<10000xf32>
    %reduce_sum3A_26 = vector.multi_reduction <add>, %exp3A, %reduce_sum3A [1] : vector<10000x64xf32> to vector<10000xf32>
    %broadcast_in_dim3A_27 = vector.shape_cast %reduce_sum3A_26 : vector<10000xf32> to vector<10000x1xf32>
    %swap3A = arith.constant 0 : index
    %swap3A_28 = arith.constant 0 : index
    %swap3A_29 = vector.load %arg4[%swap3A, %swap3A_28] : memref<10000x64xf32, #tpu.memory_space<vmem>>, vector<10000x64xf32>
    tpu.vector_store %arg4[%swap3A, %swap3A_28], %add3A_22 {strides = array<i32>} : memref<10000x64xf32, #tpu.memory_space<vmem>>, vector<10000x64xf32>,
    %log3A = math.log %broadcast_in_dim3A_27 : vector<10000x1xf32>
    %add3A_30 = arith.addf %broadcast_in_dim3A_24, %log3A : vector<10000x1xf32>
    %sub3A_31 = vector.broadcast %add3A_30 : vector<10000x1xf32> to vector<10000x64xf32>
    %sub3A_32 = arith.subf %add3A_22, %sub3A_31 : vector<10000x64xf32>
    %swap3A_33 = arith.constant 0 : index
    %swap3A_34 = arith.constant 0 : index
    %swap3A_35 = vector.load %arg5[%swap3A_33, %swap3A_34] : memref<10000x64xf32, #tpu.memory_space<vmem>>, vector<10000x64xf32>
    tpu.vector_store %arg5[%swap3A_33, %swap3A_34], %sub3A_32 {strides = array<i32>} : memref<10000x64xf32, #tpu.memory_space<vmem>>, vector<10000x64xf32>,
    return
  }
}

</mosaic_0001>

<sc_bundles>
// kernel: kernel.12.cloned.1.call-start
scs
__scs_entry_jumppad:
0x0: {  	(pc) =	sbr.rel $0x88, $3  }
0x1: {  	(tag) =	ssettag $0x0;
	lr =	simm.s32 $0x1  }
0x2: {  	[smem:$0x3F9A] =	sst lr;
	_ =	strace $0xD0000000  }
0x3: {  	_ = 	snop  }
0x4: {  	_ = 	snop  }
0x5: {  	_ = 	snop  }
0x6: {  	_ = 	snop  }
0x7: {  	_ = 	snop  }
__scs_overlays_trampoline_lowered:
0x8: {  	[smem:$0x3FA9] =	sst s0  }
0x9: {  	[smem:$0x3FAA] =	sst s1  }
0xa: {  	[smem:$0x3FAB] =	sst s2  }
0xb: {  	[smem:$0x3FAC] =	sst s3  }
0xc: {  	[smem:$0x3FAD] =	sst s4  }
0xd: {  	[smem:$0x3FAE] =	sst s5  }
0xe: {  	[smem:$0x3FAF] =	sst s6  }
0xf: {  	[smem:$0x3FB0] =	sst s7  }
0x10: {  	[smem:$0x3FB1] =	sst s8  }
0x11: {  	[smem:$0x3FB2] =	sst s9;
	s0 =	simm.s32 @!p0 $0x0  }
0x12: {  	s1 =	sld [smem:$0x3F98];
	s0 =	simm.s32 @p0 $0x1  }
0x13: {  	[smem:$0x3FB3] =	sst s0;
	s0 =	simm.s32 @!p1 $0x0  }
0x14: {  	s2 =	sld [smem:$0x3F97];
	s0 =	simm.s32 @p1 $0x1  }
0x15: {  	[smem:$0x3FB4] =	sst s0;
	s0 =	simm.s32 @!p2 $0x0  }
0x16: {  	s3 =	sld [smem:$0x3FDB];
	s0 =	simm.s32 @p2 $0x1  }
0x17: {  	s4 =	simm.s32 $0x1BF5;
	[smem:$0x3FB6] =	sst s0  }
0x18: {  	s0 =	sld [smem:$0x3F99];
	_ =	swait.ge [sflag:s4], $0x0  }
0x19: {  	s7 =	sld [smem:$0x3F9A]  }
0x1a: {  	s8 =	sadd.s32 $0xFFFFE003, lr  }
0x1b: {  	s9 =	sadd.s32 $0xFFFFFEF7, lr;
	s5 =	simm.s32 $0xFFFFFFFF;
	p2 =	slt.u32 s8, $0xFFFFF086  }
0x1c: {  	p1 =	slt.u32 s9, $0xF7A;
	s5 =	simm.s32 @!p2 $0x0  }
0x1d: {  	s5 =	simm.s32 @p1 $0x1;
	p0 =	seq.s32 s7, s2  }
0x1e: {  	s7 =	smul.u32 @!p0 $0xF7A, s2;
	p2 =	seq.s32 @!p0 s5, $0x0  }
0x1f: {  	s9 =	smul.u32 $0xF7A, s1;
	s8 =	simm.s32 @!p0 $0x1BF5;
	p2 =	por !p2, p0  }
0x20: {  	[sflag:s8] =	ssyncset.s32 @!p0 $0xFFFFF086;
	s6 =	sadd.s32 @!p0 s3, s7;
	s7 =	simm.s32 @!p0 $0x108  }
0x21: {  	s3 =	sadd.s32 s3, s9;
	s6 =	sadd.s32 @!p0 $0x88, s6;
	s7 =	simm.s32 @p2 $0x1082  }
0x22: {  	[simem:s7], [sflag:s8] =	dma.local @!p0 [hbm:s6], $0xF7A  }
0x23: {  	s9 =	sor.u32 $0xD0000000, s2;
	s6 =	simm.s32 $0x108;
	_ =	swait.ge @!p0 [sflag:s8], $0x0  }
0x24: {  	s3 =	sadd.s32 $0x88, s3;
	s6 =	simm.s32 @!p1 $0x1082;
	[sflag:s4] =	ssyncset.s32 $0xFFFFF086  }
0x25: {  	[simem:s6], [sflag:s4] =	dma.local [hbm:s3], $0xF7A  }
0x26: {  	[smem:$0x3F9A] =	sst s1;
	(tag) =	ssettag s2;
	_ =	strace s9  }
0x27: {  	s1 =	sld [smem:$0x3FAA]  }
0x28: {  	s2 =	sld [smem:$0x3FAB]  }
0x29: {  	s4 =	sld [smem:$0x3FAD]  }
0x2a: {  	p0 =	seq.s32 s5, $0x0;
	s5 =	sld [smem:$0x3FAE]  }
0x2b: {  	s6 =	sld [smem:$0x3FAF]  }
0x2c: {  	s7 =	sld [smem:$0x3FB0]  }
0x2d: {  	s3 =	simm.s32 $0x108;
	s8 =	sld [smem:$0x3FB1]  }
0x2e: {  	s3 =	simm.s32 @!p0 $0x1082;
	s9 =	sld [smem:$0x3FB2]  }
0x2f: {  	lr =	sadd.s32 s0, s3;
	s0 =	sld [smem:$0x3FA9]  }
0x30: {  	s3 =	sld [smem:$0x3FAC]  }
0x31: {  	[smem:$0x3FB5] =	sst s10  }
0x32: {  	s10 =	sld [smem:$0x3FB3];
	_ =	sdelay $0x3  }
0x33: {  	p0 =	seq.s32 s10, $0x1;
	s10 =	sld [smem:$0x3FB5];
	_ =	sdelay $0x3  }
0x34: {  	[smem:$0x3FB5] =	sst s10  }
0x35: {  	s10 =	sld [smem:$0x3FB4];
	_ =	sdelay $0x3  }
0x36: {  	p1 =	seq.s32 s10, $0x1;
	s10 =	sld [smem:$0x3FB5];
	_ =	sdelay $0x3  }
0x37: {  	[smem:$0x3FB5] =	sst s10  }
0x38: {  	s10 =	sld [smem:$0x3FB6]  }
0x39: {  	_ = 	snop;
	(pc) =	sbr.ind lr, $3  }
0x3a: {  	_ = 	snop  }
0x3b: {  	_ = 	snop  }
0x3c: {  	p2 =	seq.s32 s10, $0x1;
	s10 =	sld [smem:$0x3FB5]  }
0x3d: {  	_ =	shalt  }
0x3e: {  	_ =	shalt  }
0x3f: {  	_ =	shalt  }
0x40: {  	_ =	shalt  }
0x41: {  	_ =	shalt  }
0x42: {  	_ =	shalt  }
0x43: {  	_ =	shalt  }
0x44: {  	_ =	shalt  }
0x45: {  	_ =	shalt  }
0x46: {  	_ =	shalt  }
0x47: {  	_ =	shalt  }
0x48: {  	_ =	shalt  }
0x49: {  	_ =	shalt  }
0x4a: {  	_ =	shalt  }
0x4b: {  	_ =	shalt  }
0x4c: {  	_ =	shalt  }
0x4d: {  	_ =	shalt  }
0x4e: {  	_ =	shalt  }
0x4f: {  	_ =	shalt  }
0x50: {  	_ =	shalt  }
0x51: {  	_ =	shalt  }
0x52: {  	_ =	shalt  }
0x53: {  	_ =	shalt  }
0x54: {  	_ =	shalt  }
0x55: {  	_ =	shalt  }
0x56: {  	_ =	shalt  }
0x57: {  	_ =	shalt  }
0x58: {  	_ =	shalt  }
0x59: {  	_ =	shalt  }
0x5a: {  	_ =	shalt  }
0x5b: {  	_ =	shalt  }
0x5c: {  	_ =	shalt  }
0x5d: {  	_ =	shalt  }
0x5e: {  	_ =	shalt  }
0x5f: {  	_ =	shalt  }
0x60: {  	_ =	shalt  }
0x61: {  	_ =	shalt  }
0x62: {  	_ =	shalt  }
0x63: {  	_ =	shalt  }
0x64: {  	_ =	shalt  }
0x65: {  	_ =	shalt  }
0x66: {  	_ =	shalt  }
0x67: {  	_ =	shalt  }
0x68: {  	_ =	shalt  }
0x69: {  	_ =	shalt  }
0x6a: {  	_ =	shalt  }
0x6b: {  	_ =	shalt  }
0x6c: {  	_ =	shalt  }
0x6d: {  	_ =	shalt  }
0x6e: {  	_ =	shalt  }
0x6f: {  	_ =	shalt  }
0x70: {  	_ =	shalt  }
0x71: {  	_ =	shalt  }
0x72: {  	_ =	shalt  }
0x73: {  	_ =	shalt  }
0x74: {  	_ =	shalt  }
0x75: {  	_ =	shalt  }
0x76: {  	_ =	shalt  }
0x77: {  	_ =	shalt  }
0x78: {  	_ =	shalt  }
0x79: {  	_ =	shalt  }
0x7a: {  	_ =	shalt  }
0x7b: {  	_ =	shalt  }
0x7c: {  	_ =	shalt  }
0x7d: {  	_ =	shalt  }
0x7e: {  	_ =	shalt  }
0x7f: {  	_ =	shalt  }
0x80: {  	_ =	shalt  }
0x81: {  	_ =	shalt  }
0x82: {  	_ =	shalt  }
0x83: {  	_ =	shalt  }
0x84: {  	_ =	shalt  }
0x85: {  	_ =	shalt  }
0x86: {  	_ =	shalt  }
0x87: {  	_ =	shalt  }
.Lfunc_end0:
.L_simem_size_0:
called_computation.1_lowered:
.L_overlay_start_0:
0x88: {  	s2 =	sld [smem:$0x3FD9]  }
0x89: {  	s3 =	sld [smem:$0x3FFE];
	_ =	sdelay $0x1  }
0x8a: {  	s1 =	srdreg.scid  }
0x8b: {  	s0 =	sand.u32 $0x1, s1  }
0x8c: {  	s14 =	sshll.u32 s0, $0xA;
	s2 =	sadd.s32 s3, s2  }
0x8d: {  	s2 =	sadd.s32 s2, s14  }
0x8e: {  	[smem:$0x3FC1] =	sst s2  }
0x8f: {  	_ = 	snop  }
0x90: {  	s2 =	sld [smem:$0x3FD0];
	_ =	sdelay $0x2  }
0x91: {  	s4 =	simm.s32 $0xA;
	s5 =	simm.s32 $0x10;
	s15 =	sld [smem:$0x3FC7]  }
0x92: {  	[smem:s5], [sflag:s4] =	dma.local [hbm:s2], $0x1  }
0x93: {  	_ =	swait.eq [sflag:s4], $0x1  }
0x94: {  	[sflag:s4] =	ssyncset.done $0x0  }
0x95: {  	[sflag:s4] =	ssyncadd.s32 $0xFFFFFFFF  }
0x96: {  	s16 =	sld [smem:$0x10];
	(tm) =	ssettm $0x1  }
0x97: {  	s17 =	sld [smem:$0x3FFB];
	_ =	sdelay $0x3  }
0x98: {  	_ =	strace s17  }
0x99: {  	s4 =	sld [smem:$0x3FFC];
	_ =	sdelay $0x3  }
0x9a: {  	_ =	strace s4  }
0x9b: {  	s4 =	sld [smem:$0x3FFD];
	_ =	sdelay $0x3  }
0x9c: {  	_ =	strace s4  }
0x9d: {  	_ =	strace $0x8FFFFFFF  }
0x9e: {  	s18 =	sld [smem:$0x3FDB];
	_ =	sdelay $0x1  }
0x9f: {  	s19 =	simm.s32 $_scs_section_size  }
0xa0: {  	s6 =	simm.s32 $_size__tile_overlayer_lowered;
	s7 =	simm.s32 $_tile_overlayer_lowered  }
0xa1: {  	s22 =	simm.s32 $0x1BFF;
	s21 =	sshll.u32 s7, $0x1;
	s4 =	sadd.s32 s19, s18  }
0xa2: {  	s8 =	simm.s32 $0x0;
	s20 =	sshll.u32 s6, $0x1;
	s6 =	sadd.s32 s21, s4  }
0xa3: {  	[timem:s8], [sflag:s22] =	dma.local [hbm:s6], s20  }
0xa4: {  	_ =	swait.ge [sflag:s22], s20  }
0xa5: {  	s5 =	ssub.s32 $0x0, s20;
	[sflag:s22] =	ssyncset.done $0x0  }
0xa6: {  	[sflag:s22] =	ssyncadd.s32 s5;
	_ =	sdelay $0x1  }
0xa7: {  	s23 =	simm.s32 $0x1B8B  }
0xa8: {  	_ =	swait.ge [sflag:s23], $0x1  }
0xa9: {  	[sflag:s23] =	ssyncset.done $0x0  }
0xaa: {  	s25 =	simm.s32 $0x1B8E;
	s24 =	sld [smem:$0x3FFE];
	[sflag:s23] =	ssyncadd.s32 $0xFFFFFFFF  }
0xab: {  	s26 =	simm.s32 $execute0_lowered;
	[smem:$0x3FD2] =	sst s25  }
0xac: {  	s6 =	sshll.u32 s26, $0x1;
	_ =	strace $0x80000049;
	[dreg:$0x1] =	wrdreg $0xFFFFFFFF  }
0xad: {  	s28 =	simm.s32 $_size_execute0_lowered;
	s4 =	sadd.s32 s4, s6;
	[dreg:$0x0] =	wrdreg $0x0  }
0xae: {  	s6 =	sshll.u32 s28, $0x1;
	[dreg:$0x2] =	wrdreg s4  }
0xaf: {  	[dreg:$0x3] =	wrdreg s6  }
0xb0: {  	[dreg:$0x4] =	wrdreg $0xC0  }
0xb1: {  	_ =	task [dreg:s8], $0x5FFFF  }
0xb2: {  	[dreg:$0x1] =	wrdreg $0xFFFFFFFF  }
0xb3: {  	[dreg:$0x0] =	wrdreg $0x60  }
0xb4: {  	[dreg:$0x2] =	wrdreg s24  }
0xb5: {  	[dreg:$0x3] =	wrdreg s16  }
0xb6: {  	[dreg:$0x4] =	wrdreg s15  }
0xb7: {  	[dreg:$0x5] =	wrdreg $0xC5300  }
0xb8: {  	[dreg:$0x6] =	wrdreg $0x9  }
0xb9: {  	_ =	task.clear_ibuf [dreg:s8], $0x7FFFF;
	_ =	strace $0x90000049  }
0xba: {  	s29 =	simm.s32 $0x9;
	_ =	strace $0x8000004B  }
0xbb: {  	_ =	swait.ge [sflag:s29], $0x1  }
0xbc: {  	[sflag:s29] =	ssyncadd.s32 $0xFFFFFFFF  }
0xbd: {  	_ =	strace $0x9000004B  }
0xbe: {  	_ =	sfence  }
0xbf: {  	s30 =	sld [smem:$0x0];
	_ =	sdelay $0x2  }
0xc0: {  	s31 =	sshll.u32 s1, $0xD;
	s1 =	sshrl.u32 s1, $0x2  }
0xc1: {  	s3 =	sand.u32 $0x4000, s31;
	s1 =	sadd.s32 s1, s30  }
0xc2: {  	s0 =	sor.u32 s3, s0;
	s1 =	sshll.u32 s1, $0x11  }
0xc3: {  	s0 =	sor.u32 s1, s0  }
0xc4: {  	s0 =	sadd.s32 $0x8F2B, s0  }
0xc5: {  	[sflag:s0] =	ssyncadd.remote.s32 $0x1  }
0xc6: {  	_ =	sfence.sel $0xFFFF  }
0xc7: {  	[dreg:$0x0] =	wrdreg $0xFFFFFFFF;
	(pc) =	sbr.abs _section_cstart, $3  }
0xc8: {  	[dreg:$0x1] =	wrdreg $0xFFFFFFFF  }
0xc9: {  	_ =	task.clear_ibuf [dreg:s8], $0x2FFFF;
	_ =	strace $0x9FFFFFFF  }
0xca: {  	(tm) =	ssettm $0x7FFFFFFF  }
0xcb: {  	_ =	shalt  }
tec
execute0_lowered:
.L_overlay_start_1:
0x0: {  	(tag) =	ssettag $0x1  }
0x1: {  	s0 =	rddreg [dreg:$0x0]  }
0x2: {  	s2 =	rddreg [dreg:$0x1]  }
0x3: {  	s5 =	rddreg [dreg:$0x2]  }
0x4: {  	s1 =	rddreg [dreg:$0x3];
	s3 =	srdreg.scid  }
0x5: {  	s9 =	stileid.u32;
	s18 =	simm.s32 $0x5;
	s20 =	simm.s32 $0x4E20  }
0x6: {  	s21 =	simm.s32 $0x7530;
	s22 =	simm.s32 $0x50;
	s23 =	simm.s32 $0x9D30  }
0x7: {  	s28 =	simm.s32 $0x3;
	s6 =	sand.u32 $0x1, s3;
	s11 =	smul.u32 $0x13880, s9  }
0x8: {  	s3 =	simm.s32 $0x0;
	s4 =	sshll.u32 s9, $0x1;
	s9 =	smul.u32 $0x4E200, s9  }
0x9: {  	s29 =	simm.s32 $0x4;
	s7 =	smul.u32 $0x138800, s6;
	[smem:$0x7FF] =	sst s3  }
0xa: {  	s8 =	sor.u32 s6, s4;
	s4 =	sadd.s32 $0xC800, s0;
	s6 =	ssub.s32 $0x2, s6  }
0xb: {  	_ =	strace $0x8000004A;
	s8 =	smul.u32 $0x4E2, s8;
	s24 =	sshrl.u32 s6, $0x1  }
0xc: {  	s25 =	sshrl.u32 s9, $0x2;
	s30 =	sadd.s32 s11, s1;
	s7 =	sadd.s32 s11, s7  }
0xd: {  	s6 =	ssub.s32 s6, s24;
	s24 =	simm.s32 $0x1;
	s7 =	sshrl.u32 s7, $0x3  }
0xe: {  	s10 =	sadd.s32 s8, s0;
	s2 =	sadd.s32 s2, s8;
	s5 =	sadd.s32 s5, s8  }
0xf: {  	s8 =	sadd.s32 s25, s1;
	s31 =	smax.u32 s6, $0x1;
	[dreg:$0x5] =	wrdreg s2  }
0x10: {  	s25 =	sshrl.u32 s30, $0x3;
	s0 =	sadd.s32 s7, s0;
	[dreg:$0x7] =	wrdreg s5  }
0x11: {  	s26 =	sadd.s32 $0x2A00, s10;
	s2 =	sadd.s32 $0x11800, s8;
	[dreg:$0xa] =	wrdreg s31  }
0x12: {  	s12 =	sadd.s32 $0x2800, s8;
	s13 =	sadd.s32 $0x5000, s8;
	s14 =	sadd.s32 $0x7800, s8  }
0x13: {  	s15 =	sadd.s32 $0xA000, s8;
	s16 =	sadd.s32 $0xC800, s8;
	[dreg:$0x6] =	wrdreg s26  }
0x14: {  	s17 =	sadd.s32 $0xF000, s8;
	[dreg:$0x8] =	wrdreg s2;
	s0 =	sadd.s32 $0x33A00, s0  }
0x15: {  	v0 =	vimm.f32 $0.0e+00;
	s26 =	simm.s32 $0x2;
	[dreg:$0x9] =	wrdreg s0;
	s0 =	simm.s32 $0x0  }
.LBB2_1:
0x16: {  	s2 =	rddreg [dreg:$0x5]  }
0x17: {  	[tilespmem:s3], [sflag:$0x5] =	stream.linear.gather [hbm4b:s2+s3], $0x2710, $0x38;
	[tilespmem:$0x1FDB0] =	vst v63  }
0x18: {  	_ =	swait.ge [sflag:s18], $0x2710  }
0x19: {  	[sflag:s18] =	ssyncset.done $0x0  }
0x1a: {  	s5 =	simm.s32 $0x2710;
	s30 =	rddreg [dreg:$0x6];
	[sflag:s18] =	ssyncadd.s32 $0xFFFFD8F0  }
0x1b: {  	[tilespmem:s5], [sflag:$0x5] =	stream.linear.gather [hbm4b:s30+s3], $0x2710, $0x38;
	[tilespmem:$0x1FDB0] =	vst v63  }
0x1c: {  	_ =	swait.ge [sflag:s18], $0x2710  }
0x1d: {  	[sflag:s18] =	ssyncset.done $0x0  }
0x1e: {  	s31 =	rddreg [dreg:$0x7];
	[sflag:s18] =	ssyncadd.s32 $0xFFFFD8F0  }
0x1f: {  	[tilespmem:s20], [sflag:$0x5] =	stream.linear.gather [hbm4b:s31+s3], $0x2710, $0x38;
	[tilespmem:$0x1FDB0] =	vst v63  }
0x20: {  	_ =	swait.ge [sflag:s18], $0x2710  }
0x21: {  	[sflag:s18] =	ssyncset.done $0x0  }
0x22: {  	s2 =	simm.s32 $0x0;
	s5 =	simm.s32 $0x200;
	[sflag:s18] =	ssyncadd.s32 $0xFFFFD8F0  }
.LBB2_2:
0x23: {  	p0 =	sne.s32 s5, $0x9E00;
	[tilespmem:s2+$0x75A0] =	vst v0  }
0x24: {  	[tilespmem:s2+$0x7530] =	vst v0  }
0x25: {  	[tilespmem:s2+$0x7540] =	vst v0  }
.Ltmp0:
0x26: {  	[tilespmem:s2+$0x7550] =	vst v0;
	(pc) =	sbr.rel @p0 .LBB2_2-.Ltmp0, $4  }
0x27: {  	[tilespmem:s2+$0x7560] =	vst v0  }
0x28: {  	[tilespmem:s2+$0x7570] =	vst v0  }
0x29: {  	[tilespmem:s2+$0x7580] =	vst v0  }
0x2a: {  	[tilespmem:s2+$0x7590] =	vst v0;
	s2 =	sshra.s32 s5, $0x2;
	s5 =	sadd.s32 $0x200, s5  }
0x2b: {  	[tilespmem:s2+$0x75A0] =	vst v0  }
0x2c: {  	[tilespmem:s2+$0x7530] =	vst v0  }
0x2d: {  	[tilespmem:s2+$0x7540] =	vst v0  }
0x2e: {  	[tilespmem:s2+$0x7550] =	vst v0  }
0x2f: {  	[tilespmem:s2+$0x7560] =	vst v0  }
0x30: {  	[tilespmem:s2+$0x7570] =	vst v0  }
0x31: {  	[tilespmem:s2+$0x7580] =	vst v0  }
0x32: {  	[tilespmem:s2+$0x7590] =	vst v0  }
0x33: {  	[spmem:s8] =	stream.linear.scatter [tilespmem:s21], [sflag:$0x5], $0x2800, $0x38;
	[tilespmem:$0x1FDB0] =	vst v63  }
0x34: {  	_ =	swait.ge [sflag:s18], $0x2800  }
0x35: {  	[sflag:s18] =	ssyncset.done $0x0  }
0x36: {  	[sflag:s18] =	ssyncadd.s32 $0xFFFFD800  }
0x37: {  	[spmem:s12] =	stream.linear.scatter [tilespmem:s21], [sflag:$0x5], $0x2800, $0x38;
	[tilespmem:$0x1FDB0] =	vst v63  }
0x38: {  	_ =	swait.ge [sflag:s18], $0x2800  }
0x39: {  	[sflag:s18] =	ssyncset.done $0x0  }
0x3a: {  	[sflag:s18] =	ssyncadd.s32 $0xFFFFD800  }
0x3b: {  	[spmem:s13] =	stream.linear.scatter [tilespmem:s21], [sflag:$0x5], $0x2800, $0x38;
	[tilespmem:$0x1FDB0] =	vst v63  }
0x3c: {  	_ =	swait.ge [sflag:s18], $0x2800  }
0x3d: {  	[sflag:s18] =	ssyncset.done $0x0  }
0x3e: {  	[sflag:s18] =	ssyncadd.s32 $0xFFFFD800  }
0x3f: {  	[spmem:s14] =	stream.linear.scatter [tilespmem:s21], [sflag:$0x5], $0x2800, $0x38;
	[tilespmem:$0x1FDB0] =	vst v63  }
0x40: {  	_ =	swait.ge [sflag:s18], $0x2800  }
0x41: {  	[sflag:s18] =	ssyncset.done $0x0  }
0x42: {  	[sflag:s18] =	ssyncadd.s32 $0xFFFFD800  }
0x43: {  	[spmem:s15] =	stream.linear.scatter [tilespmem:s21], [sflag:$0x5], $0x2800, $0x38;
	[tilespmem:$0x1FDB0] =	vst v63  }
0x44: {  	_ =	swait.ge [sflag:s18], $0x2800  }
0x45: {  	[sflag:s18] =	ssyncset.done $0x0  }
0x46: {  	[sflag:s18] =	ssyncadd.s32 $0xFFFFD800  }
0x47: {  	[spmem:s16] =	stream.linear.scatter [tilespmem:s21], [sflag:$0x5], $0x2800, $0x38;
	[tilespmem:$0x1FDB0] =	vst v63  }
0x48: {  	_ =	swait.ge [sflag:s18], $0x2800  }
0x49: {  	[sflag:s18] =	ssyncset.done $0x0  }
0x4a: {  	[sflag:s18] =	ssyncadd.s32 $0xFFFFD800  }
0x4b: {  	[spmem:s17] =	stream.linear.scatter [tilespmem:s21], [sflag:$0x5], $0x2800, $0x38;
	[tilespmem:$0x1FDB0] =	vst v63  }
0x4c: {  	_ =	swait.ge [sflag:s18], $0x2800  }
0x4d: {  	[sflag:s18] =	ssyncset.done $0x0  }
0x4e: {  	s31 =	rddreg [dreg:$0x8];
	[sflag:s18] =	ssyncadd.s32 $0xFFFFD800  }
0x4f: {  	[spmem:s31] =	stream.linear.scatter [tilespmem:s21], [sflag:$0x5], $0x2080, $0x38;
	[tilespmem:$0x1FDB0] =	vst v63  }
0x50: {  	_ =	swait.ge [sflag:s18], $0x2080  }
0x51: {  	[sflag:s18] =	ssyncset.done $0x0  }
0x52: {  	[sflag:s18] =	ssyncadd.s32 $0xFFFFDF80  }
0x53: {  	s19 =	simm.s32 $0x0;
	[bflag:$0x0] =	sbarrier.arrive $0xFFFF  }
0x54: {  	[tilespmem:s21], [sflag:$0x1] =	stream.indirect.gather [hbm4b:s4+s22], $0x80, s19, s22, $0xb8;
	[tilespmem:$0x1FDB0] =	vst v63  }
0x55: {  	s30 =	simm.s32 $0x0  }
0x56: {  	[tilespmem:s23], [sflag:$0x2] =	stream.indirect.gather [hbm4b:s4+s22], $0x80, s22, s22, $0xb8;
	[tilespmem:$0x1FDB0] =	vst v63  }
.LBB2_4:
0x57: {  	s5 =	sadd.s32 $0xFFFFFFFC, s19  }
0x58: {  	s31 =	sadd.s32 $0x4, s5  }
0x59: {  	s2 =	sadd.s32 $0x6, s5;
	v2 =	vmov s31  }
0x5a: {  	_ =	swait.ge [sflag:s24], $0x2800;
	v1 =	vmov s2;
	v2 =	vand.u32 $0xFFFFFFFC, v2  }
0x5b: {  	[sflag:s24] =	ssyncset.done $0x0;
	v1 =	vand.u32 $0xFFFFFFFE, v1;
	v2 =	vbroadcast v2, $0x0  }
0x5c: {  	[sflag:s24] =	ssyncadd.s32 $0xFFFFD800;
	s2 =	simm.s32 $0x7630;
	v1 =	vbroadcast v1, $0x0  }
0x5d: {  	v3 =	vld [tilespmem:s2+$0x70]  }
0x5e: {  	v5 =	vld [tilespmem:s2+$0xFFFFFF00]  }
0x5f: {  	s6 =	sadd.s32 $0x5, s5;
	v6 =	vld [tilespmem:s2+$0xFFFFFF10]  }
0x60: {  	v4 =	vmov s6;
	v7 =	vld [tilespmem:s2+$0xFFFFFF20]  }
0x61: {  	v4 =	vand.u32 $0xFFFFFFFD, v4;
	v2 =	vld.idx.msk [tilespmem:v2+s20+$0x0], $0xffff  }
0x62: {  	v4 =	vbroadcast v4, $0x0;
	v1 =	vld.idx.msk [tilespmem:v1+s20+$0x0], $0xffff  }
0x63: {  	v8 =	vld [tilespmem:s2+$0xFFFFFF30]  }
0x64: {  	v9 =	vld [tilespmem:s2+$0xFFFFFF40]  }
0x65: {  	v10 =	vld [tilespmem:s2+$0xFFFFFF50]  }
0x66: {  	v11 =	vld [tilespmem:s2+$0xFFFFFF60];
	v5 =	vmul.f32 v5, v2  }
0x67: {  	v13 =	vld [tilespmem:s2+$0xFFFFFFD0];
	v3 =	vmul.f32 v3, v1  }
0x68: {  	v4 =	vld.idx.msk [tilespmem:v4+s20+$0x0], $0xffff;
	[tilespmem:s2+$0xFFFFFF00] =	vst v5;
	v5 =	vmul.f32 v6, v2  }
0x69: {  	v6 =	vld [tilespmem:s2+$0xFFFFFF70];
	[tilespmem:s2+$0x70] =	vst v3;
	v3 =	vmul.f32 v7, v2  }
0x6a: {  	s5 =	sadd.s32 $0x7, s5;
	v7 =	vld [tilespmem:s2+$0xFFFFFF80];
	[tilespmem:s2+$0xFFFFFF10] =	vst v5;
	v5 =	vmul.f32 v8, v2  }
0x6b: {  	v12 =	vmov s5;
	v8 =	vld [tilespmem:s2+$0xFFFFFF90];
	[tilespmem:s2+$0xFFFFFF20] =	vst v3;
	v3 =	vmul.f32 v9, v2  }
0x6c: {  	v9 =	vld [tilespmem:s2+$0xFFFFFFA0];
	[tilespmem:s2+$0xFFFFFF30] =	vst v5;
	v5 =	vmul.f32 v10, v2  }
0x6d: {  	v10 =	vld [tilespmem:s2+$0xFFFFFFB0];
	[tilespmem:s2+$0xFFFFFF40] =	vst v3;
	v3 =	vmul.f32 v11, v2  }
0x6e: {  	v11 =	vld [tilespmem:s2+$0xFFFFFFC0];
	v6 =	vmul.f32 v6, v2;
	[tilespmem:s2+$0xFFFFFF50] =	vst v5  }
0x6f: {  	v14 =	vld [tilespmem:s2+$0xFFFFFFE0];
	v5 =	vmul.f32 v7, v4;
	[tilespmem:s2+$0xFFFFFF60] =	vst v3  }
0x70: {  	v2 =	vld.idx.msk [tilespmem:v12+s20+$0x0], $0xffff;
	v3 =	vmul.f32 v8, v4;
	[tilespmem:s2+$0xFFFFFF70] =	vst v6  }
0x71: {  	v8 =	vld [tilespmem:s2+$0xFFFFFFF0];
	[tilespmem:s2+$0xFFFFFF80] =	vst v5;
	v5 =	vmul.f32 v9, v4  }
0x72: {  	v7 =	vld [tilespmem:s2+$0x0];
	[tilespmem:s2+$0xFFFFFF90] =	vst v3;
	v3 =	vmul.f32 v10, v4  }
0x73: {  	v6 =	vld [tilespmem:s2+$0x10];
	v9 =	vmul.f32 v11, v4;
	[tilespmem:s2+$0xFFFFFFA0] =	vst v5  }
0x74: {  	v10 =	vmul.f32 v13, v4;
	v5 =	vld [tilespmem:s2+$0x20];
	[tilespmem:s2+$0xFFFFFFB0] =	vst v3  }
0x75: {  	[tilespmem:s2+$0xFFFFFFC0] =	vst v9;
	v3 =	vld [tilespmem:s2+$0x30];
	v9 =	vmul.f32 v14, v4  }
0x76: {  	s6 =	simm.s32 $0x0;
	s5 =	simm.s32 $0x7630;
	[tilespmem:s2+$0xFFFFFFD0] =	vst v10;
	v8 =	vmul.f32 v8, v4;
	v4 =	vld [tilespmem:s2+$0x40]  }
.LBB2_5:
0x77: {  	s7 =	sadd.s32 s6, s19;
	s6 =	sadd.s32 $0x4, s6;
	[tilespmem:s2+$0xFFFFFFE0] =	vst v9;
	v7 =	vmul.f32 v7, v1;
	v9 =	vld [tilespmem:s2+$0x50]  }
0x78: {  	s31 =	sadd.s32 $0x4, s7;
	s9 =	sadd.s32 $0x6, s7;
	p0 =	slt.u32 s6, $0x4C;
	[tilespmem:s2+$0xFFFFFFF0] =	vst v8;
	v6 =	vmul.f32 v6, v1;
	v8 =	vld [tilespmem:s2+$0x60]  }
0x79: {  	v10 =	vmov s31;
	s31 =	sadd.s32 $0x5, s7;
	v11 =	vmov s9;
	s7 =	sadd.s32 $0x7, s7;
	[tilespmem:s2+$0x0] =	vst v7;
	v5 =	vmul.f32 v5, v1;
	v7 =	vld [tilespmem:s2+$0x80]  }
0x7a: {  	v10 =	vand.u32 $0xFFFFFFFC, v10;
	v12 =	vmov s31;
	v11 =	vand.u32 $0xFFFFFFFE, v11;
	[tilespmem:s2+$0x10] =	vst v6;
	v6 =	vld [tilespmem:s2+$0x90]  }
0x7b: {  	v10 =	vbroadcast v10, $0x0;
	v12 =	vand.u32 $0xFFFFFFFD, v12;
	v11 =	vbroadcast v11, $0x0;
	[tilespmem:s2+$0x20] =	vst v5;
	v5 =	vld [tilespmem:s2+$0xA0]  }
0x7c: {  	v13 =	vmov s7;
	v3 =	vmul.f32 v3, v1;
	v12 =	vbroadcast v12, $0x0;
	v14 =	vld [tilespmem:s2+$0xB0]  }
0x7d: {  	v4 =	vmul.f32 v4, v1;
	v9 =	vmul.f32 v9, v1;
	v15 =	vld [tilespmem:s2+$0xC0]  }
0x7e: {  	[tilespmem:s2+$0x30] =	vst v3;
	v3 =	vmul.f32 v8, v1;
	v7 =	vmul.f32 v7, v2;
	v8 =	vld [tilespmem:s2+$0xD0]  }
0x7f: {  	[tilespmem:s2+$0x40] =	vst v4;
	v4 =	vmul.f32 v6, v2;
	v6 =	vld [tilespmem:s2+$0xE0]  }
0x80: {  	[tilespmem:s2+$0x50] =	vst v9;
	v5 =	vmul.f32 v5, v2;
	v9 =	vld [tilespmem:s2+$0xF0]  }
0x81: {  	s2 =	sadd.s32 $0x200, s2;
	v1 =	vld.idx.msk [tilespmem:v11+s20+$0x0], $0xffff;
	[tilespmem:s5+$0x60] =	vst v3;
	v3 =	vmul.f32 v14, v2  }
0x82: {  	v11 =	vld [tilespmem:s2+$0x70];
	[tilespmem:s5+$0x80] =	vst v7;
	v7 =	vmul.f32 v15, v2  }
0x83: {  	v10 =	vld.idx.msk [tilespmem:v10+s20+$0x0], $0xffff;
	[tilespmem:s5+$0x90] =	vst v4;
	v4 =	vmul.f32 v8, v2  }
0x84: {  	v8 =	vld.idx.msk [tilespmem:v12+s20+$0x0], $0xffff;
	[tilespmem:s5+$0xA0] =	vst v5;
	v5 =	vmul.f32 v6, v2  }
0x85: {  	[tilespmem:s5+$0xB0] =	vst v3;
	v3 =	vmul.f32 v9, v2;
	v2 =	vld.idx.msk [tilespmem:v13+s20+$0x0], $0xffff  }
0x86: {  	v6 =	vld [tilespmem:s2+$0xFFFFFF00];
	[tilespmem:s5+$0xC0] =	vst v7  }
0x87: {  	v7 =	vld [tilespmem:s2+$0xFFFFFF10];
	v9 =	vmul.f32 v11, v1;
	[tilespmem:s5+$0xD0] =	vst v4  }
0x88: {  	v4 =	vld [tilespmem:s2+$0xFFFFFF20];
	[tilespmem:s5+$0xE0] =	vst v5  }
0x89: {  	v5 =	vld [tilespmem:s2+$0xFFFFFF30];
	[tilespmem:s2+$0x70] =	vst v9  }
0x8a: {  	v9 =	vld [tilespmem:s2+$0xFFFFFF40];
	[tilespmem:s5+$0xF0] =	vst v3;
	s5 =	smov.u32 s2  }
0x8b: {  	v3 =	vmul.f32 v6, v10;
	v6 =	vld [tilespmem:s2+$0xFFFFFF50]  }
0x8c: {  	v7 =	vmul.f32 v7, v10;
	v11 =	vld [tilespmem:s2+$0xFFFFFF60]  }
0x8d: {  	[tilespmem:s2+$0xFFFFFF00] =	vst v3;
	v3 =	vmul.f32 v4, v10;
	v4 =	vld [tilespmem:s2+$0xFFFFFF70]  }
0x8e: {  	[tilespmem:s2+$0xFFFFFF10] =	vst v7;
	v5 =	vmul.f32 v5, v10;
	v7 =	vld [tilespmem:s2+$0xFFFFFF80]  }
0x8f: {  	[tilespmem:s2+$0xFFFFFF20] =	vst v3;
	v3 =	vmul.f32 v9, v10;
	v9 =	vld [tilespmem:s2+$0xFFFFFF90]  }
0x90: {  	[tilespmem:s2+$0xFFFFFF30] =	vst v5;
	v5 =	vmul.f32 v6, v10;
	v6 =	vld [tilespmem:s2+$0xFFFFFFA0]  }
0x91: {  	[tilespmem:s2+$0xFFFFFF40] =	vst v3;
	v3 =	vmul.f32 v11, v10;
	v11 =	vld [tilespmem:s2+$0xFFFFFFB0]  }
0x92: {  	[tilespmem:s2+$0xFFFFFF50] =	vst v5;
	v4 =	vmul.f32 v4, v10;
	v5 =	vld [tilespmem:s2+$0xFFFFFFC0]  }
0x93: {  	[tilespmem:s2+$0xFFFFFF60] =	vst v3;
	v3 =	vmul.f32 v7, v8;
	v10 =	vld [tilespmem:s2+$0xFFFFFFD0]  }
0x94: {  	[tilespmem:s2+$0xFFFFFF70] =	vst v4;
	v4 =	vmul.f32 v9, v8;
	v9 =	vld [tilespmem:s2+$0xFFFFFFE0]  }
0x95: {  	[tilespmem:s2+$0xFFFFFF80] =	vst v3;
	v3 =	vmul.f32 v6, v8;
	v12 =	vld [tilespmem:s2+$0xFFFFFFF0]  }
.Ltmp1:
0x96: {  	[tilespmem:s2+$0xFFFFFF90] =	vst v4;
	v4 =	vmul.f32 v11, v8;
	v7 =	vld [tilespmem:s2+$0x0];
	(pc) =	sbr.rel @p0 .LBB2_5-.Ltmp1, $4  }
0x97: {  	[tilespmem:s2+$0xFFFFFFA0] =	vst v3;
	v3 =	vmul.f32 v5, v8;
	v6 =	vld [tilespmem:s2+$0x10]  }
0x98: {  	[tilespmem:s2+$0xFFFFFFB0] =	vst v4;
	v4 =	vmul.f32 v10, v8;
	v5 =	vld [tilespmem:s2+$0x20]  }
0x99: {  	[tilespmem:s2+$0xFFFFFFC0] =	vst v3;
	v9 =	vmul.f32 v9, v8;
	v3 =	vld [tilespmem:s2+$0x30]  }
0x9a: {  	[tilespmem:s2+$0xFFFFFFD0] =	vst v4;
	v8 =	vmul.f32 v12, v8;
	v4 =	vld [tilespmem:s2+$0x40]  }
0x9b: {  	v10 =	vld [tilespmem:s2+$0x50];
	[tilespmem:s2+$0xFFFFFFE0] =	vst v9;
	v7 =	vmul.f32 v7, v1  }
0x9c: {  	v9 =	vld [tilespmem:s2+$0x60];
	[tilespmem:s2+$0xFFFFFFF0] =	vst v8;
	v6 =	vmul.f32 v6, v1  }
0x9d: {  	v8 =	vld [tilespmem:s2+$0x80];
	[tilespmem:s2+$0x0] =	vst v7;
	v5 =	vmul.f32 v5, v1  }
0x9e: {  	v7 =	vld [tilespmem:s2+$0x90];
	[tilespmem:s2+$0x10] =	vst v6;
	v3 =	vmul.f32 v3, v1  }
0x9f: {  	v6 =	vld [tilespmem:s2+$0xA0];
	[tilespmem:s2+$0x20] =	vst v5;
	v4 =	vmul.f32 v4, v1  }
0xa0: {  	v5 =	vld [tilespmem:s2+$0xB0];
	v10 =	vmul.f32 v10, v1;
	[tilespmem:s2+$0x30] =	vst v3  }
0xa1: {  	v11 =	vld [tilespmem:s2+$0xC0];
	v1 =	vmul.f32 v9, v1;
	[tilespmem:s2+$0x40] =	vst v4  }
0xa2: {  	v3 =	vld [tilespmem:s2+$0xD0];
	v4 =	vmul.f32 v8, v2;
	[tilespmem:s2+$0x50] =	vst v10  }
0xa3: {  	v8 =	vld [tilespmem:s2+$0xE0];
	v7 =	vmul.f32 v7, v2;
	[tilespmem:s5+$0x60] =	vst v1  }
0xa4: {  	v9 =	vld [tilespmem:s2+$0xF0];
	v1 =	vmul.f32 v6, v2;
	[tilespmem:s5+$0x80] =	vst v4  }
0xa5: {  	v4 =	vmul.f32 v5, v2;
	[tilespmem:s5+$0x90] =	vst v7  }
0xa6: {  	v5 =	vmul.f32 v11, v2;
	[tilespmem:s5+$0xA0] =	vst v1  }
0xa7: {  	v1 =	vmul.f32 v3, v2;
	[tilespmem:s5+$0xB0] =	vst v4  }
0xa8: {  	s7 =	smul.u32 $0x280, s30;
	v3 =	vmul.f32 v8, v2;
	[tilespmem:s5+$0xC0] =	vst v5  }
0xa9: {  	v2 =	vmul.f32 v9, v2;
	[tilespmem:s5+$0xD0] =	vst v1  }
0xaa: {  	s6 =	sadd.s32 $0xFFFFFFFC, s19;
	s31 =	sshra.s32 s7, $0x2;
	[tilespmem:s5+$0xE0] =	vst v3  }
0xab: {  	s10 =	sadd.s32 $0x56, s6;
	s11 =	sadd.s32 $0x54, s6;
	s9 =	sadd.s32 $0x2710, s31;
	[tilespmem:s5+$0xF0] =	vst v2  }
0xac: {  	v4 =	vmov s10;
	[spmem:s1] =	stream.indirect.scatter.add.f32 [tilespmem:s21], [sflag:$0x3], $0x80, s9, s22, $0xb8;
	[tilespmem:$0x1FDB0] =	vst v63  }
0xad: {  	v1 =	vand.u32 $0xFFFFFFFE, v4;
	v3 =	vmov s11;
	_ =	swait.ge [sflag:s26], $0x2800  }
0xae: {  	v1 =	vbroadcast v1, $0x0;
	v2 =	vand.u32 $0xFFFFFFFC, v3;
	[sflag:s26] =	ssyncset.done $0x0  }
0xaf: {  	s2 =	simm.s32 $0x9E30;
	v2 =	vbroadcast v2, $0x0;
	[sflag:s26] =	ssyncadd.s32 $0xFFFFD800  }
0xb0: {  	v3 =	vld [tilespmem:s2+$0x70]  }
0xb1: {  	v5 =	vld [tilespmem:s2+$0xFFFFFF00]  }
0xb2: {  	s10 =	sadd.s32 $0x55, s6;
	v6 =	vld [tilespmem:s2+$0xFFFFFF10]  }
0xb3: {  	v4 =	vmov s10;
	v7 =	vld [tilespmem:s2+$0xFFFFFF20]  }
0xb4: {  	v4 =	vand.u32 $0xFFFFFFFD, v4;
	v1 =	vld.idx.msk [tilespmem:v1+s20+$0x0], $0xffff  }
0xb5: {  	v4 =	vbroadcast v4, $0x0;
	v2 =	vld.idx.msk [tilespmem:v2+s20+$0x0], $0xffff  }
0xb6: {  	v8 =	vld [tilespmem:s2+$0xFFFFFF30]  }
0xb7: {  	v9 =	vld [tilespmem:s2+$0xFFFFFF40]  }
0xb8: {  	v10 =	vld [tilespmem:s2+$0xFFFFFF50]  }
0xb9: {  	v11 =	vld [tilespmem:s2+$0xFFFFFF60];
	v3 =	vmul.f32 v3, v1  }
0xba: {  	v13 =	vld [tilespmem:s2+$0xFFFFFFD0];
	v5 =	vmul.f32 v5, v2  }
0xbb: {  	v4 =	vld.idx.msk [tilespmem:v4+s20+$0x0], $0xffff;
	[tilespmem:s2+$0x70] =	vst v3;
	v3 =	vmul.f32 v7, v2  }
0xbc: {  	[tilespmem:s2+$0xFFFFFF00] =	vst v5;
	v5 =	vmul.f32 v6, v2;
	v6 =	vld [tilespmem:s2+$0xFFFFFF70]  }
0xbd: {  	s11 =	sadd.s32 $0x57, s6;
	v7 =	vld [tilespmem:s2+$0xFFFFFF80];
	[tilespmem:s2+$0xFFFFFF20] =	vst v3;
	v3 =	vmul.f32 v9, v2  }
0xbe: {  	v12 =	vmov s11;
	[tilespmem:s2+$0xFFFFFF10] =	vst v5;
	v5 =	vmul.f32 v8, v2;
	v8 =	vld [tilespmem:s2+$0xFFFFFF90]  }
0xbf: {  	v9 =	vld [tilespmem:s2+$0xFFFFFFA0];
	[tilespmem:s2+$0xFFFFFF40] =	vst v3;
	v3 =	vmul.f32 v11, v2  }
0xc0: {  	v11 =	vld [tilespmem:s2+$0xFFFFFFC0];
	[tilespmem:s2+$0xFFFFFF30] =	vst v5;
	v5 =	vmul.f32 v10, v2  }
0xc1: {  	v10 =	vld [tilespmem:s2+$0xFFFFFFB0];
	[tilespmem:s2+$0xFFFFFF60] =	vst v3;
	v6 =	vmul.f32 v6, v2  }
0xc2: {  	v14 =	vld [tilespmem:s2+$0xFFFFFFE0];
	[tilespmem:s2+$0xFFFFFF50] =	vst v5;
	v5 =	vmul.f32 v7, v4  }
0xc3: {  	v2 =	vld.idx.msk [tilespmem:v12+s20+$0x0], $0xffff;
	v3 =	vmul.f32 v8, v4;
	[tilespmem:s2+$0xFFFFFF70] =	vst v6  }
0xc4: {  	v8 =	vld [tilespmem:s2+$0xFFFFFFF0];
	[tilespmem:s2+$0xFFFFFF80] =	vst v5;
	v5 =	vmul.f32 v9, v4  }
0xc5: {  	v7 =	vld [tilespmem:s2+$0x0];
	v9 =	vmul.f32 v11, v4;
	[tilespmem:s2+$0xFFFFFF90] =	vst v3  }
0xc6: {  	v6 =	vld [tilespmem:s2+$0x10];
	v3 =	vmul.f32 v10, v4;
	[tilespmem:s2+$0xFFFFFFA0] =	vst v5  }
0xc7: {  	v10 =	vmul.f32 v13, v4;
	v5 =	vld [tilespmem:s2+$0x20];
	[tilespmem:s2+$0xFFFFFFC0] =	vst v9  }
0xc8: {  	v9 =	vmul.f32 v14, v4;
	[tilespmem:s2+$0xFFFFFFB0] =	vst v3;
	v3 =	vld [tilespmem:s2+$0x30]  }
0xc9: {  	s7 =	simm.s32 $0x0;
	s5 =	sshllo.u32 s30, $0x1;
	s6 =	simm.s32 $0x9E30;
	[tilespmem:s2+$0xFFFFFFD0] =	vst v10;
	v8 =	vmul.f32 v8, v4;
	v4 =	vld [tilespmem:s2+$0x40]  }
.LBB2_7:
0xca: {  	s9 =	sadd.s32 s7, s19;
	s7 =	sadd.s32 $0x4, s7;
	[tilespmem:s2+$0xFFFFFFE0] =	vst v9;
	v7 =	vmul.f32 v7, v1;
	v9 =	vld [tilespmem:s2+$0x50]  }
0xcb: {  	s10 =	sadd.s32 $0x54, s9;
	s11 =	sadd.s32 $0x56, s9;
	p0 =	slt.u32 s7, $0x4C;
	[tilespmem:s2+$0xFFFFFFF0] =	vst v8;
	v6 =	vmul.f32 v6, v1;
	v8 =	vld [tilespmem:s2+$0x60]  }
0xcc: {  	v10 =	vmov s10;
	s10 =	sadd.s32 $0x55, s9;
	v11 =	vmov s11;
	s9 =	sadd.s32 $0x57, s9;
	[tilespmem:s2+$0x0] =	vst v7;
	v5 =	vmul.f32 v5, v1;
	v7 =	vld [tilespmem:s2+$0x80]  }
0xcd: {  	v10 =	vand.u32 $0xFFFFFFFC, v10;
	v12 =	vmov s10;
	v11 =	vand.u32 $0xFFFFFFFE, v11;
	[tilespmem:s2+$0x10] =	vst v6;
	v6 =	vld [tilespmem:s2+$0x90]  }
0xce: {  	v10 =	vbroadcast v10, $0x0;
	v12 =	vand.u32 $0xFFFFFFFD, v12;
	v11 =	vbroadcast v11, $0x0;
	[tilespmem:s2+$0x20] =	vst v5;
	v5 =	vld [tilespmem:s2+$0xA0]  }
0xcf: {  	v13 =	vmov s9;
	v3 =	vmul.f32 v3, v1;
	v12 =	vbroadcast v12, $0x0;
	v14 =	vld [tilespmem:s2+$0xB0]  }
0xd0: {  	v4 =	vmul.f32 v4, v1;
	v9 =	vmul.f32 v9, v1;
	v15 =	vld [tilespmem:s2+$0xC0]  }
0xd1: {  	[tilespmem:s2+$0x30] =	vst v3;
	v3 =	vmul.f32 v8, v1;
	v7 =	vmul.f32 v7, v2;
	v8 =	vld [tilespmem:s2+$0xD0]  }
0xd2: {  	[tilespmem:s2+$0x40] =	vst v4;
	v4 =	vmul.f32 v6, v2;
	v6 =	vld [tilespmem:s2+$0xE0]  }
0xd3: {  	[tilespmem:s2+$0x50] =	vst v9;
	v5 =	vmul.f32 v5, v2;
	v9 =	vld [tilespmem:s2+$0xF0]  }
0xd4: {  	s2 =	sadd.s32 $0x200, s2;
	v1 =	vld.idx.msk [tilespmem:v11+s20+$0x0], $0xffff;
	[tilespmem:s6+$0x60] =	vst v3;
	v3 =	vmul.f32 v14, v2  }
0xd5: {  	v11 =	vld [tilespmem:s2+$0x70];
	[tilespmem:s6+$0x80] =	vst v7;
	v7 =	vmul.f32 v15, v2  }
0xd6: {  	v10 =	vld.idx.msk [tilespmem:v10+s20+$0x0], $0xffff;
	[tilespmem:s6+$0x90] =	vst v4;
	v4 =	vmul.f32 v8, v2  }
0xd7: {  	v8 =	vld.idx.msk [tilespmem:v12+s20+$0x0], $0xffff;
	[tilespmem:s6+$0xA0] =	vst v5;
	v5 =	vmul.f32 v6, v2  }
0xd8: {  	[tilespmem:s6+$0xB0] =	vst v3;
	v3 =	vmul.f32 v9, v2;
	v2 =	vld.idx.msk [tilespmem:v13+s20+$0x0], $0xffff  }
0xd9: {  	v6 =	vld [tilespmem:s2+$0xFFFFFF00];
	[tilespmem:s6+$0xC0] =	vst v7  }
0xda: {  	v7 =	vld [tilespmem:s2+$0xFFFFFF10];
	v9 =	vmul.f32 v11, v1;
	[tilespmem:s6+$0xD0] =	vst v4  }
0xdb: {  	v4 =	vld [tilespmem:s2+$0xFFFFFF20];
	[tilespmem:s6+$0xE0] =	vst v5  }
0xdc: {  	v5 =	vld [tilespmem:s2+$0xFFFFFF30];
	[tilespmem:s2+$0x70] =	vst v9  }
0xdd: {  	v9 =	vld [tilespmem:s2+$0xFFFFFF40];
	[tilespmem:s6+$0xF0] =	vst v3;
	s6 =	smov.u32 s2  }
0xde: {  	v3 =	vmul.f32 v6, v10;
	v6 =	vld [tilespmem:s2+$0xFFFFFF50]  }
0xdf: {  	v7 =	vmul.f32 v7, v10;
	v11 =	vld [tilespmem:s2+$0xFFFFFF60]  }
0xe0: {  	[tilespmem:s2+$0xFFFFFF00] =	vst v3;
	v3 =	vmul.f32 v4, v10;
	v4 =	vld [tilespmem:s2+$0xFFFFFF70]  }
0xe1: {  	[tilespmem:s2+$0xFFFFFF10] =	vst v7;
	v5 =	vmul.f32 v5, v10;
	v7 =	vld [tilespmem:s2+$0xFFFFFF80]  }
0xe2: {  	[tilespmem:s2+$0xFFFFFF20] =	vst v3;
	v3 =	vmul.f32 v9, v10;
	v9 =	vld [tilespmem:s2+$0xFFFFFF90]  }
0xe3: {  	[tilespmem:s2+$0xFFFFFF30] =	vst v5;
	v5 =	vmul.f32 v6, v10;
	v6 =	vld [tilespmem:s2+$0xFFFFFFA0]  }
0xe4: {  	[tilespmem:s2+$0xFFFFFF40] =	vst v3;
	v3 =	vmul.f32 v11, v10;
	v11 =	vld [tilespmem:s2+$0xFFFFFFB0]  }
0xe5: {  	[tilespmem:s2+$0xFFFFFF50] =	vst v5;
	v4 =	vmul.f32 v4, v10;
	v5 =	vld [tilespmem:s2+$0xFFFFFFC0]  }
0xe6: {  	[tilespmem:s2+$0xFFFFFF60] =	vst v3;
	v3 =	vmul.f32 v7, v8;
	v10 =	vld [tilespmem:s2+$0xFFFFFFD0]  }
0xe7: {  	[tilespmem:s2+$0xFFFFFF70] =	vst v4;
	v4 =	vmul.f32 v9, v8;
	v9 =	vld [tilespmem:s2+$0xFFFFFFE0]  }
0xe8: {  	[tilespmem:s2+$0xFFFFFF80] =	vst v3;
	v3 =	vmul.f32 v6, v8;
	v12 =	vld [tilespmem:s2+$0xFFFFFFF0]  }
.Ltmp2:
0xe9: {  	[tilespmem:s2+$0xFFFFFF90] =	vst v4;
	v4 =	vmul.f32 v11, v8;
	v7 =	vld [tilespmem:s2+$0x0];
	(pc) =	sbr.rel @p0 .LBB2_7-.Ltmp2, $4  }
0xea: {  	[tilespmem:s2+$0xFFFFFFA0] =	vst v3;
	v3 =	vmul.f32 v5, v8;
	v6 =	vld [tilespmem:s2+$0x10]  }
0xeb: {  	[tilespmem:s2+$0xFFFFFFB0] =	vst v4;
	v4 =	vmul.f32 v10, v8;
	v5 =	vld [tilespmem:s2+$0x20]  }
0xec: {  	[tilespmem:s2+$0xFFFFFFC0] =	vst v3;
	v9 =	vmul.f32 v9, v8;
	v3 =	vld [tilespmem:s2+$0x30]  }
0xed: {  	[tilespmem:s2+$0xFFFFFFD0] =	vst v4;
	v8 =	vmul.f32 v12, v8;
	v4 =	vld [tilespmem:s2+$0x40]  }
0xee: {  	v10 =	vld [tilespmem:s2+$0x50]  }
0xef: {  	[tilespmem:s2+$0xFFFFFFE0] =	vst v9;
	v7 =	vmul.f32 v7, v1;
	v54 =	vld [tilespmem:s2+$0x60]  }
0xf0: {  	v55 =	vld [tilespmem:s2+$0x80];
	[tilespmem:s2+$0xFFFFFFF0] =	vst v8;
	v6 =	vmul.f32 v6, v1  }
0xf1: {  	v56 =	vld [tilespmem:s2+$0x90];
	[tilespmem:s2+$0x0] =	vst v7;
	v5 =	vmul.f32 v5, v1  }
0xf2: {  	v57 =	vld [tilespmem:s2+$0xA0];
	[tilespmem:s2+$0x10] =	vst v6;
	v3 =	vmul.f32 v3, v1  }
0xf3: {  	v58 =	vld [tilespmem:s2+$0xB0];
	[tilespmem:s2+$0x20] =	vst v5;
	v4 =	vmul.f32 v4, v1  }
0xf4: {  	v11 =	vld [tilespmem:s2+$0xC0];
	v10 =	vmul.f32 v10, v1;
	[tilespmem:s2+$0x30] =	vst v3  }
0xf5: {  	v60 =	vld [tilespmem:s2+$0xE0];
	v59 =	vmul.f32 v55, v2;
	[tilespmem:s2+$0x40] =	vst v4  }
0xf6: {  	v3 =	vld [tilespmem:s2+$0xD0];
	v7 =	vmul.f32 v56, v2;
	[tilespmem:s2+$0x50] =	vst v10  }
0xf7: {  	v61 =	vld [tilespmem:s2+$0xF0];
	v1 =	vmul.f32 v54, v1;
	[tilespmem:s6+$0x80] =	vst v59  }
0xf8: {  	v62 =	vmul.f32 v58, v2;
	[tilespmem:s6+$0x90] =	vst v7  }
0xf9: {  	[tilespmem:s6+$0x60] =	vst v1;
	v1 =	vmul.f32 v57, v2  }
0xfa: {  	v63 =	vmul.f32 v11, v2;
	[tilespmem:s6+$0xB0] =	vst v62  }
0xfb: {  	[tilespmem:s6+$0xA0] =	vst v1;
	v1 =	vmul.f32 v3, v2  }
0xfc: {  	s11 =	smul.u32 $0x140, s5;
	[tilespmem:s6+$0xC0] =	vst v63;
	v3 =	vmul.f32 v60, v2  }
0xfd: {  	v2 =	vmul.f32 v61, v2;
	[tilespmem:s6+$0xD0] =	vst v1  }
0xfe: {  	p0 =	seq.s32 s30, $0x3D;
	s2 =	sshra.s32 s11, $0x2;
	[tilespmem:s6+$0xE0] =	vst v3  }
.Ltmp3:
0xff: {  	s2 =	sadd.s32 $0x2710, s2;
	[tilespmem:s6+$0xF0] =	vst v2;
	(pc) =	sbr.rel @p0 .LBB2_10-.Ltmp3, $4  }
0x100: {  	[spmem:s1] =	stream.indirect.scatter.add.f32 [tilespmem:s23], [sflag:$0x4], $0x80, s2, s22, $0xb8;
	[tilespmem:$0x1FDB0] =	vst v63  }
0x101: {  	_ =	swait.ge [sflag:s28], $0x2800  }
0x102: {  	[sflag:s28] =	ssyncset.done $0x0  }
0x103: {  	[sflag:s28] =	ssyncadd.s32 $0xFFFFD800  }
0x104: {  	s2 =	sadd.s32 $0xA0, s31  }
0x105: {  	[tilespmem:s21], [sflag:$0x1] =	stream.indirect.gather [hbm4b:s4+s22], $0x80, s2, s22, $0xb8;
	[tilespmem:$0x1FDB0] =	vst v63  }
.Ltmp4:
0x106: {  	_ = 	snop;
	(pc) =	sbr.rel .LBB2_4-.Ltmp4, $4  }
0x107: {  	_ =	swait.ge [sflag:s29], $0x2800  }
0x108: {  	s31 =	sadd.s32 $0xF0, s31;
	[sflag:s29] =	ssyncset.done $0x0  }
0x109: {  	s30 =	sadd.s32 $0x1, s30;
	s19 =	sadd.s32 $0xA0, s19;
	[sflag:s29] =	ssyncadd.s32 $0xFFFFD800  }
0x10a: {  	[tilespmem:s23], [sflag:$0x2] =	stream.indirect.gather [hbm4b:s4+s22], $0x80, s31, s22, $0xb8;
	[tilespmem:$0x1FDB0] =	vst v63  }
.LBB2_10:
0x10b: {  	s2 =	simm.s32 $0x26C0  }
0x10c: {  	s11 =	simm.s32 $0x26C2;
	_ =	swait.ge [sflag:s29], $0x2800;
	v1 =	vmov s2  }
0x10d: {  	v2 =	vmov s11;
	[sflag:s29] =	ssyncset.done $0x0;
	v1 =	vand.u32 $0xFFFFFFFC, v1  }
0x10e: {  	s19 =	simm.s32 $0x26C0;
	v2 =	vand.u32 $0xFFFFFFFE, v2;
	[sflag:s29] =	ssyncadd.s32 $0xFFFFD800;
	v1 =	vbroadcast v1, $0x0  }
0x10f: {  	v2 =	vbroadcast v2, $0x0;
	[tilespmem:s21], [sflag:$0x1] =	stream.indirect.gather [hbm4b:s4+s22], $0x80, s19, s22, $0xb8;
	[tilespmem:$0x1FDB0] =	vst v63  }
0x110: {  	_ =	swait.ge [sflag:s24], $0x2800  }
0x111: {  	[sflag:s24] =	ssyncset.done $0x0  }
0x112: {  	s19 =	simm.s32 $0x7630;
	[sflag:s24] =	ssyncadd.s32 $0xFFFFD800  }
0x113: {  	v4 =	vld [tilespmem:s19+$0x70]  }
0x114: {  	s30 =	simm.s32 $0x26C1;
	v3 =	vld.idx.msk [tilespmem:v1+s20+$0x0], $0xffff  }
0x115: {  	v1 =	vld.idx.msk [tilespmem:v2+s20+$0x0], $0xffff;
	v2 =	vmov s30  }
0x116: {  	v5 =	vld [tilespmem:s19+$0xFFFFFF00];
	v2 =	vand.u32 $0xFFFFFFFD, v2  }
0x117: {  	v6 =	vld [tilespmem:s19+$0xFFFFFF10];
	v2 =	vbroadcast v2, $0x0  }
0x118: {  	v7 =	vld [tilespmem:s19+$0xFFFFFF20]  }
0x119: {  	v8 =	vld [tilespmem:s19+$0xFFFFFF30]  }
0x11a: {  	v9 =	vld [tilespmem:s19+$0xFFFFFF40]  }
0x11b: {  	v10 =	vld [tilespmem:s19+$0xFFFFFF50]  }
0x11c: {  	v11 =	vld [tilespmem:s19+$0xFFFFFF60];
	v5 =	vmul.f32 v5, v3  }
0x11d: {  	v12 =	vld.idx.msk [tilespmem:v2+s20+$0x0], $0xffff;
	v2 =	vmul.f32 v4, v1  }
0x11e: {  	[tilespmem:s19+$0xFFFFFF00] =	vst v5;
	v5 =	vld [tilespmem:s19+$0xFFFFFF70];
	v4 =	vmul.f32 v6, v3  }
0x11f: {  	v6 =	vld [tilespmem:s19+$0xFFFFFF80];
	[tilespmem:s19+$0x70] =	vst v2;
	v2 =	vmul.f32 v7, v3  }
0x120: {  	s31 =	simm.s32 $0x26C3;
	[tilespmem:s19+$0xFFFFFF10] =	vst v4;
	v4 =	vmul.f32 v8, v3;
	v7 =	vld [tilespmem:s19+$0xFFFFFF90]  }
0x121: {  	v8 =	vmov s31;
	[tilespmem:s19+$0xFFFFFF20] =	vst v2;
	v2 =	vmul.f32 v9, v3;
	v9 =	vld [tilespmem:s19+$0xFFFFFFA0]  }
0x122: {  	[tilespmem:s19+$0xFFFFFF30] =	vst v4;
	v4 =	vmul.f32 v10, v3;
	v10 =	vld [tilespmem:s19+$0xFFFFFFB0]  }
0x123: {  	[tilespmem:s19+$0xFFFFFF40] =	vst v2;
	v2 =	vmul.f32 v11, v3;
	v11 =	vld [tilespmem:s19+$0xFFFFFFC0]  }
0x124: {  	[tilespmem:s19+$0xFFFFFF50] =	vst v4;
	v4 =	vmul.f32 v6, v12;
	v6 =	vld [tilespmem:s19+$0xFFFFFFD0]  }
0x125: {  	v3 =	vmul.f32 v5, v3;
	v5 =	vld [tilespmem:s19+$0xFFFFFFE0];
	[tilespmem:s19+$0xFFFFFF60] =	vst v2  }
0x126: {  	v7 =	vmul.f32 v7, v12;
	v2 =	vld.idx.msk [tilespmem:v8+s20+$0x0], $0xffff;
	[tilespmem:s19+$0xFFFFFF80] =	vst v4  }
0x127: {  	[tilespmem:s19+$0xFFFFFF70] =	vst v3;
	v8 =	vld [tilespmem:s19+$0xFFFFFFF0];
	v3 =	vmul.f32 v9, v12  }
0x128: {  	[tilespmem:s19+$0xFFFFFF90] =	vst v7;
	v4 =	vmul.f32 v10, v12;
	v10 =	vld [tilespmem:s19+$0x0]  }
0x129: {  	v7 =	vld [tilespmem:s19+$0x10];
	[tilespmem:s19+$0xFFFFFFA0] =	vst v3;
	v3 =	vmul.f32 v11, v12  }
0x12a: {  	[tilespmem:s19+$0xFFFFFFB0] =	vst v4;
	v4 =	vmul.f32 v6, v12;
	v6 =	vld [tilespmem:s19+$0x20]  }
0x12b: {  	[tilespmem:s19+$0xFFFFFFC0] =	vst v3;
	v3 =	vmul.f32 v5, v12;
	v5 =	vld [tilespmem:s19+$0x30]  }
0x12c: {  	[tilespmem:s19+$0xFFFFFFD0] =	vst v4;
	v4 =	vld [tilespmem:s19+$0x40];
	v9 =	vmul.f32 v8, v12  }
0x12d: {  	s5 =	simm.s32 $0x0;
	s2 =	simm.s32 $0x7630;
	v8 =	vmul.f32 v10, v1;
	[tilespmem:s19+$0xFFFFFFE0] =	vst v3;
	v3 =	vld [tilespmem:s19+$0x50]  }
.LBB2_11:
0x12e: {  	s6 =	sadd.s32 $0x26C7, s5;
	[tilespmem:s19+$0xFFFFFFF0] =	vst v9;
	v7 =	vmul.f32 v7, v1;
	v9 =	vld [tilespmem:s19+$0x60]  }
0x12f: {  	s7 =	sadd.s32 $0x26C4, s5;
	s9 =	sadd.s32 $0x26C5, s5;
	v10 =	vmov s6;
	[tilespmem:s19+$0x0] =	vst v8;
	v6 =	vmul.f32 v6, v1;
	v8 =	vld [tilespmem:s19+$0x80]  }
0x130: {  	v11 =	vmov s7;
	v12 =	vmov s9;
	[tilespmem:s19+$0x10] =	vst v7;
	v5 =	vmul.f32 v5, v1;
	v7 =	vld [tilespmem:s19+$0x90]  }
0x131: {  	s6 =	sadd.s32 $0x26C6, s5;
	s5 =	sadd.s32 $0x4, s5;
	v11 =	vand.u32 $0xFFFFFFFC, v11;
	v12 =	vand.u32 $0xFFFFFFFD, v12;
	[tilespmem:s19+$0x20] =	vst v6;
	v4 =	vmul.f32 v4, v1;
	v6 =	vld [tilespmem:s19+$0xA0]  }
0x132: {  	v13 =	vmov s6;
	p0 =	slt.u32 s5, $0x4C;
	v11 =	vbroadcast v11, $0x0;
	[tilespmem:s19+$0x30] =	vst v5;
	v3 =	vmul.f32 v3, v1;
	v5 =	vld [tilespmem:s19+$0xB0]  }
0x133: {  	v12 =	vbroadcast v12, $0x0;
	v13 =	vand.u32 $0xFFFFFFFE, v13;
	[tilespmem:s19+$0x40] =	vst v4;
	v1 =	vmul.f32 v9, v1;
	v4 =	vld [tilespmem:s19+$0xC0]  }
0x134: {  	v9 =	vbroadcast v13, $0x0;
	[tilespmem:s19+$0x50] =	vst v3;
	v3 =	vmul.f32 v8, v2;
	v8 =	vld [tilespmem:s19+$0xD0]  }
0x135: {  	[tilespmem:s19+$0x60] =	vst v1;
	v1 =	vmul.f32 v7, v2;
	v7 =	vld [tilespmem:s19+$0xE0]  }
0x136: {  	[tilespmem:s19+$0x80] =	vst v3;
	v3 =	vmul.f32 v6, v2;
	v6 =	vld [tilespmem:s19+$0xF0]  }
0x137: {  	v10 =	vld.idx.msk [tilespmem:v10+s20+$0x0], $0xffff;
	[tilespmem:s19+$0x90] =	vst v1;
	v1 =	vmul.f32 v5, v2  }
0x138: {  	v5 =	vld.idx.msk [tilespmem:v11+s20+$0x0], $0xffff;
	[tilespmem:s19+$0xA0] =	vst v3;
	v3 =	vmul.f32 v4, v2  }
0x139: {  	v4 =	vld.idx.msk [tilespmem:v12+s20+$0x0], $0xffff;
	[tilespmem:s19+$0xB0] =	vst v1;
	v8 =	vmul.f32 v8, v2  }
0x13a: {  	s19 =	sadd.s32 $0x200, s19;
	v1 =	vld.idx.msk [tilespmem:v9+s20+$0x0], $0xffff;
	[tilespmem:s2+$0xC0] =	vst v3;
	v3 =	vmul.f32 v7, v2  }
0x13b: {  	v7 =	vld [tilespmem:s19+$0x70];
	[tilespmem:s2+$0xD0] =	vst v8;
	v8 =	vmul.f32 v6, v2  }
0x13c: {  	v6 =	vld [tilespmem:s19+$0xFFFFFF00];
	[tilespmem:s2+$0xE0] =	vst v3  }
0x13d: {  	v2 =	vmov v10;
	v3 =	vld [tilespmem:s19+$0xFFFFFF10];
	[tilespmem:s2+$0xF0] =	vst v8;
	s2 =	smov.u32 s19  }
0x13e: {  	v8 =	vld [tilespmem:s19+$0xFFFFFF20]  }
0x13f: {  	v9 =	vld [tilespmem:s19+$0xFFFFFF30]  }
0x140: {  	v10 =	vld [tilespmem:s19+$0xFFFFFF40];
	v7 =	vmul.f32 v7, v1  }
0x141: {  	v6 =	vmul.f32 v6, v5;
	v11 =	vld [tilespmem:s19+$0xFFFFFF50]  }
0x142: {  	v3 =	vmul.f32 v3, v5;
	v12 =	vld [tilespmem:s19+$0xFFFFFF60];
	[tilespmem:s19+$0x70] =	vst v7  }
0x143: {  	[tilespmem:s19+$0xFFFFFF00] =	vst v6;
	v6 =	vmul.f32 v8, v5;
	v7 =	vld [tilespmem:s19+$0xFFFFFF70]  }
0x144: {  	[tilespmem:s19+$0xFFFFFF10] =	vst v3;
	v3 =	vmul.f32 v9, v5;
	v8 =	vld [tilespmem:s19+$0xFFFFFF80]  }
0x145: {  	[tilespmem:s19+$0xFFFFFF20] =	vst v6;
	v6 =	vmul.f32 v10, v5;
	v9 =	vld [tilespmem:s19+$0xFFFFFF90]  }
0x146: {  	[tilespmem:s19+$0xFFFFFF30] =	vst v3;
	v3 =	vmul.f32 v11, v5;
	v10 =	vld [tilespmem:s19+$0xFFFFFFA0]  }
0x147: {  	[tilespmem:s19+$0xFFFFFF40] =	vst v6;
	v6 =	vmul.f32 v12, v5;
	v11 =	vld [tilespmem:s19+$0xFFFFFFB0]  }
0x148: {  	[tilespmem:s19+$0xFFFFFF50] =	vst v3;
	v3 =	vmul.f32 v7, v5;
	v5 =	vld [tilespmem:s19+$0xFFFFFFC0]  }
0x149: {  	[tilespmem:s19+$0xFFFFFF60] =	vst v6;
	v6 =	vmul.f32 v8, v4;
	v8 =	vld [tilespmem:s19+$0xFFFFFFD0]  }
0x14a: {  	[tilespmem:s19+$0xFFFFFF70] =	vst v3;
	v3 =	vmul.f32 v9, v4;
	v9 =	vld [tilespmem:s19+$0xFFFFFFE0]  }
0x14b: {  	[tilespmem:s19+$0xFFFFFF80] =	vst v6;
	v6 =	vmul.f32 v10, v4;
	v10 =	vld [tilespmem:s19+$0xFFFFFFF0]  }
0x14c: {  	[tilespmem:s19+$0xFFFFFF90] =	vst v3;
	v3 =	vmul.f32 v11, v4;
	v11 =	vld [tilespmem:s19+$0x0]  }
.Ltmp5:
0x14d: {  	[tilespmem:s19+$0xFFFFFFA0] =	vst v6;
	v5 =	vmul.f32 v5, v4;
	v7 =	vld [tilespmem:s19+$0x10];
	(pc) =	sbr.rel @p0 .LBB2_11-.Ltmp5, $4  }
0x14e: {  	[tilespmem:s19+$0xFFFFFFB0] =	vst v3;
	v3 =	vmul.f32 v8, v4;
	v6 =	vld [tilespmem:s19+$0x20]  }
0x14f: {  	[tilespmem:s19+$0xFFFFFFC0] =	vst v5;
	v8 =	vmul.f32 v9, v4;
	v5 =	vld [tilespmem:s19+$0x30]  }
0x150: {  	[tilespmem:s19+$0xFFFFFFD0] =	vst v3;
	v9 =	vmul.f32 v10, v4;
	v4 =	vld [tilespmem:s19+$0x40]  }
0x151: {  	[tilespmem:s19+$0xFFFFFFE0] =	vst v8;
	v8 =	vmul.f32 v11, v1;
	v3 =	vld [tilespmem:s19+$0x50]  }
0x152: {  	[tilespmem:s19+$0xFFFFFFF0] =	vst v9;
	v7 =	vmul.f32 v7, v1;
	v55 =	vld [tilespmem:s19+$0x80]  }
0x153: {  	v10 =	vld [tilespmem:s19+$0x60];
	[tilespmem:s19+$0x0] =	vst v8;
	v6 =	vmul.f32 v6, v1  }
0x154: {  	v56 =	vld [tilespmem:s19+$0x90];
	[tilespmem:s19+$0x10] =	vst v7;
	v5 =	vmul.f32 v5, v1  }
0x155: {  	v57 =	vld [tilespmem:s19+$0xA0];
	[tilespmem:s19+$0x20] =	vst v6;
	v4 =	vmul.f32 v4, v1  }
0x156: {  	v58 =	vld [tilespmem:s19+$0xB0];
	[tilespmem:s19+$0x30] =	vst v5;
	v3 =	vmul.f32 v3, v1  }
0x157: {  	v59 =	vld [tilespmem:s19+$0xC0];
	[tilespmem:s19+$0x40] =	vst v4;
	v60 =	vmul.f32 v55, v2  }
0x158: {  	v61 =	vld [tilespmem:s19+$0xD0];
	v1 =	vmul.f32 v10, v1;
	[tilespmem:s19+$0x50] =	vst v3  }
0x159: {  	v8 =	vmul.f32 v56, v2;
	v3 =	vld [tilespmem:s19+$0xE0];
	[tilespmem:s19+$0x80] =	vst v60  }
0x15a: {  	v62 =	vld [tilespmem:s19+$0xF0];
	[tilespmem:s19+$0x60] =	vst v1;
	v1 =	vmul.f32 v57, v2  }
0x15b: {  	v6 =	vmul.f32 v58, v2;
	[tilespmem:s19+$0x90] =	vst v8  }
0x15c: {  	[tilespmem:s19+$0xA0] =	vst v1;
	v1 =	vmul.f32 v59, v2  }
0x15d: {  	v63 =	vmul.f32 v61, v2;
	[tilespmem:s19+$0xB0] =	vst v6  }
0x15e: {  	[tilespmem:s2+$0xC0] =	vst v1;
	v1 =	vmul.f32 v3, v2  }
0x15f: {  	[tilespmem:s2+$0xD0] =	vst v63;
	v2 =	vmul.f32 v62, v2  }
0x160: {  	[tilespmem:s2+$0xE0] =	vst v1  }
0x161: {  	s19 =	simm.s32 $0x4DD0;
	[tilespmem:s2+$0xF0] =	vst v2  }
0x162: {  	[spmem:s1] =	stream.indirect.scatter.add.f32 [tilespmem:s21], [sflag:$0x3], $0x80, s19, s22, $0xb8;
	[tilespmem:$0x1FDB0] =	vst v63  }
0x163: {  	_ =	swait.ge [sflag:s28], $0x2800  }
0x164: {  	[sflag:s28] =	ssyncset.done $0x0  }
0x165: {  	s30 =	stileid.u32;
	[sflag:s28] =	ssyncadd.s32 $0xFFFFD800  }
0x166: {  	s2 =	sshll.u32 s30, $0x6;
	[bflag:$0x0] =	sbarrier.arrive $0xFFFF  }
0x167: {  	s2 =	sor.u32 $0x1C05, s2;
	s5 =	rddreg [dreg:$0x9]  }
0x168: {  	[hbm:s5], [sflag:s2] =	dma.local [spmem:s25], $0x2710  }
0x169: {  	_ =	swait.ge [sflag:s18], $0x2710  }
0x16a: {  	s0 =	sadd.s32 $0x1, s0;
	s31 =	rddreg [dreg:$0xa]  }
0x16b: {  	p0 =	sne.s32 s0, s31  }
.Ltmp6:
0x16c: {  	_ = 	snop;
	(pc) =	sbr.rel @p0 .LBB2_1-.Ltmp6, $3  }
0x16d: {  	_ =	sdelay $0x1  }
0x16e: {  	[sflag:s18] =	ssyncset.done $0x0  }
0x16f: {  	[sflag:s18] =	ssyncadd.s32 $0xFFFFD8F0  }
0x170: {  	_ =	sfence.sel $0x180000  }
0x171: {  	[bflag:$0x0] =	sbarrier.arrive $0xFFFF  }
0x172: {  	_ =	strace $0x9000004A  }
0x173: {  	s0 =	stileid.u32;
	[bflag:$0x2] =	sbarrier.arrive $0xFFFF  }
0x174: {  	p0 =	sne.s32 s0, $0x0;
	s0 =	rddreg [dreg:$0x4]  }
0x175: {  	s0 =	sadd.s32 @!p0 $0x100000, s0  }
0x176: {  	[sflag:s0] =	ssyncadd.tile.s32 @!p0 $0x1;
	_ =	shalt  }
.Lfunc_end2:
_tile_overlayer_lowered:
.L_overlay_start_2:
0x177: {  	(tag) =	ssettag $0x2  }
0x178: {  	s0 =	rddreg [dreg:$0x0];
	s2 =	stileid.u32  }
0x179: {  	s1 =	rddreg [dreg:$0x1];
	p0 =	sne.s32 s2, $0x0  }
0x17a: {  	s3 =	rddreg [dreg:$0x2];
	[bflag:$0x3] =	sbarrier.arrive $0xFFFF;
	s2 =	simm.s32 @!p0 $0x1C05  }
0x17b: {  	[timem:s3], [sflag:s2] =	dma.local @!p0 [hbm:s0], s1  }
0x17c: {  	s0 =	simm.s32 @!p0 $0x5  }
0x17d: {  	_ =	swait.ge @!p0 [sflag:s0], s1  }
0x17e: {  	s1 =	ssub.s32 @!p0 $0x0, s1;
	[sflag:s0] =	ssyncset.done @!p0 $0x0  }
0x17f: {  	[sflag:s0] =	ssyncadd.s32 @!p0 s1  }
0x180: {  	[bflag:$0x3] =	sbarrier.arrive $0xFFFF  }
0x181: {  	_ =	shalt  }

// kernel: kernel.15.cloned.1.call-start
scs
__scs_entry_jumppad:
0x0: {  	(pc) =	sbr.rel $0x88, $3  }
0x1: {  	(tag) =	ssettag $0x0;
	lr =	simm.s32 $0x1  }
0x2: {  	[smem:$0x3F9A] =	sst lr;
	_ =	strace $0xD0000000  }
0x3: {  	_ = 	snop  }
0x4: {  	_ = 	snop  }
0x5: {  	_ = 	snop  }
0x6: {  	_ = 	snop  }
0x7: {  	_ = 	snop  }
__scs_overlays_trampoline_lowered:
0x8: {  	[smem:$0x3FA9] =	sst s0  }
0x9: {  	[smem:$0x3FAA] =	sst s1  }
0xa: {  	[smem:$0x3FAB] =	sst s2  }
0xb: {  	[smem:$0x3FAC] =	sst s3  }
0xc: {  	[smem:$0x3FAD] =	sst s4  }
0xd: {  	[smem:$0x3FAE] =	sst s5  }
0xe: {  	[smem:$0x3FAF] =	sst s6  }
0xf: {  	[smem:$0x3FB0] =	sst s7  }
0x10: {  	[smem:$0x3FB1] =	sst s8  }
0x11: {  	[smem:$0x3FB2] =	sst s9;
	s0 =	simm.s32 @!p0 $0x0  }
0x12: {  	s1 =	sld [smem:$0x3F98];
	s0 =	simm.s32 @p0 $0x1  }
0x13: {  	[smem:$0x3FB3] =	sst s0;
	s0 =	simm.s32 @!p1 $0x0  }
0x14: {  	s2 =	sld [smem:$0x3F97];
	s0 =	simm.s32 @p1 $0x1  }
0x15: {  	[smem:$0x3FB4] =	sst s0;
	s0 =	simm.s32 @!p2 $0x0  }
0x16: {  	s3 =	sld [smem:$0x3FDB];
	s0 =	simm.s32 @p2 $0x1  }
0x17: {  	s4 =	simm.s32 $0x1BF5;
	[smem:$0x3FB6] =	sst s0  }
0x18: {  	s0 =	sld [smem:$0x3F99];
	_ =	swait.ge [sflag:s4], $0x0  }
0x19: {  	s7 =	sld [smem:$0x3F9A]  }
0x1a: {  	s8 =	sadd.s32 $0xFFFFE003, lr  }
0x1b: {  	s9 =	sadd.s32 $0xFFFFFEF7, lr;
	s5 =	simm.s32 $0xFFFFFFFF;
	p2 =	slt.u32 s8, $0xFFFFF086  }
0x1c: {  	p1 =	slt.u32 s9, $0xF7A;
	s5 =	simm.s32 @!p2 $0x0  }
0x1d: {  	s5 =	simm.s32 @p1 $0x1;
	p0 =	seq.s32 s7, s2  }
0x1e: {  	s7 =	smul.u32 @!p0 $0xF7A, s2;
	p2 =	seq.s32 @!p0 s5, $0x0  }
0x1f: {  	s9 =	smul.u32 $0xF7A, s1;
	s8 =	simm.s32 @!p0 $0x1BF5;
	p2 =	por !p2, p0  }
0x20: {  	[sflag:s8] =	ssyncset.s32 @!p0 $0xFFFFF086;
	s6 =	sadd.s32 @!p0 s3, s7;
	s7 =	simm.s32 @!p0 $0x108  }
0x21: {  	s3 =	sadd.s32 s3, s9;
	s6 =	sadd.s32 @!p0 $0x88, s6;
	s7 =	simm.s32 @p2 $0x1082  }
0x22: {  	[simem:s7], [sflag:s8] =	dma.local @!p0 [hbm:s6], $0xF7A  }
0x23: {  	s9 =	sor.u32 $0xD0000000, s2;
	s6 =	simm.s32 $0x108;
	_ =	swait.ge @!p0 [sflag:s8], $0x0  }
0x24: {  	s3 =	sadd.s32 $0x88, s3;
	s6 =	simm.s32 @!p1 $0x1082;
	[sflag:s4] =	ssyncset.s32 $0xFFFFF086  }
0x25: {  	[simem:s6], [sflag:s4] =	dma.local [hbm:s3], $0xF7A  }
0x26: {  	[smem:$0x3F9A] =	sst s1;
	(tag) =	ssettag s2;
	_ =	strace s9  }
0x27: {  	s1 =	sld [smem:$0x3FAA]  }
0x28: {  	s2 =	sld [smem:$0x3FAB]  }
0x29: {  	s4 =	sld [smem:$0x3FAD]  }
0x2a: {  	p0 =	seq.s32 s5, $0x0;
	s5 =	sld [smem:$0x3FAE]  }
0x2b: {  	s6 =	sld [smem:$0x3FAF]  }
0x2c: {  	s7 =	sld [smem:$0x3FB0]  }
0x2d: {  	s3 =	simm.s32 $0x108;
	s8 =	sld [smem:$0x3FB1]  }
0x2e: {  	s3 =	simm.s32 @!p0 $0x1082;
	s9 =	sld [smem:$0x3FB2]  }
0x2f: {  	lr =	sadd.s32 s0, s3;
	s0 =	sld [smem:$0x3FA9]  }
0x30: {  	s3 =	sld [smem:$0x3FAC]  }
0x31: {  	[smem:$0x3FB5] =	sst s10  }
0x32: {  	s10 =	sld [smem:$0x3FB3];
	_ =	sdelay $0x3  }
0x33: {  	p0 =	seq.s32 s10, $0x1;
	s10 =	sld [smem:$0x3FB5];
	_ =	sdelay $0x3  }
0x34: {  	[smem:$0x3FB5] =	sst s10  }
0x35: {  	s10 =	sld [smem:$0x3FB4];
	_ =	sdelay $0x3  }
0x36: {  	p1 =	seq.s32 s10, $0x1;
	s10 =	sld [smem:$0x3FB5];
	_ =	sdelay $0x3  }
0x37: {  	[smem:$0x3FB5] =	sst s10  }
0x38: {  	s10 =	sld [smem:$0x3FB6]  }
0x39: {  	_ = 	snop;
	(pc) =	sbr.ind lr, $3  }
0x3a: {  	_ = 	snop  }
0x3b: {  	_ = 	snop  }
0x3c: {  	p2 =	seq.s32 s10, $0x1;
	s10 =	sld [smem:$0x3FB5]  }
0x3d: {  	_ =	shalt  }
0x3e: {  	_ =	shalt  }
0x3f: {  	_ =	shalt  }
0x40: {  	_ =	shalt  }
0x41: {  	_ =	shalt  }
0x42: {  	_ =	shalt  }
0x43: {  	_ =	shalt  }
0x44: {  	_ =	shalt  }
0x45: {  	_ =	shalt  }
0x46: {  	_ =	shalt  }
0x47: {  	_ =	shalt  }
0x48: {  	_ =	shalt  }
0x49: {  	_ =	shalt  }
0x4a: {  	_ =	shalt  }
0x4b: {  	_ =	shalt  }
0x4c: {  	_ =	shalt  }
0x4d: {  	_ =	shalt  }
0x4e: {  	_ =	shalt  }
0x4f: {  	_ =	shalt  }
0x50: {  	_ =	shalt  }
0x51: {  	_ =	shalt  }
0x52: {  	_ =	shalt  }
0x53: {  	_ =	shalt  }
0x54: {  	_ =	shalt  }
0x55: {  	_ =	shalt  }
0x56: {  	_ =	shalt  }
0x57: {  	_ =	shalt  }
0x58: {  	_ =	shalt  }
0x59: {  	_ =	shalt  }
0x5a: {  	_ =	shalt  }
0x5b: {  	_ =	shalt  }
0x5c: {  	_ =	shalt  }
0x5d: {  	_ =	shalt  }
0x5e: {  	_ =	shalt  }
0x5f: {  	_ =	shalt  }
0x60: {  	_ =	shalt  }
0x61: {  	_ =	shalt  }
0x62: {  	_ =	shalt  }
0x63: {  	_ =	shalt  }
0x64: {  	_ =	shalt  }
0x65: {  	_ =	shalt  }
0x66: {  	_ =	shalt  }
0x67: {  	_ =	shalt  }
0x68: {  	_ =	shalt  }
0x69: {  	_ =	shalt  }
0x6a: {  	_ =	shalt  }
0x6b: {  	_ =	shalt  }
0x6c: {  	_ =	shalt  }
0x6d: {  	_ =	shalt  }
0x6e: {  	_ =	shalt  }
0x6f: {  	_ =	shalt  }
0x70: {  	_ =	shalt  }
0x71: {  	_ =	shalt  }
0x72: {  	_ =	shalt  }
0x73: {  	_ =	shalt  }
0x74: {  	_ =	shalt  }
0x75: {  	_ =	shalt  }
0x76: {  	_ =	shalt  }
0x77: {  	_ =	shalt  }
0x78: {  	_ =	shalt  }
0x79: {  	_ =	shalt  }
0x7a: {  	_ =	shalt  }
0x7b: {  	_ =	shalt  }
0x7c: {  	_ =	shalt  }
0x7d: {  	_ =	shalt  }
0x7e: {  	_ =	shalt  }
0x7f: {  	_ =	shalt  }
0x80: {  	_ =	shalt  }
0x81: {  	_ =	shalt  }
0x82: {  	_ =	shalt  }
0x83: {  	_ =	shalt  }
0x84: {  	_ =	shalt  }
0x85: {  	_ =	shalt  }
0x86: {  	_ =	shalt  }
0x87: {  	_ =	shalt  }
.Lfunc_end0:
.L_simem_size_0:
called_computation.2_lowered:
.L_overlay_start_0:
0x88: {  	s2 =	sld [smem:$0x3FD9]  }
0x89: {  	s3 =	sld [smem:$0x3FFE];
	_ =	sdelay $0x1  }
0x8a: {  	s1 =	srdreg.scid  }
0x8b: {  	s0 =	sand.u32 $0x1, s1  }
0x8c: {  	s14 =	sshll.u32 s0, $0xA;
	s2 =	sadd.s32 s3, s2  }
0x8d: {  	s2 =	sadd.s32 s2, s14  }
0x8e: {  	[smem:$0x3FC1] =	sst s2  }
0x8f: {  	_ = 	snop  }
0x90: {  	s2 =	sld [smem:$0x3FD0];
	_ =	sdelay $0x2  }
0x91: {  	s4 =	simm.s32 $0xA;
	s5 =	simm.s32 $0x10;
	s15 =	sld [smem:$0x3FC7]  }
0x92: {  	[smem:s5], [sflag:s4] =	dma.local [hbm:s2], $0x1  }
0x93: {  	_ =	swait.eq [sflag:s4], $0x1  }
0x94: {  	[sflag:s4] =	ssyncset.done $0x0  }
0x95: {  	[sflag:s4] =	ssyncadd.s32 $0xFFFFFFFF  }
0x96: {  	s16 =	sld [smem:$0x10];
	(tm) =	ssettm $0x1  }
0x97: {  	s17 =	sld [smem:$0x3FFB];
	_ =	sdelay $0x3  }
0x98: {  	_ =	strace s17  }
0x99: {  	s4 =	sld [smem:$0x3FFC];
	_ =	sdelay $0x3  }
0x9a: {  	_ =	strace s4  }
0x9b: {  	s4 =	sld [smem:$0x3FFD];
	_ =	sdelay $0x3  }
0x9c: {  	_ =	strace s4  }
0x9d: {  	_ =	strace $0x8FFFFFFF  }
0x9e: {  	s18 =	sld [smem:$0x3FDB];
	_ =	sdelay $0x1  }
0x9f: {  	s19 =	simm.s32 $_scs_section_size  }
0xa0: {  	s6 =	simm.s32 $_size__tile_overlayer_lowered;
	s7 =	simm.s32 $_tile_overlayer_lowered  }
0xa1: {  	s22 =	simm.s32 $0x1BFF;
	s21 =	sshll.u32 s7, $0x1;
	s4 =	sadd.s32 s19, s18  }
0xa2: {  	s8 =	simm.s32 $0x0;
	s20 =	sshll.u32 s6, $0x1;
	s6 =	sadd.s32 s21, s4  }
0xa3: {  	[timem:s8], [sflag:s22] =	dma.local [hbm:s6], s20  }
0xa4: {  	_ =	swait.ge [sflag:s22], s20  }
0xa5: {  	s5 =	ssub.s32 $0x0, s20;
	[sflag:s22] =	ssyncset.done $0x0  }
0xa6: {  	[sflag:s22] =	ssyncadd.s32 s5;
	_ =	sdelay $0x1  }
0xa7: {  	s23 =	simm.s32 $0x1B8B  }
0xa8: {  	_ =	swait.ge [sflag:s23], $0x1  }
0xa9: {  	[sflag:s23] =	ssyncset.done $0x0  }
0xaa: {  	s25 =	simm.s32 $0x1B8E;
	s24 =	sld [smem:$0x3FFE];
	[sflag:s23] =	ssyncadd.s32 $0xFFFFFFFF  }
0xab: {  	s26 =	simm.s32 $execute0_lowered;
	[smem:$0x3FD2] =	sst s25  }
0xac: {  	s6 =	sshll.u32 s26, $0x1;
	_ =	strace $0x8000004C;
	[dreg:$0x1] =	wrdreg $0xFFFFFFFF  }
0xad: {  	s28 =	simm.s32 $_size_execute0_lowered;
	s4 =	sadd.s32 s4, s6;
	[dreg:$0x0] =	wrdreg $0x0  }
0xae: {  	s6 =	sshll.u32 s28, $0x1;
	[dreg:$0x2] =	wrdreg s4  }
0xaf: {  	[dreg:$0x3] =	wrdreg s6  }
0xb0: {  	[dreg:$0x4] =	wrdreg $0xC0  }
0xb1: {  	_ =	task [dreg:s8], $0x5FFFF  }
0xb2: {  	[dreg:$0x1] =	wrdreg $0xFFFFFFFF  }
0xb3: {  	[dreg:$0x0] =	wrdreg $0x60  }
0xb4: {  	[dreg:$0x2] =	wrdreg s24  }
0xb5: {  	[dreg:$0x3] =	wrdreg s16  }
0xb6: {  	[dreg:$0x4] =	wrdreg s15  }
0xb7: {  	[dreg:$0x5] =	wrdreg $0xC5300  }
0xb8: {  	[dreg:$0x6] =	wrdreg $0x9  }
0xb9: {  	_ =	task.clear_ibuf [dreg:s8], $0x7FFFF;
	_ =	strace $0x9000004C  }
0xba: {  	s29 =	simm.s32 $0x9;
	_ =	strace $0x8000004E  }
0xbb: {  	_ =	swait.ge [sflag:s29], $0x1  }
0xbc: {  	[sflag:s29] =	ssyncadd.s32 $0xFFFFFFFF  }
0xbd: {  	_ =	strace $0x9000004E  }
0xbe: {  	_ =	sfence  }
0xbf: {  	s30 =	sld [smem:$0x0];
	_ =	sdelay $0x2  }
0xc0: {  	s31 =	sshll.u32 s1, $0xD;
	s1 =	sshrl.u32 s1, $0x2  }
0xc1: {  	s3 =	sand.u32 $0x4000, s31;
	s1 =	sadd.s32 s1, s30  }
0xc2: {  	s0 =	sor.u32 s3, s0;
	s1 =	sshll.u32 s1, $0x11  }
0xc3: {  	s0 =	sor.u32 s1, s0  }
0xc4: {  	s0 =	sadd.s32 $0x8F2B, s0  }
0xc5: {  	[sflag:s0] =	ssyncadd.remote.s32 $0x1  }
0xc6: {  	_ =	sfence.sel $0xFFFF  }
0xc7: {  	[dreg:$0x0] =	wrdreg $0xFFFFFFFF;
	(pc) =	sbr.abs _section_cstart, $3  }
0xc8: {  	[dreg:$0x1] =	wrdreg $0xFFFFFFFF  }
0xc9: {  	_ =	task.clear_ibuf [dreg:s8], $0x2FFFF;
	_ =	strace $0x9FFFFFFF  }
0xca: {  	(tm) =	ssettm $0x7FFFFFFF  }
0xcb: {  	_ =	shalt  }
tec
execute0_lowered:
.L_overlay_start_1:
0x0: {  	(tag) =	ssettag $0x1  }
0x1: {  	s0 =	rddreg [dreg:$0x0]  }
0x2: {  	s2 =	rddreg [dreg:$0x1]  }
0x3: {  	s5 =	rddreg [dreg:$0x2]  }
0x4: {  	s1 =	rddreg [dreg:$0x3];
	s3 =	srdreg.scid  }
0x5: {  	s9 =	stileid.u32;
	s18 =	simm.s32 $0x5;
	s20 =	simm.s32 $0x4E20  }
0x6: {  	s21 =	simm.s32 $0x7530;
	s22 =	simm.s32 $0x50;
	s23 =	simm.s32 $0x9D30  }
0x7: {  	s28 =	simm.s32 $0x3;
	s6 =	sand.u32 $0x1, s3;
	s11 =	smul.u32 $0x13880, s9  }
0x8: {  	s3 =	simm.s32 $0x0;
	s4 =	sshll.u32 s9, $0x1;
	s9 =	smul.u32 $0x4E200, s9  }
0x9: {  	s29 =	simm.s32 $0x4;
	s7 =	smul.u32 $0x138800, s6;
	[smem:$0x7FF] =	sst s3  }
0xa: {  	s8 =	sor.u32 s6, s4;
	s4 =	sadd.s32 $0xC800, s0;
	s6 =	ssub.s32 $0x2, s6  }
0xb: {  	_ =	strace $0x8000004D;
	s8 =	smul.u32 $0x4E2, s8;
	s24 =	sshrl.u32 s6, $0x1  }
0xc: {  	s25 =	sshrl.u32 s9, $0x2;
	s30 =	sadd.s32 s11, s1;
	s7 =	sadd.s32 s11, s7  }
0xd: {  	s6 =	ssub.s32 s6, s24;
	s24 =	simm.s32 $0x1;
	s7 =	sshrl.u32 s7, $0x3  }
0xe: {  	s10 =	sadd.s32 s8, s0;
	s2 =	sadd.s32 s2, s8;
	s5 =	sadd.s32 s5, s8  }
0xf: {  	s8 =	sadd.s32 s25, s1;
	s31 =	smax.u32 s6, $0x1;
	[dreg:$0x5] =	wrdreg s2  }
0x10: {  	s25 =	sshrl.u32 s30, $0x3;
	s0 =	sadd.s32 s7, s0;
	[dreg:$0x7] =	wrdreg s5  }
0x11: {  	s26 =	sadd.s32 $0x2A00, s10;
	s2 =	sadd.s32 $0x11800, s8;
	[dreg:$0xa] =	wrdreg s31  }
0x12: {  	s12 =	sadd.s32 $0x2800, s8;
	s13 =	sadd.s32 $0x5000, s8;
	s14 =	sadd.s32 $0x7800, s8  }
0x13: {  	s15 =	sadd.s32 $0xA000, s8;
	s16 =	sadd.s32 $0xC800, s8;
	[dreg:$0x6] =	wrdreg s26  }
0x14: {  	s17 =	sadd.s32 $0xF000, s8;
	[dreg:$0x8] =	wrdreg s2;
	s0 =	sadd.s32 $0x33A00, s0  }
0x15: {  	v0 =	vimm.f32 $0.0e+00;
	s26 =	simm.s32 $0x2;
	[dreg:$0x9] =	wrdreg s0;
	s0 =	simm.s32 $0x0  }
.LBB2_1:
0x16: {  	s2 =	rddreg [dreg:$0x5]  }
0x17: {  	[tilespmem:s3], [sflag:$0x5] =	stream.linear.gather [hbm4b:s2+s3], $0x2710, $0x38;
	[tilespmem:$0x1FDB0] =	vst v63  }
0x18: {  	_ =	swait.ge [sflag:s18], $0x2710  }
0x19: {  	[sflag:s18] =	ssyncset.done $0x0  }
0x1a: {  	s5 =	simm.s32 $0x2710;
	s30 =	rddreg [dreg:$0x6];
	[sflag:s18] =	ssyncadd.s32 $0xFFFFD8F0  }
0x1b: {  	[tilespmem:s5], [sflag:$0x5] =	stream.linear.gather [hbm4b:s30+s3], $0x2710, $0x38;
	[tilespmem:$0x1FDB0] =	vst v63  }
0x1c: {  	_ =	swait.ge [sflag:s18], $0x2710  }
0x1d: {  	[sflag:s18] =	ssyncset.done $0x0  }
0x1e: {  	s31 =	rddreg [dreg:$0x7];
	[sflag:s18] =	ssyncadd.s32 $0xFFFFD8F0  }
0x1f: {  	[tilespmem:s20], [sflag:$0x5] =	stream.linear.gather [hbm4b:s31+s3], $0x2710, $0x38;
	[tilespmem:$0x1FDB0] =	vst v63  }
0x20: {  	_ =	swait.ge [sflag:s18], $0x2710  }
0x21: {  	[sflag:s18] =	ssyncset.done $0x0  }
0x22: {  	s2 =	simm.s32 $0x0;
	s5 =	simm.s32 $0x200;
	[sflag:s18] =	ssyncadd.s32 $0xFFFFD8F0  }
.LBB2_2:
0x23: {  	p0 =	sne.s32 s5, $0x9E00;
	[tilespmem:s2+$0x75A0] =	vst v0  }
0x24: {  	[tilespmem:s2+$0x7530] =	vst v0  }
0x25: {  	[tilespmem:s2+$0x7540] =	vst v0  }
.Ltmp0:
0x26: {  	[tilespmem:s2+$0x7550] =	vst v0;
	(pc) =	sbr.rel @p0 .LBB2_2-.Ltmp0, $4  }
0x27: {  	[tilespmem:s2+$0x7560] =	vst v0  }
0x28: {  	[tilespmem:s2+$0x7570] =	vst v0  }
0x29: {  	[tilespmem:s2+$0x7580] =	vst v0  }
0x2a: {  	[tilespmem:s2+$0x7590] =	vst v0;
	s2 =	sshra.s32 s5, $0x2;
	s5 =	sadd.s32 $0x200, s5  }
0x2b: {  	[tilespmem:s2+$0x75A0] =	vst v0  }
0x2c: {  	[tilespmem:s2+$0x7530] =	vst v0  }
0x2d: {  	[tilespmem:s2+$0x7540] =	vst v0  }
0x2e: {  	[tilespmem:s2+$0x7550] =	vst v0  }
0x2f: {  	[tilespmem:s2+$0x7560] =	vst v0  }
0x30: {  	[tilespmem:s2+$0x7570] =	vst v0  }
0x31: {  	[tilespmem:s2+$0x7580] =	vst v0  }
0x32: {  	[tilespmem:s2+$0x7590] =	vst v0  }
0x33: {  	[spmem:s8] =	stream.linear.scatter [tilespmem:s21], [sflag:$0x5], $0x2800, $0x38;
	[tilespmem:$0x1FDB0] =	vst v63  }
0x34: {  	_ =	swait.ge [sflag:s18], $0x2800  }
0x35: {  	[sflag:s18] =	ssyncset.done $0x0  }
0x36: {  	[sflag:s18] =	ssyncadd.s32 $0xFFFFD800  }
0x37: {  	[spmem:s12] =	stream.linear.scatter [tilespmem:s21], [sflag:$0x5], $0x2800, $0x38;
	[tilespmem:$0x1FDB0] =	vst v63  }
0x38: {  	_ =	swait.ge [sflag:s18], $0x2800  }
0x39: {  	[sflag:s18] =	ssyncset.done $0x0  }
0x3a: {  	[sflag:s18] =	ssyncadd.s32 $0xFFFFD800  }
0x3b: {  	[spmem:s13] =	stream.linear.scatter [tilespmem:s21], [sflag:$0x5], $0x2800, $0x38;
	[tilespmem:$0x1FDB0] =	vst v63  }
0x3c: {  	_ =	swait.ge [sflag:s18], $0x2800  }
0x3d: {  	[sflag:s18] =	ssyncset.done $0x0  }
0x3e: {  	[sflag:s18] =	ssyncadd.s32 $0xFFFFD800  }
0x3f: {  	[spmem:s14] =	stream.linear.scatter [tilespmem:s21], [sflag:$0x5], $0x2800, $0x38;
	[tilespmem:$0x1FDB0] =	vst v63  }
0x40: {  	_ =	swait.ge [sflag:s18], $0x2800  }
0x41: {  	[sflag:s18] =	ssyncset.done $0x0  }
0x42: {  	[sflag:s18] =	ssyncadd.s32 $0xFFFFD800  }
0x43: {  	[spmem:s15] =	stream.linear.scatter [tilespmem:s21], [sflag:$0x5], $0x2800, $0x38;
	[tilespmem:$0x1FDB0] =	vst v63  }
0x44: {  	_ =	swait.ge [sflag:s18], $0x2800  }
0x45: {  	[sflag:s18] =	ssyncset.done $0x0  }
0x46: {  	[sflag:s18] =	ssyncadd.s32 $0xFFFFD800  }
0x47: {  	[spmem:s16] =	stream.linear.scatter [tilespmem:s21], [sflag:$0x5], $0x2800, $0x38;
	[tilespmem:$0x1FDB0] =	vst v63  }
0x48: {  	_ =	swait.ge [sflag:s18], $0x2800  }
0x49: {  	[sflag:s18] =	ssyncset.done $0x0  }
0x4a: {  	[sflag:s18] =	ssyncadd.s32 $0xFFFFD800  }
0x4b: {  	[spmem:s17] =	stream.linear.scatter [tilespmem:s21], [sflag:$0x5], $0x2800, $0x38;
	[tilespmem:$0x1FDB0] =	vst v63  }
0x4c: {  	_ =	swait.ge [sflag:s18], $0x2800  }
0x4d: {  	[sflag:s18] =	ssyncset.done $0x0  }
0x4e: {  	s31 =	rddreg [dreg:$0x8];
	[sflag:s18] =	ssyncadd.s32 $0xFFFFD800  }
0x4f: {  	[spmem:s31] =	stream.linear.scatter [tilespmem:s21], [sflag:$0x5], $0x2080, $0x38;
	[tilespmem:$0x1FDB0] =	vst v63  }
0x50: {  	_ =	swait.ge [sflag:s18], $0x2080  }
0x51: {  	[sflag:s18] =	ssyncset.done $0x0  }
0x52: {  	[sflag:s18] =	ssyncadd.s32 $0xFFFFDF80  }
0x53: {  	s19 =	simm.s32 $0x0;
	[bflag:$0x0] =	sbarrier.arrive $0xFFFF  }
0x54: {  	[tilespmem:s21], [sflag:$0x1] =	stream.indirect.gather [hbm4b:s4+s22], $0x80, s19, s22, $0xb8;
	[tilespmem:$0x1FDB0] =	vst v63  }
0x55: {  	s30 =	simm.s32 $0x0  }
0x56: {  	[tilespmem:s23], [sflag:$0x2] =	stream.indirect.gather [hbm4b:s4+s22], $0x80, s22, s22, $0xb8;
	[tilespmem:$0x1FDB0] =	vst v63  }
.LBB2_4:
0x57: {  	s5 =	sadd.s32 $0xFFFFFFFC, s19  }
0x58: {  	s31 =	sadd.s32 $0x4, s5  }
0x59: {  	s2 =	sadd.s32 $0x6, s5;
	v2 =	vmov s31  }
0x5a: {  	_ =	swait.ge [sflag:s24], $0x2800;
	v1 =	vmov s2;
	v2 =	vand.u32 $0xFFFFFFFC, v2  }
0x5b: {  	[sflag:s24] =	ssyncset.done $0x0;
	v1 =	vand.u32 $0xFFFFFFFE, v1;
	v2 =	vbroadcast v2, $0x0  }
0x5c: {  	[sflag:s24] =	ssyncadd.s32 $0xFFFFD800;
	s2 =	simm.s32 $0x7630;
	v1 =	vbroadcast v1, $0x0  }
0x5d: {  	v3 =	vld [tilespmem:s2+$0x70]  }
0x5e: {  	v5 =	vld [tilespmem:s2+$0xFFFFFF00]  }
0x5f: {  	s6 =	sadd.s32 $0x5, s5;
	v6 =	vld [tilespmem:s2+$0xFFFFFF10]  }
0x60: {  	v4 =	vmov s6;
	v7 =	vld [tilespmem:s2+$0xFFFFFF20]  }
0x61: {  	v4 =	vand.u32 $0xFFFFFFFD, v4;
	v2 =	vld.idx.msk [tilespmem:v2+s20+$0x0], $0xffff  }
0x62: {  	v4 =	vbroadcast v4, $0x0;
	v1 =	vld.idx.msk [tilespmem:v1+s20+$0x0], $0xffff  }
0x63: {  	v8 =	vld [tilespmem:s2+$0xFFFFFF30]  }
0x64: {  	v9 =	vld [tilespmem:s2+$0xFFFFFF40]  }
0x65: {  	v10 =	vld [tilespmem:s2+$0xFFFFFF50]  }
0x66: {  	v11 =	vld [tilespmem:s2+$0xFFFFFF60];
	v5 =	vmul.f32 v5, v2  }
0x67: {  	v13 =	vld [tilespmem:s2+$0xFFFFFFD0];
	v3 =	vmul.f32 v3, v1  }
0x68: {  	v4 =	vld.idx.msk [tilespmem:v4+s20+$0x0], $0xffff;
	[tilespmem:s2+$0xFFFFFF00] =	vst v5;
	v5 =	vmul.f32 v6, v2  }
0x69: {  	v6 =	vld [tilespmem:s2+$0xFFFFFF70];
	[tilespmem:s2+$0x70] =	vst v3;
	v3 =	vmul.f32 v7, v2  }
0x6a: {  	s5 =	sadd.s32 $0x7, s5;
	v7 =	vld [tilespmem:s2+$0xFFFFFF80];
	[tilespmem:s2+$0xFFFFFF10] =	vst v5;
	v5 =	vmul.f32 v8, v2  }
0x6b: {  	v12 =	vmov s5;
	v8 =	vld [tilespmem:s2+$0xFFFFFF90];
	[tilespmem:s2+$0xFFFFFF20] =	vst v3;
	v3 =	vmul.f32 v9, v2  }
0x6c: {  	v9 =	vld [tilespmem:s2+$0xFFFFFFA0];
	[tilespmem:s2+$0xFFFFFF30] =	vst v5;
	v5 =	vmul.f32 v10, v2  }
0x6d: {  	v10 =	vld [tilespmem:s2+$0xFFFFFFB0];
	[tilespmem:s2+$0xFFFFFF40] =	vst v3;
	v3 =	vmul.f32 v11, v2  }
0x6e: {  	v11 =	vld [tilespmem:s2+$0xFFFFFFC0];
	v6 =	vmul.f32 v6, v2;
	[tilespmem:s2+$0xFFFFFF50] =	vst v5  }
0x6f: {  	v14 =	vld [tilespmem:s2+$0xFFFFFFE0];
	v5 =	vmul.f32 v7, v4;
	[tilespmem:s2+$0xFFFFFF60] =	vst v3  }
0x70: {  	v2 =	vld.idx.msk [tilespmem:v12+s20+$0x0], $0xffff;
	v3 =	vmul.f32 v8, v4;
	[tilespmem:s2+$0xFFFFFF70] =	vst v6  }
0x71: {  	v8 =	vld [tilespmem:s2+$0xFFFFFFF0];
	[tilespmem:s2+$0xFFFFFF80] =	vst v5;
	v5 =	vmul.f32 v9, v4  }
0x72: {  	v7 =	vld [tilespmem:s2+$0x0];
	[tilespmem:s2+$0xFFFFFF90] =	vst v3;
	v3 =	vmul.f32 v10, v4  }
0x73: {  	v6 =	vld [tilespmem:s2+$0x10];
	v9 =	vmul.f32 v11, v4;
	[tilespmem:s2+$0xFFFFFFA0] =	vst v5  }
0x74: {  	v10 =	vmul.f32 v13, v4;
	v5 =	vld [tilespmem:s2+$0x20];
	[tilespmem:s2+$0xFFFFFFB0] =	vst v3  }
0x75: {  	[tilespmem:s2+$0xFFFFFFC0] =	vst v9;
	v3 =	vld [tilespmem:s2+$0x30];
	v9 =	vmul.f32 v14, v4  }
0x76: {  	s6 =	simm.s32 $0x0;
	s5 =	simm.s32 $0x7630;
	[tilespmem:s2+$0xFFFFFFD0] =	vst v10;
	v8 =	vmul.f32 v8, v4;
	v4 =	vld [tilespmem:s2+$0x40]  }
.LBB2_5:
0x77: {  	s7 =	sadd.s32 s6, s19;
	s6 =	sadd.s32 $0x4, s6;
	[tilespmem:s2+$0xFFFFFFE0] =	vst v9;
	v7 =	vmul.f32 v7, v1;
	v9 =	vld [tilespmem:s2+$0x50]  }
0x78: {  	s31 =	sadd.s32 $0x4, s7;
	s9 =	sadd.s32 $0x6, s7;
	p0 =	slt.u32 s6, $0x4C;
	[tilespmem:s2+$0xFFFFFFF0] =	vst v8;
	v6 =	vmul.f32 v6, v1;
	v8 =	vld [tilespmem:s2+$0x60]  }
0x79: {  	v10 =	vmov s31;
	s31 =	sadd.s32 $0x5, s7;
	v11 =	vmov s9;
	s7 =	sadd.s32 $0x7, s7;
	[tilespmem:s2+$0x0] =	vst v7;
	v5 =	vmul.f32 v5, v1;
	v7 =	vld [tilespmem:s2+$0x80]  }
0x7a: {  	v10 =	vand.u32 $0xFFFFFFFC, v10;
	v12 =	vmov s31;
	v11 =	vand.u32 $0xFFFFFFFE, v11;
	[tilespmem:s2+$0x10] =	vst v6;
	v6 =	vld [tilespmem:s2+$0x90]  }
0x7b: {  	v10 =	vbroadcast v10, $0x0;
	v12 =	vand.u32 $0xFFFFFFFD, v12;
	v11 =	vbroadcast v11, $0x0;
	[tilespmem:s2+$0x20] =	vst v5;
	v5 =	vld [tilespmem:s2+$0xA0]  }
0x7c: {  	v13 =	vmov s7;
	v3 =	vmul.f32 v3, v1;
	v12 =	vbroadcast v12, $0x0;
	v14 =	vld [tilespmem:s2+$0xB0]  }
0x7d: {  	v4 =	vmul.f32 v4, v1;
	v9 =	vmul.f32 v9, v1;
	v15 =	vld [tilespmem:s2+$0xC0]  }
0x7e: {  	[tilespmem:s2+$0x30] =	vst v3;
	v3 =	vmul.f32 v8, v1;
	v7 =	vmul.f32 v7, v2;
	v8 =	vld [tilespmem:s2+$0xD0]  }
0x7f: {  	[tilespmem:s2+$0x40] =	vst v4;
	v4 =	vmul.f32 v6, v2;
	v6 =	vld [tilespmem:s2+$0xE0]  }
0x80: {  	[tilespmem:s2+$0x50] =	vst v9;
	v5 =	vmul.f32 v5, v2;
	v9 =	vld [tilespmem:s2+$0xF0]  }
0x81: {  	s2 =	sadd.s32 $0x200, s2;
	v1 =	vld.idx.msk [tilespmem:v11+s20+$0x0], $0xffff;
	[tilespmem:s5+$0x60] =	vst v3;
	v3 =	vmul.f32 v14, v2  }
0x82: {  	v11 =	vld [tilespmem:s2+$0x70];
	[tilespmem:s5+$0x80] =	vst v7;
	v7 =	vmul.f32 v15, v2  }
0x83: {  	v10 =	vld.idx.msk [tilespmem:v10+s20+$0x0], $0xffff;
	[tilespmem:s5+$0x90] =	vst v4;
	v4 =	vmul.f32 v8, v2  }
0x84: {  	v8 =	vld.idx.msk [tilespmem:v12+s20+$0x0], $0xffff;
	[tilespmem:s5+$0xA0] =	vst v5;
	v5 =	vmul.f32 v6, v2  }
0x85: {  	[tilespmem:s5+$0xB0] =	vst v3;
	v3 =	vmul.f32 v9, v2;
	v2 =	vld.idx.msk [tilespmem:v13+s20+$0x0], $0xffff  }
0x86: {  	v6 =	vld [tilespmem:s2+$0xFFFFFF00];
	[tilespmem:s5+$0xC0] =	vst v7  }
0x87: {  	v7 =	vld [tilespmem:s2+$0xFFFFFF10];
	v9 =	vmul.f32 v11, v1;
	[tilespmem:s5+$0xD0] =	vst v4  }
0x88: {  	v4 =	vld [tilespmem:s2+$0xFFFFFF20];
	[tilespmem:s5+$0xE0] =	vst v5  }
0x89: {  	v5 =	vld [tilespmem:s2+$0xFFFFFF30];
	[tilespmem:s2+$0x70] =	vst v9  }
0x8a: {  	v9 =	vld [tilespmem:s2+$0xFFFFFF40];
	[tilespmem:s5+$0xF0] =	vst v3;
	s5 =	smov.u32 s2  }
0x8b: {  	v3 =	vmul.f32 v6, v10;
	v6 =	vld [tilespmem:s2+$0xFFFFFF50]  }
0x8c: {  	v7 =	vmul.f32 v7, v10;
	v11 =	vld [tilespmem:s2+$0xFFFFFF60]  }
0x8d: {  	[tilespmem:s2+$0xFFFFFF00] =	vst v3;
	v3 =	vmul.f32 v4, v10;
	v4 =	vld [tilespmem:s2+$0xFFFFFF70]  }
0x8e: {  	[tilespmem:s2+$0xFFFFFF10] =	vst v7;
	v5 =	vmul.f32 v5, v10;
	v7 =	vld [tilespmem:s2+$0xFFFFFF80]  }
0x8f: {  	[tilespmem:s2+$0xFFFFFF20] =	vst v3;
	v3 =	vmul.f32 v9, v10;
	v9 =	vld [tilespmem:s2+$0xFFFFFF90]  }
0x90: {  	[tilespmem:s2+$0xFFFFFF30] =	vst v5;
	v5 =	vmul.f32 v6, v10;
	v6 =	vld [tilespmem:s2+$0xFFFFFFA0]  }
0x91: {  	[tilespmem:s2+$0xFFFFFF40] =	vst v3;
	v3 =	vmul.f32 v11, v10;
	v11 =	vld [tilespmem:s2+$0xFFFFFFB0]  }
0x92: {  	[tilespmem:s2+$0xFFFFFF50] =	vst v5;
	v4 =	vmul.f32 v4, v10;
	v5 =	vld [tilespmem:s2+$0xFFFFFFC0]  }
0x93: {  	[tilespmem:s2+$0xFFFFFF60] =	vst v3;
	v3 =	vmul.f32 v7, v8;
	v10 =	vld [tilespmem:s2+$0xFFFFFFD0]  }
0x94: {  	[tilespmem:s2+$0xFFFFFF70] =	vst v4;
	v4 =	vmul.f32 v9, v8;
	v9 =	vld [tilespmem:s2+$0xFFFFFFE0]  }
0x95: {  	[tilespmem:s2+$0xFFFFFF80] =	vst v3;
	v3 =	vmul.f32 v6, v8;
	v12 =	vld [tilespmem:s2+$0xFFFFFFF0]  }
.Ltmp1:
0x96: {  	[tilespmem:s2+$0xFFFFFF90] =	vst v4;
	v4 =	vmul.f32 v11, v8;
	v7 =	vld [tilespmem:s2+$0x0];
	(pc) =	sbr.rel @p0 .LBB2_5-.Ltmp1, $4  }
0x97: {  	[tilespmem:s2+$0xFFFFFFA0] =	vst v3;
	v3 =	vmul.f32 v5, v8;
	v6 =	vld [tilespmem:s2+$0x10]  }
0x98: {  	[tilespmem:s2+$0xFFFFFFB0] =	vst v4;
	v4 =	vmul.f32 v10, v8;
	v5 =	vld [tilespmem:s2+$0x20]  }
0x99: {  	[tilespmem:s2+$0xFFFFFFC0] =	vst v3;
	v9 =	vmul.f32 v9, v8;
	v3 =	vld [tilespmem:s2+$0x30]  }
0x9a: {  	[tilespmem:s2+$0xFFFFFFD0] =	vst v4;
	v8 =	vmul.f32 v12, v8;
	v4 =	vld [tilespmem:s2+$0x40]  }
0x9b: {  	v10 =	vld [tilespmem:s2+$0x50];
	[tilespmem:s2+$0xFFFFFFE0] =	vst v9;
	v7 =	vmul.f32 v7, v1  }
0x9c: {  	v9 =	vld [tilespmem:s2+$0x60];
	[tilespmem:s2+$0xFFFFFFF0] =	vst v8;
	v6 =	vmul.f32 v6, v1  }
0x9d: {  	v8 =	vld [tilespmem:s2+$0x80];
	[tilespmem:s2+$0x0] =	vst v7;
	v5 =	vmul.f32 v5, v1  }
0x9e: {  	v7 =	vld [tilespmem:s2+$0x90];
	[tilespmem:s2+$0x10] =	vst v6;
	v3 =	vmul.f32 v3, v1  }
0x9f: {  	v6 =	vld [tilespmem:s2+$0xA0];
	[tilespmem:s2+$0x20] =	vst v5;
	v4 =	vmul.f32 v4, v1  }
0xa0: {  	v5 =	vld [tilespmem:s2+$0xB0];
	v10 =	vmul.f32 v10, v1;
	[tilespmem:s2+$0x30] =	vst v3  }
0xa1: {  	v11 =	vld [tilespmem:s2+$0xC0];
	v1 =	vmul.f32 v9, v1;
	[tilespmem:s2+$0x40] =	vst v4  }
0xa2: {  	v3 =	vld [tilespmem:s2+$0xD0];
	v4 =	vmul.f32 v8, v2;
	[tilespmem:s2+$0x50] =	vst v10  }
0xa3: {  	v8 =	vld [tilespmem:s2+$0xE0];
	v7 =	vmul.f32 v7, v2;
	[tilespmem:s5+$0x60] =	vst v1  }
0xa4: {  	v9 =	vld [tilespmem:s2+$0xF0];
	v1 =	vmul.f32 v6, v2;
	[tilespmem:s5+$0x80] =	vst v4  }
0xa5: {  	v4 =	vmul.f32 v5, v2;
	[tilespmem:s5+$0x90] =	vst v7  }
0xa6: {  	v5 =	vmul.f32 v11, v2;
	[tilespmem:s5+$0xA0] =	vst v1  }
0xa7: {  	v1 =	vmul.f32 v3, v2;
	[tilespmem:s5+$0xB0] =	vst v4  }
0xa8: {  	s7 =	smul.u32 $0x280, s30;
	v3 =	vmul.f32 v8, v2;
	[tilespmem:s5+$0xC0] =	vst v5  }
0xa9: {  	v2 =	vmul.f32 v9, v2;
	[tilespmem:s5+$0xD0] =	vst v1  }
0xaa: {  	s6 =	sadd.s32 $0xFFFFFFFC, s19;
	s31 =	sshra.s32 s7, $0x2;
	[tilespmem:s5+$0xE0] =	vst v3  }
0xab: {  	s10 =	sadd.s32 $0x56, s6;
	s11 =	sadd.s32 $0x54, s6;
	s9 =	sadd.s32 $0x2710, s31;
	[tilespmem:s5+$0xF0] =	vst v2  }
0xac: {  	v4 =	vmov s10;
	[spmem:s1] =	stream.indirect.scatter.add.f32 [tilespmem:s21], [sflag:$0x3], $0x80, s9, s22, $0xb8;
	[tilespmem:$0x1FDB0] =	vst v63  }
0xad: {  	v1 =	vand.u32 $0xFFFFFFFE, v4;
	v3 =	vmov s11;
	_ =	swait.ge [sflag:s26], $0x2800  }
0xae: {  	v1 =	vbroadcast v1, $0x0;
	v2 =	vand.u32 $0xFFFFFFFC, v3;
	[sflag:s26] =	ssyncset.done $0x0  }
0xaf: {  	s2 =	simm.s32 $0x9E30;
	v2 =	vbroadcast v2, $0x0;
	[sflag:s26] =	ssyncadd.s32 $0xFFFFD800  }
0xb0: {  	v3 =	vld [tilespmem:s2+$0x70]  }
0xb1: {  	v5 =	vld [tilespmem:s2+$0xFFFFFF00]  }
0xb2: {  	s10 =	sadd.s32 $0x55, s6;
	v6 =	vld [tilespmem:s2+$0xFFFFFF10]  }
0xb3: {  	v4 =	vmov s10;
	v7 =	vld [tilespmem:s2+$0xFFFFFF20]  }
0xb4: {  	v4 =	vand.u32 $0xFFFFFFFD, v4;
	v1 =	vld.idx.msk [tilespmem:v1+s20+$0x0], $0xffff  }
0xb5: {  	v4 =	vbroadcast v4, $0x0;
	v2 =	vld.idx.msk [tilespmem:v2+s20+$0x0], $0xffff  }
0xb6: {  	v8 =	vld [tilespmem:s2+$0xFFFFFF30]  }
0xb7: {  	v9 =	vld [tilespmem:s2+$0xFFFFFF40]  }
0xb8: {  	v10 =	vld [tilespmem:s2+$0xFFFFFF50]  }
0xb9: {  	v11 =	vld [tilespmem:s2+$0xFFFFFF60];
	v3 =	vmul.f32 v3, v1  }
0xba: {  	v13 =	vld [tilespmem:s2+$0xFFFFFFD0];
	v5 =	vmul.f32 v5, v2  }
0xbb: {  	v4 =	vld.idx.msk [tilespmem:v4+s20+$0x0], $0xffff;
	[tilespmem:s2+$0x70] =	vst v3;
	v3 =	vmul.f32 v7, v2  }
0xbc: {  	[tilespmem:s2+$0xFFFFFF00] =	vst v5;
	v5 =	vmul.f32 v6, v2;
	v6 =	vld [tilespmem:s2+$0xFFFFFF70]  }
0xbd: {  	s11 =	sadd.s32 $0x57, s6;
	v7 =	vld [tilespmem:s2+$0xFFFFFF80];
	[tilespmem:s2+$0xFFFFFF20] =	vst v3;
	v3 =	vmul.f32 v9, v2  }
0xbe: {  	v12 =	vmov s11;
	[tilespmem:s2+$0xFFFFFF10] =	vst v5;
	v5 =	vmul.f32 v8, v2;
	v8 =	vld [tilespmem:s2+$0xFFFFFF90]  }
0xbf: {  	v9 =	vld [tilespmem:s2+$0xFFFFFFA0];
	[tilespmem:s2+$0xFFFFFF40] =	vst v3;
	v3 =	vmul.f32 v11, v2  }
0xc0: {  	v11 =	vld [tilespmem:s2+$0xFFFFFFC0];
	[tilespmem:s2+$0xFFFFFF30] =	vst v5;
	v5 =	vmul.f32 v10, v2  }
0xc1: {  	v10 =	vld [tilespmem:s2+$0xFFFFFFB0];
	[tilespmem:s2+$0xFFFFFF60] =	vst v3;
	v6 =	vmul.f32 v6, v2  }
0xc2: {  	v14 =	vld [tilespmem:s2+$0xFFFFFFE0];
	[tilespmem:s2+$0xFFFFFF50] =	vst v5;
	v5 =	vmul.f32 v7, v4  }
0xc3: {  	v2 =	vld.idx.msk [tilespmem:v12+s20+$0x0], $0xffff;
	v3 =	vmul.f32 v8, v4;
	[tilespmem:s2+$0xFFFFFF70] =	vst v6  }
0xc4: {  	v8 =	vld [tilespmem:s2+$0xFFFFFFF0];
	[tilespmem:s2+$0xFFFFFF80] =	vst v5;
	v5 =	vmul.f32 v9, v4  }
0xc5: {  	v7 =	vld [tilespmem:s2+$0x0];
	v9 =	vmul.f32 v11, v4;
	[tilespmem:s2+$0xFFFFFF90] =	vst v3  }
0xc6: {  	v6 =	vld [tilespmem:s2+$0x10];
	v3 =	vmul.f32 v10, v4;
	[tilespmem:s2+$0xFFFFFFA0] =	vst v5  }
0xc7: {  	v10 =	vmul.f32 v13, v4;
	v5 =	vld [tilespmem:s2+$0x20];
	[tilespmem:s2+$0xFFFFFFC0] =	vst v9  }
0xc8: {  	v9 =	vmul.f32 v14, v4;
	[tilespmem:s2+$0xFFFFFFB0] =	vst v3;
	v3 =	vld [tilespmem:s2+$0x30]  }
0xc9: {  	s7 =	simm.s32 $0x0;
	s5 =	sshllo.u32 s30, $0x1;
	s6 =	simm.s32 $0x9E30;
	[tilespmem:s2+$0xFFFFFFD0] =	vst v10;
	v8 =	vmul.f32 v8, v4;
	v4 =	vld [tilespmem:s2+$0x40]  }
.LBB2_7:
0xca: {  	s9 =	sadd.s32 s7, s19;
	s7 =	sadd.s32 $0x4, s7;
	[tilespmem:s2+$0xFFFFFFE0] =	vst v9;
	v7 =	vmul.f32 v7, v1;
	v9 =	vld [tilespmem:s2+$0x50]  }
0xcb: {  	s10 =	sadd.s32 $0x54, s9;
	s11 =	sadd.s32 $0x56, s9;
	p0 =	slt.u32 s7, $0x4C;
	[tilespmem:s2+$0xFFFFFFF0] =	vst v8;
	v6 =	vmul.f32 v6, v1;
	v8 =	vld [tilespmem:s2+$0x60]  }
0xcc: {  	v10 =	vmov s10;
	s10 =	sadd.s32 $0x55, s9;
	v11 =	vmov s11;
	s9 =	sadd.s32 $0x57, s9;
	[tilespmem:s2+$0x0] =	vst v7;
	v5 =	vmul.f32 v5, v1;
	v7 =	vld [tilespmem:s2+$0x80]  }
0xcd: {  	v10 =	vand.u32 $0xFFFFFFFC, v10;
	v12 =	vmov s10;
	v11 =	vand.u32 $0xFFFFFFFE, v11;
	[tilespmem:s2+$0x10] =	vst v6;
	v6 =	vld [tilespmem:s2+$0x90]  }
0xce: {  	v10 =	vbroadcast v10, $0x0;
	v12 =	vand.u32 $0xFFFFFFFD, v12;
	v11 =	vbroadcast v11, $0x0;
	[tilespmem:s2+$0x20] =	vst v5;
	v5 =	vld [tilespmem:s2+$0xA0]  }
0xcf: {  	v13 =	vmov s9;
	v3 =	vmul.f32 v3, v1;
	v12 =	vbroadcast v12, $0x0;
	v14 =	vld [tilespmem:s2+$0xB0]  }
0xd0: {  	v4 =	vmul.f32 v4, v1;
	v9 =	vmul.f32 v9, v1;
	v15 =	vld [tilespmem:s2+$0xC0]  }
0xd1: {  	[tilespmem:s2+$0x30] =	vst v3;
	v3 =	vmul.f32 v8, v1;
	v7 =	vmul.f32 v7, v2;
	v8 =	vld [tilespmem:s2+$0xD0]  }
0xd2: {  	[tilespmem:s2+$0x40] =	vst v4;
	v4 =	vmul.f32 v6, v2;
	v6 =	vld [tilespmem:s2+$0xE0]  }
0xd3: {  	[tilespmem:s2+$0x50] =	vst v9;
	v5 =	vmul.f32 v5, v2;
	v9 =	vld [tilespmem:s2+$0xF0]  }
0xd4: {  	s2 =	sadd.s32 $0x200, s2;
	v1 =	vld.idx.msk [tilespmem:v11+s20+$0x0], $0xffff;
	[tilespmem:s6+$0x60] =	vst v3;
	v3 =	vmul.f32 v14, v2  }
0xd5: {  	v11 =	vld [tilespmem:s2+$0x70];
	[tilespmem:s6+$0x80] =	vst v7;
	v7 =	vmul.f32 v15, v2  }
0xd6: {  	v10 =	vld.idx.msk [tilespmem:v10+s20+$0x0], $0xffff;
	[tilespmem:s6+$0x90] =	vst v4;
	v4 =	vmul.f32 v8, v2  }
0xd7: {  	v8 =	vld.idx.msk [tilespmem:v12+s20+$0x0], $0xffff;
	[tilespmem:s6+$0xA0] =	vst v5;
	v5 =	vmul.f32 v6, v2  }
0xd8: {  	[tilespmem:s6+$0xB0] =	vst v3;
	v3 =	vmul.f32 v9, v2;
	v2 =	vld.idx.msk [tilespmem:v13+s20+$0x0], $0xffff  }
0xd9: {  	v6 =	vld [tilespmem:s2+$0xFFFFFF00];
	[tilespmem:s6+$0xC0] =	vst v7  }
0xda: {  	v7 =	vld [tilespmem:s2+$0xFFFFFF10];
	v9 =	vmul.f32 v11, v1;
	[tilespmem:s6+$0xD0] =	vst v4  }
0xdb: {  	v4 =	vld [tilespmem:s2+$0xFFFFFF20];
	[tilespmem:s6+$0xE0] =	vst v5  }
0xdc: {  	v5 =	vld [tilespmem:s2+$0xFFFFFF30];
	[tilespmem:s2+$0x70] =	vst v9  }
0xdd: {  	v9 =	vld [tilespmem:s2+$0xFFFFFF40];
	[tilespmem:s6+$0xF0] =	vst v3;
	s6 =	smov.u32 s2  }
0xde: {  	v3 =	vmul.f32 v6, v10;
	v6 =	vld [tilespmem:s2+$0xFFFFFF50]  }
0xdf: {  	v7 =	vmul.f32 v7, v10;
	v11 =	vld [tilespmem:s2+$0xFFFFFF60]  }
0xe0: {  	[tilespmem:s2+$0xFFFFFF00] =	vst v3;
	v3 =	vmul.f32 v4, v10;
	v4 =	vld [tilespmem:s2+$0xFFFFFF70]  }
0xe1: {  	[tilespmem:s2+$0xFFFFFF10] =	vst v7;
	v5 =	vmul.f32 v5, v10;
	v7 =	vld [tilespmem:s2+$0xFFFFFF80]  }
0xe2: {  	[tilespmem:s2+$0xFFFFFF20] =	vst v3;
	v3 =	vmul.f32 v9, v10;
	v9 =	vld [tilespmem:s2+$0xFFFFFF90]  }
0xe3: {  	[tilespmem:s2+$0xFFFFFF30] =	vst v5;
	v5 =	vmul.f32 v6, v10;
	v6 =	vld [tilespmem:s2+$0xFFFFFFA0]  }
0xe4: {  	[tilespmem:s2+$0xFFFFFF40] =	vst v3;
	v3 =	vmul.f32 v11, v10;
	v11 =	vld [tilespmem:s2+$0xFFFFFFB0]  }
0xe5: {  	[tilespmem:s2+$0xFFFFFF50] =	vst v5;
	v4 =	vmul.f32 v4, v10;
	v5 =	vld [tilespmem:s2+$0xFFFFFFC0]  }
0xe6: {  	[tilespmem:s2+$0xFFFFFF60] =	vst v3;
	v3 =	vmul.f32 v7, v8;
	v10 =	vld [tilespmem:s2+$0xFFFFFFD0]  }
0xe7: {  	[tilespmem:s2+$0xFFFFFF70] =	vst v4;
	v4 =	vmul.f32 v9, v8;
	v9 =	vld [tilespmem:s2+$0xFFFFFFE0]  }
0xe8: {  	[tilespmem:s2+$0xFFFFFF80] =	vst v3;
	v3 =	vmul.f32 v6, v8;
	v12 =	vld [tilespmem:s2+$0xFFFFFFF0]  }
.Ltmp2:
0xe9: {  	[tilespmem:s2+$0xFFFFFF90] =	vst v4;
	v4 =	vmul.f32 v11, v8;
	v7 =	vld [tilespmem:s2+$0x0];
	(pc) =	sbr.rel @p0 .LBB2_7-.Ltmp2, $4  }
0xea: {  	[tilespmem:s2+$0xFFFFFFA0] =	vst v3;
	v3 =	vmul.f32 v5, v8;
	v6 =	vld [tilespmem:s2+$0x10]  }
0xeb: {  	[tilespmem:s2+$0xFFFFFFB0] =	vst v4;
	v4 =	vmul.f32 v10, v8;
	v5 =	vld [tilespmem:s2+$0x20]  }
0xec: {  	[tilespmem:s2+$0xFFFFFFC0] =	vst v3;
	v9 =	vmul.f32 v9, v8;
	v3 =	vld [tilespmem:s2+$0x30]  }
0xed: {  	[tilespmem:s2+$0xFFFFFFD0] =	vst v4;
	v8 =	vmul.f32 v12, v8;
	v4 =	vld [tilespmem:s2+$0x40]  }
0xee: {  	v10 =	vld [tilespmem:s2+$0x50]  }
0xef: {  	[tilespmem:s2+$0xFFFFFFE0] =	vst v9;
	v7 =	vmul.f32 v7, v1;
	v54 =	vld [tilespmem:s2+$0x60]  }
0xf0: {  	v55 =	vld [tilespmem:s2+$0x80];
	[tilespmem:s2+$0xFFFFFFF0] =	vst v8;
	v6 =	vmul.f32 v6, v1  }
0xf1: {  	v56 =	vld [tilespmem:s2+$0x90];
	[tilespmem:s2+$0x0] =	vst v7;
	v5 =	vmul.f32 v5, v1  }
0xf2: {  	v57 =	vld [tilespmem:s2+$0xA0];
	[tilespmem:s2+$0x10] =	vst v6;
	v3 =	vmul.f32 v3, v1  }
0xf3: {  	v58 =	vld [tilespmem:s2+$0xB0];
	[tilespmem:s2+$0x20] =	vst v5;
	v4 =	vmul.f32 v4, v1  }
0xf4: {  	v11 =	vld [tilespmem:s2+$0xC0];
	v10 =	vmul.f32 v10, v1;
	[tilespmem:s2+$0x30] =	vst v3  }
0xf5: {  	v60 =	vld [tilespmem:s2+$0xE0];
	v59 =	vmul.f32 v55, v2;
	[tilespmem:s2+$0x40] =	vst v4  }
0xf6: {  	v3 =	vld [tilespmem:s2+$0xD0];
	v7 =	vmul.f32 v56, v2;
	[tilespmem:s2+$0x50] =	vst v10  }
0xf7: {  	v61 =	vld [tilespmem:s2+$0xF0];
	v1 =	vmul.f32 v54, v1;
	[tilespmem:s6+$0x80] =	vst v59  }
0xf8: {  	v62 =	vmul.f32 v58, v2;
	[tilespmem:s6+$0x90] =	vst v7  }
0xf9: {  	[tilespmem:s6+$0x60] =	vst v1;
	v1 =	vmul.f32 v57, v2  }
0xfa: {  	v63 =	vmul.f32 v11, v2;
	[tilespmem:s6+$0xB0] =	vst v62  }
0xfb: {  	[tilespmem:s6+$0xA0] =	vst v1;
	v1 =	vmul.f32 v3, v2  }
0xfc: {  	s11 =	smul.u32 $0x140, s5;
	[tilespmem:s6+$0xC0] =	vst v63;
	v3 =	vmul.f32 v60, v2  }
0xfd: {  	v2 =	vmul.f32 v61, v2;
	[tilespmem:s6+$0xD0] =	vst v1  }
0xfe: {  	p0 =	seq.s32 s30, $0x3D;
	s2 =	sshra.s32 s11, $0x2;
	[tilespmem:s6+$0xE0] =	vst v3  }
.Ltmp3:
0xff: {  	s2 =	sadd.s32 $0x2710, s2;
	[tilespmem:s6+$0xF0] =	vst v2;
	(pc) =	sbr.rel @p0 .LBB2_10-.Ltmp3, $4  }
0x100: {  	[spmem:s1] =	stream.indirect.scatter.add.f32 [tilespmem:s23], [sflag:$0x4], $0x80, s2, s22, $0xb8;
	[tilespmem:$0x1FDB0] =	vst v63  }
0x101: {  	_ =	swait.ge [sflag:s28], $0x2800  }
0x102: {  	[sflag:s28] =	ssyncset.done $0x0  }
0x103: {  	[sflag:s28] =	ssyncadd.s32 $0xFFFFD800  }
0x104: {  	s2 =	sadd.s32 $0xA0, s31  }
0x105: {  	[tilespmem:s21], [sflag:$0x1] =	stream.indirect.gather [hbm4b:s4+s22], $0x80, s2, s22, $0xb8;
	[tilespmem:$0x1FDB0] =	vst v63  }
.Ltmp4:
0x106: {  	_ = 	snop;
	(pc) =	sbr.rel .LBB2_4-.Ltmp4, $4  }
0x107: {  	_ =	swait.ge [sflag:s29], $0x2800  }
0x108: {  	s31 =	sadd.s32 $0xF0, s31;
	[sflag:s29] =	ssyncset.done $0x0  }
0x109: {  	s30 =	sadd.s32 $0x1, s30;
	s19 =	sadd.s32 $0xA0, s19;
	[sflag:s29] =	ssyncadd.s32 $0xFFFFD800  }
0x10a: {  	[tilespmem:s23], [sflag:$0x2] =	stream.indirect.gather [hbm4b:s4+s22], $0x80, s31, s22, $0xb8;
	[tilespmem:$0x1FDB0] =	vst v63  }
.LBB2_10:
0x10b: {  	s2 =	simm.s32 $0x26C0  }
0x10c: {  	s11 =	simm.s32 $0x26C2;
	_ =	swait.ge [sflag:s29], $0x2800;
	v1 =	vmov s2  }
0x10d: {  	v2 =	vmov s11;
	[sflag:s29] =	ssyncset.done $0x0;
	v1 =	vand.u32 $0xFFFFFFFC, v1  }
0x10e: {  	s19 =	simm.s32 $0x26C0;
	v2 =	vand.u32 $0xFFFFFFFE, v2;
	[sflag:s29] =	ssyncadd.s32 $0xFFFFD800;
	v1 =	vbroadcast v1, $0x0  }
0x10f: {  	v2 =	vbroadcast v2, $0x0;
	[tilespmem:s21], [sflag:$0x1] =	stream.indirect.gather [hbm4b:s4+s22], $0x80, s19, s22, $0xb8;
	[tilespmem:$0x1FDB0] =	vst v63  }
0x110: {  	_ =	swait.ge [sflag:s24], $0x2800  }
0x111: {  	[sflag:s24] =	ssyncset.done $0x0  }
0x112: {  	s19 =	simm.s32 $0x7630;
	[sflag:s24] =	ssyncadd.s32 $0xFFFFD800  }
0x113: {  	v4 =	vld [tilespmem:s19+$0x70]  }
0x114: {  	s30 =	simm.s32 $0x26C1;
	v3 =	vld.idx.msk [tilespmem:v1+s20+$0x0], $0xffff  }
0x115: {  	v1 =	vld.idx.msk [tilespmem:v2+s20+$0x0], $0xffff;
	v2 =	vmov s30  }
0x116: {  	v5 =	vld [tilespmem:s19+$0xFFFFFF00];
	v2 =	vand.u32 $0xFFFFFFFD, v2  }
0x117: {  	v6 =	vld [tilespmem:s19+$0xFFFFFF10];
	v2 =	vbroadcast v2, $0x0  }
0x118: {  	v7 =	vld [tilespmem:s19+$0xFFFFFF20]  }
0x119: {  	v8 =	vld [tilespmem:s19+$0xFFFFFF30]  }
0x11a: {  	v9 =	vld [tilespmem:s19+$0xFFFFFF40]  }
0x11b: {  	v10 =	vld [tilespmem:s19+$0xFFFFFF50]  }
0x11c: {  	v11 =	vld [tilespmem:s19+$0xFFFFFF60];
	v5 =	vmul.f32 v5, v3  }
0x11d: {  	v12 =	vld.idx.msk [tilespmem:v2+s20+$0x0], $0xffff;
	v2 =	vmul.f32 v4, v1  }
0x11e: {  	[tilespmem:s19+$0xFFFFFF00] =	vst v5;
	v5 =	vld [tilespmem:s19+$0xFFFFFF70];
	v4 =	vmul.f32 v6, v3  }
0x11f: {  	v6 =	vld [tilespmem:s19+$0xFFFFFF80];
	[tilespmem:s19+$0x70] =	vst v2;
	v2 =	vmul.f32 v7, v3  }
0x120: {  	s31 =	simm.s32 $0x26C3;
	[tilespmem:s19+$0xFFFFFF10] =	vst v4;
	v4 =	vmul.f32 v8, v3;
	v7 =	vld [tilespmem:s19+$0xFFFFFF90]  }
0x121: {  	v8 =	vmov s31;
	[tilespmem:s19+$0xFFFFFF20] =	vst v2;
	v2 =	vmul.f32 v9, v3;
	v9 =	vld [tilespmem:s19+$0xFFFFFFA0]  }
0x122: {  	[tilespmem:s19+$0xFFFFFF30] =	vst v4;
	v4 =	vmul.f32 v10, v3;
	v10 =	vld [tilespmem:s19+$0xFFFFFFB0]  }
0x123: {  	[tilespmem:s19+$0xFFFFFF40] =	vst v2;
	v2 =	vmul.f32 v11, v3;
	v11 =	vld [tilespmem:s19+$0xFFFFFFC0]  }
0x124: {  	[tilespmem:s19+$0xFFFFFF50] =	vst v4;
	v4 =	vmul.f32 v6, v12;
	v6 =	vld [tilespmem:s19+$0xFFFFFFD0]  }
0x125: {  	v3 =	vmul.f32 v5, v3;
	v5 =	vld [tilespmem:s19+$0xFFFFFFE0];
	[tilespmem:s19+$0xFFFFFF60] =	vst v2  }
0x126: {  	v7 =	vmul.f32 v7, v12;
	v2 =	vld.idx.msk [tilespmem:v8+s20+$0x0], $0xffff;
	[tilespmem:s19+$0xFFFFFF80] =	vst v4  }
0x127: {  	[tilespmem:s19+$0xFFFFFF70] =	vst v3;
	v8 =	vld [tilespmem:s19+$0xFFFFFFF0];
	v3 =	vmul.f32 v9, v12  }
0x128: {  	[tilespmem:s19+$0xFFFFFF90] =	vst v7;
	v4 =	vmul.f32 v10, v12;
	v10 =	vld [tilespmem:s19+$0x0]  }
0x129: {  	v7 =	vld [tilespmem:s19+$0x10];
	[tilespmem:s19+$0xFFFFFFA0] =	vst v3;
	v3 =	vmul.f32 v11, v12  }
0x12a: {  	[tilespmem:s19+$0xFFFFFFB0] =	vst v4;
	v4 =	vmul.f32 v6, v12;
	v6 =	vld [tilespmem:s19+$0x20]  }
0x12b: {  	[tilespmem:s19+$0xFFFFFFC0] =	vst v3;
	v3 =	vmul.f32 v5, v12;
	v5 =	vld [tilespmem:s19+$0x30]  }
0x12c: {  	[tilespmem:s19+$0xFFFFFFD0] =	vst v4;
	v4 =	vld [tilespmem:s19+$0x40];
	v9 =	vmul.f32 v8, v12  }
0x12d: {  	s5 =	simm.s32 $0x0;
	s2 =	simm.s32 $0x7630;
	v8 =	vmul.f32 v10, v1;
	[tilespmem:s19+$0xFFFFFFE0] =	vst v3;
	v3 =	vld [tilespmem:s19+$0x50]  }
.LBB2_11:
0x12e: {  	s6 =	sadd.s32 $0x26C7, s5;
	[tilespmem:s19+$0xFFFFFFF0] =	vst v9;
	v7 =	vmul.f32 v7, v1;
	v9 =	vld [tilespmem:s19+$0x60]  }
0x12f: {  	s7 =	sadd.s32 $0x26C4, s5;
	s9 =	sadd.s32 $0x26C5, s5;
	v10 =	vmov s6;
	[tilespmem:s19+$0x0] =	vst v8;
	v6 =	vmul.f32 v6, v1;
	v8 =	vld [tilespmem:s19+$0x80]  }
0x130: {  	v11 =	vmov s7;
	v12 =	vmov s9;
	[tilespmem:s19+$0x10] =	vst v7;
	v5 =	vmul.f32 v5, v1;
	v7 =	vld [tilespmem:s19+$0x90]  }
0x131: {  	s6 =	sadd.s32 $0x26C6, s5;
	s5 =	sadd.s32 $0x4, s5;
	v11 =	vand.u32 $0xFFFFFFFC, v11;
	v12 =	vand.u32 $0xFFFFFFFD, v12;
	[tilespmem:s19+$0x20] =	vst v6;
	v4 =	vmul.f32 v4, v1;
	v6 =	vld [tilespmem:s19+$0xA0]  }
0x132: {  	v13 =	vmov s6;
	p0 =	slt.u32 s5, $0x4C;
	v11 =	vbroadcast v11, $0x0;
	[tilespmem:s19+$0x30] =	vst v5;
	v3 =	vmul.f32 v3, v1;
	v5 =	vld [tilespmem:s19+$0xB0]  }
0x133: {  	v12 =	vbroadcast v12, $0x0;
	v13 =	vand.u32 $0xFFFFFFFE, v13;
	[tilespmem:s19+$0x40] =	vst v4;
	v1 =	vmul.f32 v9, v1;
	v4 =	vld [tilespmem:s19+$0xC0]  }
0x134: {  	v9 =	vbroadcast v13, $0x0;
	[tilespmem:s19+$0x50] =	vst v3;
	v3 =	vmul.f32 v8, v2;
	v8 =	vld [tilespmem:s19+$0xD0]  }
0x135: {  	[tilespmem:s19+$0x60] =	vst v1;
	v1 =	vmul.f32 v7, v2;
	v7 =	vld [tilespmem:s19+$0xE0]  }
0x136: {  	[tilespmem:s19+$0x80] =	vst v3;
	v3 =	vmul.f32 v6, v2;
	v6 =	vld [tilespmem:s19+$0xF0]  }
0x137: {  	v10 =	vld.idx.msk [tilespmem:v10+s20+$0x0], $0xffff;
	[tilespmem:s19+$0x90] =	vst v1;
	v1 =	vmul.f32 v5, v2  }
0x138: {  	v5 =	vld.idx.msk [tilespmem:v11+s20+$0x0], $0xffff;
	[tilespmem:s19+$0xA0] =	vst v3;
	v3 =	vmul.f32 v4, v2  }
0x139: {  	v4 =	vld.idx.msk [tilespmem:v12+s20+$0x0], $0xffff;
	[tilespmem:s19+$0xB0] =	vst v1;
	v8 =	vmul.f32 v8, v2  }
0x13a: {  	s19 =	sadd.s32 $0x200, s19;
	v1 =	vld.idx.msk [tilespmem:v9+s20+$0x0], $0xffff;
	[tilespmem:s2+$0xC0] =	vst v3;
	v3 =	vmul.f32 v7, v2  }
0x13b: {  	v7 =	vld [tilespmem:s19+$0x70];
	[tilespmem:s2+$0xD0] =	vst v8;
	v8 =	vmul.f32 v6, v2  }
0x13c: {  	v6 =	vld [tilespmem:s19+$0xFFFFFF00];
	[tilespmem:s2+$0xE0] =	vst v3  }
0x13d: {  	v2 =	vmov v10;
	v3 =	vld [tilespmem:s19+$0xFFFFFF10];
	[tilespmem:s2+$0xF0] =	vst v8;
	s2 =	smov.u32 s19  }
0x13e: {  	v8 =	vld [tilespmem:s19+$0xFFFFFF20]  }
0x13f: {  	v9 =	vld [tilespmem:s19+$0xFFFFFF30]  }
0x140: {  	v10 =	vld [tilespmem:s19+$0xFFFFFF40];
	v7 =	vmul.f32 v7, v1  }
0x141: {  	v6 =	vmul.f32 v6, v5;
	v11 =	vld [tilespmem:s19+$0xFFFFFF50]  }
0x142: {  	v3 =	vmul.f32 v3, v5;
	v12 =	vld [tilespmem:s19+$0xFFFFFF60];
	[tilespmem:s19+$0x70] =	vst v7  }
0x143: {  	[tilespmem:s19+$0xFFFFFF00] =	vst v6;
	v6 =	vmul.f32 v8, v5;
	v7 =	vld [tilespmem:s19+$0xFFFFFF70]  }
0x144: {  	[tilespmem:s19+$0xFFFFFF10] =	vst v3;
	v3 =	vmul.f32 v9, v5;
	v8 =	vld [tilespmem:s19+$0xFFFFFF80]  }
0x145: {  	[tilespmem:s19+$0xFFFFFF20] =	vst v6;
	v6 =	vmul.f32 v10, v5;
	v9 =	vld [tilespmem:s19+$0xFFFFFF90]  }
0x146: {  	[tilespmem:s19+$0xFFFFFF30] =	vst v3;
	v3 =	vmul.f32 v11, v5;
	v10 =	vld [tilespmem:s19+$0xFFFFFFA0]  }
0x147: {  	[tilespmem:s19+$0xFFFFFF40] =	vst v6;
	v6 =	vmul.f32 v12, v5;
	v11 =	vld [tilespmem:s19+$0xFFFFFFB0]  }
0x148: {  	[tilespmem:s19+$0xFFFFFF50] =	vst v3;
	v3 =	vmul.f32 v7, v5;
	v5 =	vld [tilespmem:s19+$0xFFFFFFC0]  }
0x149: {  	[tilespmem:s19+$0xFFFFFF60] =	vst v6;
	v6 =	vmul.f32 v8, v4;
	v8 =	vld [tilespmem:s19+$0xFFFFFFD0]  }
0x14a: {  	[tilespmem:s19+$0xFFFFFF70] =	vst v3;
	v3 =	vmul.f32 v9, v4;
	v9 =	vld [tilespmem:s19+$0xFFFFFFE0]  }
0x14b: {  	[tilespmem:s19+$0xFFFFFF80] =	vst v6;
	v6 =	vmul.f32 v10, v4;
	v10 =	vld [tilespmem:s19+$0xFFFFFFF0]  }
0x14c: {  	[tilespmem:s19+$0xFFFFFF90] =	vst v3;
	v3 =	vmul.f32 v11, v4;
	v11 =	vld [tilespmem:s19+$0x0]  }
.Ltmp5:
0x14d: {  	[tilespmem:s19+$0xFFFFFFA0] =	vst v6;
	v5 =	vmul.f32 v5, v4;
	v7 =	vld [tilespmem:s19+$0x10];
	(pc) =	sbr.rel @p0 .LBB2_11-.Ltmp5, $4  }
0x14e: {  	[tilespmem:s19+$0xFFFFFFB0] =	vst v3;
	v3 =	vmul.f32 v8, v4;
	v6 =	vld [tilespmem:s19+$0x20]  }
0x14f: {  	[tilespmem:s19+$0xFFFFFFC0] =	vst v5;
	v8 =	vmul.f32 v9, v4;
	v5 =	vld [tilespmem:s19+$0x30]  }
0x150: {  	[tilespmem:s19+$0xFFFFFFD0] =	vst v3;
	v9 =	vmul.f32 v10, v4;
	v4 =	vld [tilespmem:s19+$0x40]  }
0x151: {  	[tilespmem:s19+$0xFFFFFFE0] =	vst v8;
	v8 =	vmul.f32 v11, v1;
	v3 =	vld [tilespmem:s19+$0x50]  }
0x152: {  	[tilespmem:s19+$0xFFFFFFF0] =	vst v9;
	v7 =	vmul.f32 v7, v1;
	v55 =	vld [tilespmem:s19+$0x80]  }
0x153: {  	v10 =	vld [tilespmem:s19+$0x60];
	[tilespmem:s19+$0x0] =	vst v8;
	v6 =	vmul.f32 v6, v1  }
0x154: {  	v56 =	vld [tilespmem:s19+$0x90];
	[tilespmem:s19+$0x10] =	vst v7;
	v5 =	vmul.f32 v5, v1  }
0x155: {  	v57 =	vld [tilespmem:s19+$0xA0];
	[tilespmem:s19+$0x20] =	vst v6;
	v4 =	vmul.f32 v4, v1  }
0x156: {  	v58 =	vld [tilespmem:s19+$0xB0];
	[tilespmem:s19+$0x30] =	vst v5;
	v3 =	vmul.f32 v3, v1  }
0x157: {  	v59 =	vld [tilespmem:s19+$0xC0];
	[tilespmem:s19+$0x40] =	vst v4;
	v60 =	vmul.f32 v55, v2  }
0x158: {  	v61 =	vld [tilespmem:s19+$0xD0];
	v1 =	vmul.f32 v10, v1;
	[tilespmem:s19+$0x50] =	vst v3  }
0x159: {  	v8 =	vmul.f32 v56, v2;
	v3 =	vld [tilespmem:s19+$0xE0];
	[tilespmem:s19+$0x80] =	vst v60  }
0x15a: {  	v62 =	vld [tilespmem:s19+$0xF0];
	[tilespmem:s19+$0x60] =	vst v1;
	v1 =	vmul.f32 v57, v2  }
0x15b: {  	v6 =	vmul.f32 v58, v2;
	[tilespmem:s19+$0x90] =	vst v8  }
0x15c: {  	[tilespmem:s19+$0xA0] =	vst v1;
	v1 =	vmul.f32 v59, v2  }
0x15d: {  	v63 =	vmul.f32 v61, v2;
	[tilespmem:s19+$0xB0] =	vst v6  }
0x15e: {  	[tilespmem:s2+$0xC0] =	vst v1;
	v1 =	vmul.f32 v3, v2  }
0x15f: {  	[tilespmem:s2+$0xD0] =	vst v63;
	v2 =	vmul.f32 v62, v2  }
0x160: {  	[tilespmem:s2+$0xE0] =	vst v1  }
0x161: {  	s19 =	simm.s32 $0x4DD0;
	[tilespmem:s2+$0xF0] =	vst v2  }
0x162: {  	[spmem:s1] =	stream.indirect.scatter.add.f32 [tilespmem:s21], [sflag:$0x3], $0x80, s19, s22, $0xb8;
	[tilespmem:$0x1FDB0] =	vst v63  }
0x163: {  	_ =	swait.ge [sflag:s28], $0x2800  }
0x164: {  	[sflag:s28] =	ssyncset.done $0x0  }
0x165: {  	s30 =	stileid.u32;
	[sflag:s28] =	ssyncadd.s32 $0xFFFFD800  }
0x166: {  	s2 =	sshll.u32 s30, $0x6;
	[bflag:$0x0] =	sbarrier.arrive $0xFFFF  }
0x167: {  	s2 =	sor.u32 $0x1C05, s2;
	s5 =	rddreg [dreg:$0x9]  }
0x168: {  	[hbm:s5], [sflag:s2] =	dma.local [spmem:s25], $0x2710  }
0x169: {  	_ =	swait.ge [sflag:s18], $0x2710  }
0x16a: {  	s0 =	sadd.s32 $0x1, s0;
	s31 =	rddreg [dreg:$0xa]  }
0x16b: {  	p0 =	sne.s32 s0, s31  }
.Ltmp6:
0x16c: {  	_ = 	snop;
	(pc) =	sbr.rel @p0 .LBB2_1-.Ltmp6, $3  }
0x16d: {  	_ =	sdelay $0x1  }
0x16e: {  	[sflag:s18] =	ssyncset.done $0x0  }
0x16f: {  	[sflag:s18] =	ssyncadd.s32 $0xFFFFD8F0  }
0x170: {  	_ =	sfence.sel $0x180000  }
0x171: {  	[bflag:$0x0] =	sbarrier.arrive $0xFFFF  }
0x172: {  	_ =	strace $0x9000004D  }
0x173: {  	s0 =	stileid.u32;
	[bflag:$0x2] =	sbarrier.arrive $0xFFFF  }
0x174: {  	p0 =	sne.s32 s0, $0x0;
	s0 =	rddreg [dreg:$0x4]  }
0x175: {  	s0 =	sadd.s32 @!p0 $0x100000, s0  }
0x176: {  	[sflag:s0] =	ssyncadd.tile.s32 @!p0 $0x1;
	_ =	shalt  }
.Lfunc_end2:
_tile_overlayer_lowered:
.L_overlay_start_2:
0x177: {  	(tag) =	ssettag $0x2  }
0x178: {  	s0 =	rddreg [dreg:$0x0];
	s2 =	stileid.u32  }
0x179: {  	s1 =	rddreg [dreg:$0x1];
	p0 =	sne.s32 s2, $0x0  }
0x17a: {  	s3 =	rddreg [dreg:$0x2];
	[bflag:$0x3] =	sbarrier.arrive $0xFFFF;
	s2 =	simm.s32 @!p0 $0x1C05  }
0x17b: {  	[timem:s3], [sflag:s2] =	dma.local @!p0 [hbm:s0], s1  }
0x17c: {  	s0 =	simm.s32 @!p0 $0x5  }
0x17d: {  	_ =	swait.ge @!p0 [sflag:s0], s1  }
0x17e: {  	s1 =	ssub.s32 @!p0 $0x0, s1;
	[sflag:s0] =	ssyncset.done @!p0 $0x0  }
0x17f: {  	[sflag:s0] =	ssyncadd.s32 @!p0 s1  }
0x180: {  	[bflag:$0x3] =	sbarrier.arrive $0xFFFF  }
0x181: {  	_ =	shalt  }

// kernel: kernel.9.cloned.1.call-start
scs
__scs_entry_jumppad:
0x0: {  	(pc) =	sbr.rel $0x88, $3  }
0x1: {  	(tag) =	ssettag $0x0;
	lr =	simm.s32 $0x1  }
0x2: {  	[smem:$0x3F9A] =	sst lr;
	_ =	strace $0xD0000000  }
0x3: {  	_ = 	snop  }
0x4: {  	_ = 	snop  }
0x5: {  	_ = 	snop  }
0x6: {  	_ = 	snop  }
0x7: {  	_ = 	snop  }
__scs_overlays_trampoline_lowered:
0x8: {  	[smem:$0x3FA9] =	sst s0  }
0x9: {  	[smem:$0x3FAA] =	sst s1  }
0xa: {  	[smem:$0x3FAB] =	sst s2  }
0xb: {  	[smem:$0x3FAC] =	sst s3  }
0xc: {  	[smem:$0x3FAD] =	sst s4  }
0xd: {  	[smem:$0x3FAE] =	sst s5  }
0xe: {  	[smem:$0x3FAF] =	sst s6  }
0xf: {  	[smem:$0x3FB0] =	sst s7  }
0x10: {  	[smem:$0x3FB1] =	sst s8  }
0x11: {  	[smem:$0x3FB2] =	sst s9;
	s0 =	simm.s32 @!p0 $0x0  }
0x12: {  	s1 =	sld [smem:$0x3F98];
	s0 =	simm.s32 @p0 $0x1  }
0x13: {  	[smem:$0x3FB3] =	sst s0;
	s0 =	simm.s32 @!p1 $0x0  }
0x14: {  	s2 =	sld [smem:$0x3F97];
	s0 =	simm.s32 @p1 $0x1  }
0x15: {  	[smem:$0x3FB4] =	sst s0;
	s0 =	simm.s32 @!p2 $0x0  }
0x16: {  	s3 =	sld [smem:$0x3FDB];
	s0 =	simm.s32 @p2 $0x1  }
0x17: {  	s4 =	simm.s32 $0x1BF5;
	[smem:$0x3FB6] =	sst s0  }
0x18: {  	s0 =	sld [smem:$0x3F99];
	_ =	swait.ge [sflag:s4], $0x0  }
0x19: {  	s7 =	sld [smem:$0x3F9A]  }
0x1a: {  	s8 =	sadd.s32 $0xFFFFE003, lr  }
0x1b: {  	s9 =	sadd.s32 $0xFFFFFEF7, lr;
	s5 =	simm.s32 $0xFFFFFFFF;
	p2 =	slt.u32 s8, $0xFFFFF086  }
0x1c: {  	p1 =	slt.u32 s9, $0xF7A;
	s5 =	simm.s32 @!p2 $0x0  }
0x1d: {  	s5 =	simm.s32 @p1 $0x1;
	p0 =	seq.s32 s7, s2  }
0x1e: {  	s7 =	smul.u32 @!p0 $0xF7A, s2;
	p2 =	seq.s32 @!p0 s5, $0x0  }
0x1f: {  	s9 =	smul.u32 $0xF7A, s1;
	s8 =	simm.s32 @!p0 $0x1BF5;
	p2 =	por !p2, p0  }
0x20: {  	[sflag:s8] =	ssyncset.s32 @!p0 $0xFFFFF086;
	s6 =	sadd.s32 @!p0 s3, s7;
	s7 =	simm.s32 @!p0 $0x108  }
0x21: {  	s3 =	sadd.s32 s3, s9;
	s6 =	sadd.s32 @!p0 $0x88, s6;
	s7 =	simm.s32 @p2 $0x1082  }
0x22: {  	[simem:s7], [sflag:s8] =	dma.local @!p0 [hbm:s6], $0xF7A  }
0x23: {  	s9 =	sor.u32 $0xD0000000, s2;
	s6 =	simm.s32 $0x108;
	_ =	swait.ge @!p0 [sflag:s8], $0x0  }
0x24: {  	s3 =	sadd.s32 $0x88, s3;
	s6 =	simm.s32 @!p1 $0x1082;
	[sflag:s4] =	ssyncset.s32 $0xFFFFF086  }
0x25: {  	[simem:s6], [sflag:s4] =	dma.local [hbm:s3], $0xF7A  }
0x26: {  	[smem:$0x3F9A] =	sst s1;
	(tag) =	ssettag s2;
	_ =	strace s9  }
0x27: {  	s1 =	sld [smem:$0x3FAA]  }
0x28: {  	s2 =	sld [smem:$0x3FAB]  }
0x29: {  	s4 =	sld [smem:$0x3FAD]  }
0x2a: {  	p0 =	seq.s32 s5, $0x0;
	s5 =	sld [smem:$0x3FAE]  }
0x2b: {  	s6 =	sld [smem:$0x3FAF]  }
0x2c: {  	s7 =	sld [smem:$0x3FB0]  }
0x2d: {  	s3 =	simm.s32 $0x108;
	s8 =	sld [smem:$0x3FB1]  }
0x2e: {  	s3 =	simm.s32 @!p0 $0x1082;
	s9 =	sld [smem:$0x3FB2]  }
0x2f: {  	lr =	sadd.s32 s0, s3;
	s0 =	sld [smem:$0x3FA9]  }
0x30: {  	s3 =	sld [smem:$0x3FAC]  }
0x31: {  	[smem:$0x3FB5] =	sst s10  }
0x32: {  	s10 =	sld [smem:$0x3FB3];
	_ =	sdelay $0x3  }
0x33: {  	p0 =	seq.s32 s10, $0x1;
	s10 =	sld [smem:$0x3FB5];
	_ =	sdelay $0x3  }
0x34: {  	[smem:$0x3FB5] =	sst s10  }
0x35: {  	s10 =	sld [smem:$0x3FB4];
	_ =	sdelay $0x3  }
0x36: {  	p1 =	seq.s32 s10, $0x1;
	s10 =	sld [smem:$0x3FB5];
	_ =	sdelay $0x3  }
0x37: {  	[smem:$0x3FB5] =	sst s10  }
0x38: {  	s10 =	sld [smem:$0x3FB6]  }
0x39: {  	_ = 	snop;
	(pc) =	sbr.ind lr, $3  }
0x3a: {  	_ = 	snop  }
0x3b: {  	_ = 	snop  }
0x3c: {  	p2 =	seq.s32 s10, $0x1;
	s10 =	sld [smem:$0x3FB5]  }
0x3d: {  	_ =	shalt  }
0x3e: {  	_ =	shalt  }
0x3f: {  	_ =	shalt  }
0x40: {  	_ =	shalt  }
0x41: {  	_ =	shalt  }
0x42: {  	_ =	shalt  }
0x43: {  	_ =	shalt  }
0x44: {  	_ =	shalt  }
0x45: {  	_ =	shalt  }
0x46: {  	_ =	shalt  }
0x47: {  	_ =	shalt  }
0x48: {  	_ =	shalt  }
0x49: {  	_ =	shalt  }
0x4a: {  	_ =	shalt  }
0x4b: {  	_ =	shalt  }
0x4c: {  	_ =	shalt  }
0x4d: {  	_ =	shalt  }
0x4e: {  	_ =	shalt  }
0x4f: {  	_ =	shalt  }
0x50: {  	_ =	shalt  }
0x51: {  	_ =	shalt  }
0x52: {  	_ =	shalt  }
0x53: {  	_ =	shalt  }
0x54: {  	_ =	shalt  }
0x55: {  	_ =	shalt  }
0x56: {  	_ =	shalt  }
0x57: {  	_ =	shalt  }
0x58: {  	_ =	shalt  }
0x59: {  	_ =	shalt  }
0x5a: {  	_ =	shalt  }
0x5b: {  	_ =	shalt  }
0x5c: {  	_ =	shalt  }
0x5d: {  	_ =	shalt  }
0x5e: {  	_ =	shalt  }
0x5f: {  	_ =	shalt  }
0x60: {  	_ =	shalt  }
0x61: {  	_ =	shalt  }
0x62: {  	_ =	shalt  }
0x63: {  	_ =	shalt  }
0x64: {  	_ =	shalt  }
0x65: {  	_ =	shalt  }
0x66: {  	_ =	shalt  }
0x67: {  	_ =	shalt  }
0x68: {  	_ =	shalt  }
0x69: {  	_ =	shalt  }
0x6a: {  	_ =	shalt  }
0x6b: {  	_ =	shalt  }
0x6c: {  	_ =	shalt  }
0x6d: {  	_ =	shalt  }
0x6e: {  	_ =	shalt  }
0x6f: {  	_ =	shalt  }
0x70: {  	_ =	shalt  }
0x71: {  	_ =	shalt  }
0x72: {  	_ =	shalt  }
0x73: {  	_ =	shalt  }
0x74: {  	_ =	shalt  }
0x75: {  	_ =	shalt  }
0x76: {  	_ =	shalt  }
0x77: {  	_ =	shalt  }
0x78: {  	_ =	shalt  }
0x79: {  	_ =	shalt  }
0x7a: {  	_ =	shalt  }
0x7b: {  	_ =	shalt  }
0x7c: {  	_ =	shalt  }
0x7d: {  	_ =	shalt  }
0x7e: {  	_ =	shalt  }
0x7f: {  	_ =	shalt  }
0x80: {  	_ =	shalt  }
0x81: {  	_ =	shalt  }
0x82: {  	_ =	shalt  }
0x83: {  	_ =	shalt  }
0x84: {  	_ =	shalt  }
0x85: {  	_ =	shalt  }
0x86: {  	_ =	shalt  }
0x87: {  	_ =	shalt  }
.Lfunc_end0:
.L_simem_size_0:
called_computation_lowered:
.L_overlay_start_0:
0x88: {  	s2 =	sld [smem:$0x3FD9]  }
0x89: {  	s3 =	sld [smem:$0x3FFE];
	_ =	sdelay $0x1  }
0x8a: {  	s1 =	srdreg.scid  }
0x8b: {  	s0 =	sand.u32 $0x1, s1  }
0x8c: {  	s14 =	sshll.u32 s0, $0xA;
	s2 =	sadd.s32 s3, s2  }
0x8d: {  	s2 =	sadd.s32 s2, s14  }
0x8e: {  	[smem:$0x3FC1] =	sst s2  }
0x8f: {  	_ = 	snop  }
0x90: {  	s2 =	sld [smem:$0x3FD0];
	_ =	sdelay $0x2  }
0x91: {  	s4 =	simm.s32 $0xA;
	s5 =	simm.s32 $0x10;
	s15 =	sld [smem:$0x3FC7]  }
0x92: {  	[smem:s5], [sflag:s4] =	dma.local [hbm:s2], $0x1  }
0x93: {  	_ =	swait.eq [sflag:s4], $0x1  }
0x94: {  	[sflag:s4] =	ssyncset.done $0x0  }
0x95: {  	[sflag:s4] =	ssyncadd.s32 $0xFFFFFFFF  }
0x96: {  	s16 =	sld [smem:$0x11];
	(tm) =	ssettm $0x1  }
0x97: {  	s17 =	sld [smem:$0x3FFB];
	_ =	sdelay $0x3  }
0x98: {  	_ =	strace s17  }
0x99: {  	s4 =	sld [smem:$0x3FFC];
	_ =	sdelay $0x3  }
0x9a: {  	_ =	strace s4  }
0x9b: {  	s4 =	sld [smem:$0x3FFD];
	_ =	sdelay $0x3  }
0x9c: {  	_ =	strace s4  }
0x9d: {  	_ =	strace $0x8FFFFFFF  }
0x9e: {  	s18 =	sld [smem:$0x3FDB];
	_ =	sdelay $0x1  }
0x9f: {  	s19 =	simm.s32 $_scs_section_size  }
0xa0: {  	s6 =	simm.s32 $_size__tile_overlayer_lowered;
	s7 =	simm.s32 $_tile_overlayer_lowered  }
0xa1: {  	s22 =	simm.s32 $0x1BFF;
	s21 =	sshll.u32 s7, $0x1;
	s4 =	sadd.s32 s19, s18  }
0xa2: {  	s8 =	simm.s32 $0x0;
	s20 =	sshll.u32 s6, $0x1;
	s6 =	sadd.s32 s21, s4  }
0xa3: {  	[timem:s8], [sflag:s22] =	dma.local [hbm:s6], s20  }
0xa4: {  	_ =	swait.ge [sflag:s22], s20  }
0xa5: {  	s5 =	ssub.s32 $0x0, s20;
	[sflag:s22] =	ssyncset.done $0x0  }
0xa6: {  	[sflag:s22] =	ssyncadd.s32 s5;
	_ =	sdelay $0x1  }
0xa7: {  	s23 =	simm.s32 $0x1B8B  }
0xa8: {  	_ =	swait.ge [sflag:s23], $0x1  }
0xa9: {  	[sflag:s23] =	ssyncset.done $0x0  }
0xaa: {  	s25 =	simm.s32 $0x1B8E;
	s24 =	sld [smem:$0x3FFE];
	[sflag:s23] =	ssyncadd.s32 $0xFFFFFFFF  }
0xab: {  	s26 =	simm.s32 $execute0_lowered;
	[smem:$0x3FD2] =	sst s25  }
0xac: {  	s6 =	sshll.u32 s26, $0x1;
	_ =	strace $0x80000046;
	[dreg:$0x1] =	wrdreg $0xFFFFFFFF  }
0xad: {  	s28 =	simm.s32 $_size_execute0_lowered;
	s4 =	sadd.s32 s4, s6;
	[dreg:$0x0] =	wrdreg $0x0  }
0xae: {  	s6 =	sshll.u32 s28, $0x1;
	[dreg:$0x2] =	wrdreg s4  }
0xaf: {  	[dreg:$0x3] =	wrdreg s6  }
0xb0: {  	[dreg:$0x4] =	wrdreg $0xC0  }
0xb1: {  	_ =	task [dreg:s8], $0x5FFFF  }
0xb2: {  	[dreg:$0x1] =	wrdreg $0xFFFFFFFF  }
0xb3: {  	[dreg:$0x0] =	wrdreg $0x60  }
0xb4: {  	[dreg:$0x2] =	wrdreg s24  }
0xb5: {  	[dreg:$0x3] =	wrdreg s15  }
0xb6: {  	[dreg:$0x4] =	wrdreg s16  }
0xb7: {  	[dreg:$0x5] =	wrdreg $0x9  }
0xb8: {  	_ =	task.clear_ibuf [dreg:s8], $0x6FFFF;
	_ =	strace $0x90000046  }
0xb9: {  	s29 =	simm.s32 $0x9;
	_ =	strace $0x80000048  }
0xba: {  	_ =	swait.ge [sflag:s29], $0x1  }
0xbb: {  	[sflag:s29] =	ssyncadd.s32 $0xFFFFFFFF  }
0xbc: {  	_ =	strace $0x90000048  }
0xbd: {  	_ =	sfence  }
0xbe: {  	s30 =	sld [smem:$0x0];
	_ =	sdelay $0x2  }
0xbf: {  	s31 =	sshll.u32 s1, $0xD;
	s1 =	sshrl.u32 s1, $0x2  }
0xc0: {  	s3 =	sand.u32 $0x4000, s31;
	s1 =	sadd.s32 s1, s30  }
0xc1: {  	s0 =	sor.u32 s3, s0;
	s1 =	sshll.u32 s1, $0x11  }
0xc2: {  	s0 =	sor.u32 s1, s0  }
0xc3: {  	s0 =	sadd.s32 $0x8F2B, s0  }
0xc4: {  	[sflag:s0] =	ssyncadd.remote.s32 $0x1  }
0xc5: {  	_ =	sfence.sel $0xFFFF  }
0xc6: {  	[dreg:$0x0] =	wrdreg $0xFFFFFFFF;
	(pc) =	sbr.abs _section_cstart, $3  }
0xc7: {  	[dreg:$0x1] =	wrdreg $0xFFFFFFFF  }
0xc8: {  	_ =	task.clear_ibuf [dreg:s8], $0x2FFFF;
	_ =	strace $0x9FFFFFFF  }
0xc9: {  	(tm) =	ssettm $0x7FFFFFFF  }
tec
execute0_lowered:
.L_overlay_start_1:
0x0: {  	(tag) =	ssettag $0x1  }
0x1: {  	s4 =	rddreg [dreg:$0x0]  }
0x2: {  	s2 =	rddreg [dreg:$0x1]  }
0x3: {  	s6 =	rddreg [dreg:$0x2]  }
0x4: {  	s0 =	rddreg [dreg:$0x3]  }
0x5: {  	s5 =	srdreg.scid;
	s1 =	stileid.u32  }
0x6: {  	s3 =	simm.s32 $0x0;
	s10 =	simm.s32 $0xFA0;
	s11 =	simm.s32 $0x0  }
0x7: {  	s5 =	sand.u32 $0x1, s5;
	s7 =	sshll.u32 s1, $0x1;
	[smem:$0x7FF] =	sst s3  }
0x8: {  	s4 =	sadd.s32 $0x2A00, s4;
	s8 =	ssub.s32 $0x2, s5;
	s5 =	sor.u32 s5, s7  }
0x9: {  	_ =	strace $0x80000047;
	s31 =	sshrl.u32 s8, $0x1;
	s9 =	smul.u32 $0x500, s5  }
0xa: {  	s5 =	smul.u32 $0x2710, s5;
	s7 =	ssub.s32 s8, s31;
	s8 =	simm.s32 $0x1  }
0xb: {  	v0 =	vimm.f32 $0.0e+00;
	s6 =	sadd.s32 s6, s9;
	s7 =	smax.u32 s7, $0x1;
	s9 =	simm.s32 $0x7D0  }
.LBB2_1:
0xc: {  	s12 =	simm.s32 $0x40;
	s13 =	simm.s32 $0x0  }
.LBB2_2:
0xd: {  	p0 =	sne.s32 s12, $0x9FC0;
	[tilespmem:s13+$0xFA0] =	vst v0;
	s13 =	smov.u32 s12;
	s12 =	sadd.s32 $0x40, s12  }
.Ltmp0:
0xe: {  	(pc) =	sbr.rel @p0 .LBB2_2-.Ltmp0, $2  }
0xf: {  	_ =	sdelay $0x2  }
0x10: {  	s13 =	sshra.s32 s13, $0x2  }
0x11: {  	[tilespmem:s13+$0xFA0] =	vst v0;
	s12 =	simm.s32 $0x0;
	s13 =	simm.s32 $0x0  }
.LBB2_4:
0x12: {  	s14 =	smul.u32 $0x7D0, s13;
	_ =	sdelay $0x1  }
0x13: {  	s14 =	sadd.s32 s5, s14  }
0x14: {  	s14 =	sshrl.u32 s14, $0x3  }
0x15: {  	s15 =	sadd.s32 s4, s14  }
0x16: {  	[tilespmem:s12], [sflag:$0x1] =	stream.linear.gather [hbm4b:s15+s12], $0x7D0, $0x38;
	[tilespmem:$0x37A0] =	vst v63  }
0x17: {  	_ =	swait.ge [sflag:s8], $0x7D0  }
0x18: {  	[sflag:s8] =	ssyncset.done $0x0  }
0x19: {  	s14 =	sadd.s32 s2, s14;
	[sflag:s8] =	ssyncadd.s32 $0xFFFFF830  }
0x1a: {  	[tilespmem:s9], [sflag:$0x1] =	stream.linear.gather [hbm4b:s14+s12], $0x7D0, $0x38;
	[tilespmem:$0x37A0] =	vst v63  }
0x1b: {  	_ =	swait.ge [sflag:s8], $0x7D0  }
0x1c: {  	[sflag:s8] =	ssyncset.done $0x0  }
0x1d: {  	s15 =	simm.s32 $0x0;
	s14 =	simm.s32 $0x40;
	[sflag:s8] =	ssyncadd.s32 $0xFFFFF830  }
.LBB2_5:
0x1e: {  	p0 =	sne.s32 s14, $0x1F00;
	v1 =	vld [tilespmem:s15+$0x0];
	_ =	sdelay $0x2  }
0x1f: {  	v2 =	vld [tilespmem:s15+$0x7D0]  }
.Ltmp1:
0x20: {  	(pc) =	sbr.rel @p0 .LBB2_5-.Ltmp1, $2  }
0x21: {  	_ =	sdelay $0x2  }
0x22: {  	s15 =	sshra.s32 s14, $0x2;
	s14 =	sadd.s32 $0x40, s14;
	[tilespmem:v1+s10+$0x0] =	vst.idx.add.f32.msk $0xffff, v2  }
0x23: {  	v1 =	vld [tilespmem:s15+$0x0];
	_ =	sdelay $0x1  }
0x24: {  	s13 =	sadd.s32 $0x1, s13  }
0x25: {  	v2 =	vld [tilespmem:s15+$0x7D0];
	p0 =	sne.s32 s13, $0x5  }
.Ltmp2:
0x26: {  	_ = 	snop;
	(pc) =	sbr.rel @p0 .LBB2_4-.Ltmp2, $2  }
0x27: {  	_ =	sdelay $0x2  }
0x28: {  	[tilespmem:v1+s10+$0x0] =	vst.idx.add.f32.msk $0xffff, v2  }
0x29: {  	s11 =	sadd.s32 $0x1, s11  }
0x2a: {  	p0 =	sne.s32 s11, s7  }
.Ltmp3:
0x2b: {  	_ = 	snop;
	(pc) =	sbr.rel @p0 .LBB2_1-.Ltmp3, $4  }
0x2c: {  	[hbm4b:s6+s3] =	stream.linear.scatter [tilespmem:s10], [sflag:$0x1], $0x2800, $0x38;
	[tilespmem:$0x37A0] =	vst v63  }
0x2d: {  	_ =	swait.ge [sflag:s8], $0x2800  }
0x2e: {  	[sflag:s8] =	ssyncset.done $0x0  }
0x2f: {  	[sflag:s8] =	ssyncadd.s32 $0xFFFFD800  }
0x30: {  	_ =	sfence.sel $0x180000  }
0x31: {  	[bflag:$0x0] =	sbarrier.arrive $0xFFFF  }
0x32: {  	p0 =	sne.s32 s1, $0x0;
	_ =	strace $0x90000047  }
0x33: {  	s0 =	sadd.s32 @!p0 $0x100000, s0;
	[bflag:$0x2] =	sbarrier.arrive $0xFFFF  }
0x34: {  	[sflag:s0] =	ssyncadd.tile.s32 @!p0 $0x1;
	_ =	shalt  }
.Lfunc_end2:
_tile_overlayer_lowered:
.L_overlay_start_2:
0x35: {  	(tag) =	ssettag $0x2  }
0x36: {  	s0 =	rddreg [dreg:$0x0];
	s2 =	stileid.u32  }
0x37: {  	s1 =	rddreg [dreg:$0x1];
	p0 =	sne.s32 s2, $0x0  }
0x38: {  	s3 =	rddreg [dreg:$0x2];
	[bflag:$0x3] =	sbarrier.arrive $0xFFFF;
	s2 =	simm.s32 @!p0 $0x1C01  }
0x39: {  	[timem:s3], [sflag:s2] =	dma.local @!p0 [hbm:s0], s1  }
0x3a: {  	s0 =	simm.s32 @!p0 $0x1  }
0x3b: {  	_ =	swait.ge @!p0 [sflag:s0], s1  }
0x3c: {  	s1 =	ssub.s32 @!p0 $0x0, s1;
	[sflag:s0] =	ssyncset.done @!p0 $0x0  }
0x3d: {  	[sflag:s0] =	ssyncadd.s32 @!p0 s1  }
0x3e: {  	[bflag:$0x3] =	sbarrier.arrive $0xFFFF  }
0x3f: {  	_ =	shalt  }

</sc_bundles>
